<compile_context>
chip_gen: v7x
topology: tpu7x:2x2x1
jax: 0.10.2.dev20260603
libtpu: 0.0.44.dev20260713+nightly
codegen_flags: <defaults>
</compile_context>

<pallas_src>
import functools

import jax
import jax.numpy as jnp
from jax import lax
from jax.experimental import pallas as pl
from jax.experimental.pallas import tpu as pltpu
from jax.experimental.pallas import tpu_sc as plsc

B, T, N, D, H, MN = 32, 20, 32, 128, 64, 16
TK, SK = 8, 8
J = 1 + MN
SUB = TK * (1 + SK)
ROWS = B * N * SUB
TBL = B * T * N
SIGMA_MIN, SIGMA_MAX = -10.0, 2.0


def _feat_body(s_ref, wf_ref, bf_ref, hraw_ref, stats_ref):
    b = pl.program_id(0)
    x = s_ref[0].reshape(T * N, D)
    wq = wf_ref[...].astype(jnp.bfloat16).astype(jnp.float32)
    hr = jnp.dot(x, wq, preferred_element_type=jnp.float32) + bf_ref[...]
    hraw_ref[0] = hr.reshape(T, N, H)

    @pl.when(b == 0)
    def _():
        stats_ref[...] = jnp.zeros_like(stats_ref)

    stats_ref[0:1] += jnp.sum(hr, axis=0, keepdims=True)
    stats_ref[1:2] += jnp.sum(hr * hr, axis=0, keepdims=True)


def _stage_a(s, W_feat, bf):
    return pl.pallas_call(
        _feat_body,
        grid=(B,),
        in_specs=[
            pl.BlockSpec((1, T, N, D), lambda b: (b, 0, 0, 0)),
            pl.BlockSpec((D, H), lambda b: (0, 0)),
            pl.BlockSpec((1, H), lambda b: (0, 0)),
        ],
        out_specs=[
            pl.BlockSpec((1, T, N, H), lambda b: (b, 0, 0, 0)),
            pl.BlockSpec((8, H), lambda b: (0, 0)),
        ],
        out_shape=[
            jax.ShapeDtypeStruct((B, T, N, H), jnp.float32),
            jax.ShapeDtypeStruct((8, H), jnp.float32),
        ],
    )(s, W_feat, bf)


def _score_body(hraw_ref, kflat_ref, stats_ref, gin_ref, bin_ref, wml_ref,
                bml_ref, mu_ref, lv_ref, st2_ref):
    b = pl.program_id(0)
    cnt = float(B * T * N)
    mean = stats_ref[0:1] / cnt
    var = stats_ref[1:2] / cnt - mean * mean
    std = jnp.sqrt(var + 1e-5)

    hr = hraw_ref[0].reshape(T * N, H)
    hbn = (hr - mean) / std * gin_ref[...] + bin_ref[...]
    wq = wml_ref[...].astype(jnp.bfloat16).astype(jnp.float32)
    hml = jnp.dot(hbn, wq, preferred_element_type=jnp.float32) + bml_ref[...]
    hml3 = hml.reshape(T, N, 2)
    hmuT = hml3[:, :, 0].T
    hlvT = hml3[:, :, 1].T

    kflat = kflat_ref[0]
    onehot = (kflat == lax.broadcasted_iota(jnp.int32, (N * MN, N), 1)
              ).astype(jnp.float32)
    mu_nei = jnp.dot(onehot, hmuT, preferred_element_type=jnp.float32).reshape(N, MN, T)
    lv_nei = jnp.dot(onehot, hlvT, preferred_element_type=jnp.float32).reshape(N, MN, T)
    mu_raw = jnp.concatenate([hmuT.reshape(N, 1, T), mu_nei], axis=1)
    lv_raw = jnp.concatenate([hlvT.reshape(N, 1, T), lv_nei], axis=1)
    mu_ref[0] = mu_raw
    lv_ref[0] = lv_raw

    @pl.when(b == 0)
    def _():
        st2_ref[...] = jnp.zeros_like(st2_ref)

    st2_ref[:, 0:1] += jnp.sum(jnp.sum(mu_raw, axis=2), axis=1, keepdims=True)
    st2_ref[:, 1:2] += jnp.sum(jnp.sum(mu_raw * mu_raw, axis=2), axis=1, keepdims=True)
    st2_ref[:, 2:3] += jnp.sum(jnp.sum(lv_raw, axis=2), axis=1, keepdims=True)
    st2_ref[:, 3:4] += jnp.sum(jnp.sum(lv_raw * lv_raw, axis=2), axis=1, keepdims=True)


def _stage_b(hraw, kflat, stats, gin, bin_, wml, bml):
    return pl.pallas_call(
        _score_body,
        grid=(B,),
        in_specs=[
            pl.BlockSpec((1, T, N, H), lambda b: (b, 0, 0, 0)),
            pl.BlockSpec((1, N * MN, 1), lambda b: (b, 0, 0)),
            pl.BlockSpec((8, H), lambda b: (0, 0)),
            pl.BlockSpec((1, H), lambda b: (0, 0)),
            pl.BlockSpec((1, H), lambda b: (0, 0)),
            pl.BlockSpec((H, 2), lambda b: (0, 0)),
            pl.BlockSpec((1, 2), lambda b: (0, 0)),
        ],
        out_specs=[
            pl.BlockSpec((1, N, J, T), lambda b: (b, 0, 0, 0)),
            pl.BlockSpec((1, N, J, T), lambda b: (b, 0, 0, 0)),
            pl.BlockSpec((N, 8), lambda b: (0, 0)),
        ],
        out_shape=[
            jax.ShapeDtypeStruct((B, N, J, T), jnp.float32),
            jax.ShapeDtypeStruct((B, N, J, T), jnp.float32),
            jax.ShapeDtypeStruct((N, 8), jnp.float32),
        ],
    )(hraw, kflat, stats, gin, bin_, wml, bml)


def _select_body(mu_ref, lv_ref, st2_ref, gmu_ref, bmu_ref, glv_ref, blv_ref,
                 eps_ref, nnei_ref, knei_ref, gidx_ref):
    b = pl.program_id(0)
    cntn = float(B * T * J)
    msum = st2_ref[:, 0:1]; msq = st2_ref[:, 1:2]
    lsum = st2_ref[:, 2:3]; lsq = st2_ref[:, 3:4]
    mmean = msum / cntn
    mstd = jnp.sqrt(msq / cntn - mmean * mmean + 1e-5)
    lmean = lsum / cntn
    lstd = jnp.sqrt(lsq / cntn - lmean * lmean + 1e-5)

    mu = jnp.tanh((mu_ref[0] - mmean.reshape(N, 1, 1)) / mstd.reshape(N, 1, 1)
                  * gmu_ref[...].reshape(N, 1, 1) + bmu_ref[...].reshape(N, 1, 1))
    logvar = jnp.clip((lv_ref[0] - lmean.reshape(N, 1, 1)) / lstd.reshape(N, 1, 1)
                      * glv_ref[...].reshape(N, 1, 1) + blv_ref[...].reshape(N, 1, 1),
                      SIGMA_MIN, SIGMA_MAX)
    dis = eps_ref[0] * jnp.exp(logvar) + mu

    t_sc = dis[:, 0, :]
    s_sc = dis[:, 1:, :]
    mrange = lax.broadcasted_iota(jnp.int32, (N, MN, T), 1)
    nn = nnei_ref[0].reshape(N, 1, 1)
    s_sc = jnp.where(mrange < nn, s_sc, -1e9)

    iota_t = lax.broadcasted_iota(jnp.int32, (N, T), 1)
    iota_t3 = lax.broadcasted_iota(jnp.int32, (N, MN, T), 2)
    iota_m = lax.broadcasted_iota(jnp.int32, (N, MN), 1)
    n_ids = lax.broadcasted_iota(jnp.int32, (N, 1), 0)
    kneif = knei_ref[0].astype(jnp.float32)
    neg_inf = jnp.float32(-jnp.inf)

    ts = t_sc
    tsels = []
    for _ in range(TK):
        mx = jnp.max(ts, axis=1, keepdims=True)
        idx = jnp.min(jnp.where(ts >= mx, iota_t, T), axis=1, keepdims=True)
        tsels.append(idx)
        ts = jnp.where(iota_t == idx, neg_inf, ts)

    cols = []
    for ti in range(TK):
        tsel = tsels[ti]
        rowbase = (b * T + tsel) * N
        cols.append(rowbase + n_ids)
        sel_t = (iota_t3 == tsel.reshape(N, 1, 1)).astype(jnp.float32)
        ss = jnp.sum(s_sc * sel_t, axis=2)
        for _ in range(SK):
            mx = jnp.max(ss, axis=1, keepdims=True)
            midx = jnp.min(jnp.where(ss >= mx, iota_m, MN), axis=1, keepdims=True)
            hit = iota_m == midx
            ss = jnp.where(hit, neg_inf, ss)
            ksel = jnp.sum(jnp.where(hit, kneif, 0.0), axis=1, keepdims=True)
            cols.append(rowbase + ksel.astype(jnp.int32))
    gidx_ref[0] = jnp.concatenate(cols, axis=1)


def _stage_c(mu_raw, lv_raw, st2, gmu, bmu, glv, blv, eps_t, nnei3, k_nei):
    return pl.pallas_call(
        _select_body,
        grid=(B,),
        in_specs=[
            pl.BlockSpec((1, N, J, T), lambda b: (b, 0, 0, 0)),
            pl.BlockSpec((1, N, J, T), lambda b: (b, 0, 0, 0)),
            pl.BlockSpec((N, 8), lambda b: (0, 0)),
            pl.BlockSpec((N, 1), lambda b: (0, 0)),
            pl.BlockSpec((N, 1), lambda b: (0, 0)),
            pl.BlockSpec((N, 1), lambda b: (0, 0)),
            pl.BlockSpec((N, 1), lambda b: (0, 0)),
            pl.BlockSpec((1, N, J, T), lambda b: (b, 0, 0, 0)),
            pl.BlockSpec((1, N, 1), lambda b: (b, 0, 0)),
            pl.BlockSpec((1, N, MN), lambda b: (b, 0, 0)),
        ],
        out_specs=pl.BlockSpec((1, N, SUB), lambda b: (b, 0, 0)),
        out_shape=jax.ShapeDtypeStruct((B, N, SUB), jnp.int32),
    )(mu_raw, lv_raw, st2, gmu, bmu, glv, blv, eps_t, nnei3, k_nei)


_GW = 128


def _sc_gather(table, idx):
    idx2 = idx.reshape(1, ROWS)
    mesh = plsc.VectorSubcoreMesh(core_axis_name="core", subcore_axis_name="subcore")

    @functools.partial(
        pl.kernel,
        out_type=jax.ShapeDtypeStruct((ROWS, H), jnp.float32),
        mesh=mesh,
        compiler_params=pltpu.CompilerParams(use_tc_tiling_on_sc=False),
    )
    def k(x_hbm, i_hbm, o_hbm):
        def body(i_vmem, o_vmem):
            pltpu.sync_copy(x_hbm.at[i_vmem.at[0]], o_vmem)

        pltpu.emit_pipeline(
            body,
            grid=(ROWS // _GW,),
            in_specs=[pl.BlockSpec((1, _GW), index_map=lambda i: (0, i))],
            out_specs=[pl.BlockSpec((_GW, H), index_map=lambda i: (i, 0))],
            core_axis_name=("core", "subcore"),
            dimension_semantics=(pltpu.PARALLEL,),
        )(i_hbm, o_hbm)

    return k(table, idx2)


def _gnn_body(sub_ref, stats_ref, gin_ref, bin_ref, w1_ref, b1_ref, w2_ref,
              b2_ref, w3_ref, b3_ref, out_ref):
    cnt = float(B * T * N)
    mean = stats_ref[0:1] / cnt
    var = stats_ref[1:2] / cnt - mean * mean
    std = jnp.sqrt(var + 1e-5)

    x = (sub_ref[0] - mean) / std * gin_ref[...] + bin_ref[...]
    pools = []
    for w_ref, b_ref in ((w1_ref, b1_ref), (w2_ref, b2_ref), (w3_ref, b3_ref)):
        x3 = x.reshape(N, SUB, H)
        agg = jnp.mean(x3, axis=1, keepdims=True)
        xa = (x3 + agg).reshape(N * SUB, H)
        wq = w_ref[...].astype(jnp.bfloat16).astype(jnp.float32)
        x = jnp.maximum(
            jnp.dot(xa, wq, preferred_element_type=jnp.float32) + b_ref[...],
            0.0)
        pools.append(jnp.mean(x.reshape(N, SUB, H), axis=1))
    out_ref[0] = jnp.concatenate(pools, axis=1)


def _stage_e(sub, stats, gin, bin_, Wg1, bg1, Wg2, bg2, Wg3, bg3):
    wspec = pl.BlockSpec((H, H), lambda b: (0, 0))
    bspec = pl.BlockSpec((1, H), lambda b: (0, 0))
    return pl.pallas_call(
        _gnn_body,
        grid=(B,),
        in_specs=[
            pl.BlockSpec((1, N * SUB, H), lambda b: (b, 0, 0)),
            pl.BlockSpec((8, H), lambda b: (0, 0)),
            bspec, bspec, wspec, bspec, wspec, bspec, wspec, bspec,
        ],
        out_specs=pl.BlockSpec((1, N, 3 * H), lambda b: (b, 0, 0)),
        out_shape=jax.ShapeDtypeStruct((B, N, 3 * H), jnp.float32),
    )(sub, stats, gin, bin_, Wg1, bg1, Wg2, bg2, Wg3, bg3)


def kernel(s, k_nei, n_nei, W_feat, b_feat, g_in, beta_in, W_mu, b_mu, g_mu,
           beta_mu, W_lv, b_lv, g_lv, beta_lv, Wg1, bg1, Wg2, bg2, Wg3, bg3):
    bf = b_feat.reshape(1, H)
    gin = g_in.reshape(1, H)
    bin_ = beta_in.reshape(1, H)
    wml = jnp.concatenate([W_mu, W_lv], axis=1)
    bml = jnp.concatenate([b_mu, b_lv]).reshape(1, 2)
    gmu = g_mu.reshape(N, 1)
    bmu = beta_mu.reshape(N, 1)
    glv = g_lv.reshape(N, 1)
    blv = beta_lv.reshape(N, 1)
    eps = jax.random.normal(jax.random.key(42), (B, N, T, J), dtype=jnp.float32)
    eps_t = jnp.transpose(eps, (0, 1, 3, 2))
    nnei3 = n_nei.reshape(B, N, 1)
    kflat = k_nei.reshape(B, N * MN, 1)

    hraw, stats = _stage_a(s, W_feat, bf)
    mu_raw, lv_raw, st2 = _stage_b(hraw, kflat, stats, gin, bin_, wml, bml)
    gidx = _stage_c(mu_raw, lv_raw, st2, gmu, bmu, glv, blv, eps_t, nnei3, k_nei)
    sub = _sc_gather(hraw.reshape(TBL, H), gidx.reshape(ROWS))
    return _stage_e(sub.reshape(B, N * SUB, H), stats, gin, bin_,
                    Wg1, bg1.reshape(1, H), Wg2, bg2.reshape(1, H),
                    Wg3, bg3.reshape(1, H))

# --- scband reference (transcript-rebuilt; emitter-appended) ---
"""Pipeline reference for scband-base-net-75256416960712 (READ-ONLY COPY).

The authoritative reference and input builder live on the scoring server;
editing this copy changes nothing except your own understanding.
"""

import jax, jax.numpy as jnp
import numpy as np

B, T, N, D, H, MN = 32, 20, 32, 128, 64, 16
T_K, S_K = 8, 8
SIGMA_MIN, SIGMA_MAX = -10.0, 2.0


def _bn(x, gamma, beta, axes):
    m = x.mean(axis=axes, keepdims=True)
    v = x.var(axis=axes, keepdims=True)
    sh = [1] * x.ndim
    ch_axis = [a for a in range(x.ndim) if a not in axes][0]
    sh[ch_axis] = x.shape[ch_axis]
    return (x - m) / jnp.sqrt(v + 1e-5) * gamma.reshape(sh) + beta.reshape(sh)


def setup_inputs(seed: int = 0):
    key = jax.random.key(seed)
    ks = jax.random.split(key, 16)

    def lin(k, fan_in, shape):
        return jax.random.normal(k, shape, dtype=jnp.float32) / np.sqrt(fan_in)

    inp = {}
    inp['s'] = jax.random.normal(ks[0], (B, T, N, D), dtype=jnp.float32)
    inp['k_nei'] = jax.random.randint(ks[1], (B, N, MN), 0, N, dtype=jnp.int32)
    inp['n_nei'] = jax.random.randint(ks[2], (B, N), 1, MN + 1, dtype=jnp.int32)
    inp['W_feat'] = lin(ks[3], D, (D, H)); inp['b_feat'] = jnp.zeros((H,), jnp.float32)
    inp['g_in'] = jnp.ones((H,), jnp.float32); inp['beta_in'] = jnp.zeros((H,), jnp.float32)
    inp['W_mu'] = lin(ks[4], H, (H, 1)); inp['b_mu'] = jnp.zeros((1,), jnp.float32)
    inp['g_mu'] = jnp.ones((N,), jnp.float32); inp['beta_mu'] = jnp.zeros((N,), jnp.float32)
    inp['W_lv'] = lin(ks[5], H, (H, 1)); inp['b_lv'] = jnp.zeros((1,), jnp.float32)
    inp['g_lv'] = jnp.ones((N,), jnp.float32); inp['beta_lv'] = jnp.zeros((N,), jnp.float32)
    inp['Wg1'] = lin(ks[6], H, (H, H)); inp['bg1'] = jnp.zeros((H,), jnp.float32)
    inp['Wg2'] = lin(ks[7], H, (H, H)); inp['bg2'] = jnp.zeros((H,), jnp.float32)
    inp['Wg3'] = lin(ks[8], H, (H, H)); inp['bg3'] = jnp.zeros((H,), jnp.float32)
    return inp


def _forward(s, k_nei, n_nei, W_feat, b_feat, g_in, beta_in, W_mu, b_mu, g_mu, beta_mu, W_lv, b_lv, g_lv, beta_lv, Wg1, bg1, Wg2, bg2, Wg3, bg3):
    # feat_W + inp_bn (BatchNorm2d over hidden channel, training-mode batch stats)
    h = s @ W_feat + b_feat                                 # [B,T,N,H]
    h = _bn(h, g_in, beta_in, (0, 1, 2))
    t_feat = jnp.swapaxes(h, 1, 2)                          # [B,N,T,H]
    # batched_index_select of spatial neighbours: gather h.flatten(1,2) at k_nei + nei_offset
    offs = jnp.arange(0, T * N, N, dtype=jnp.int32).reshape(1, T, 1, 1)
    k_neis = jnp.broadcast_to(k_nei[:, None], (B, T, N, MN))
    idx = (k_neis + offs).reshape(B, T * N * MN)
    flat = h.reshape(B, T * N, H)
    s_feat = jnp.take_along_axis(flat, idx[:, :, None], axis=1).reshape(B, T, N, MN, H)
    feat = jnp.concatenate([t_feat[:, :, :, None, :], jnp.swapaxes(s_feat, 1, 2)], axis=3)  # [B,N,T,1+MN,H]
    # mu / logvar heads with BatchNorm2d over the task channel (axis=1)
    mu_raw = (feat @ W_mu + b_mu)[..., 0]                   # [B,N,T,1+MN]
    mu = jnp.tanh(_bn(mu_raw, g_mu, beta_mu, (0, 2, 3)))
    lv_raw = (feat @ W_lv + b_lv)[..., 0]
    logvar = jnp.clip(_bn(lv_raw, g_lv, beta_lv, (0, 2, 3)), SIGMA_MIN, SIGMA_MAX)
    var = jnp.exp(logvar)
    eps = jax.random.normal(jax.random.key(42), mu.shape, dtype=jnp.float32)
    dis = eps * var + mu
    # sample_subG: top-k temporal anchors and spatial neighbours per task node
    t_scores = dis[..., 0]                                  # [B,N,T]
    s_scores = dis[..., 1:]                                 # [B,N,T,MN]
    nei_mask = jnp.arange(MN)[None, None, None, :] < n_nei[:, :, None, None]
    s_scores = jnp.where(nei_mask, s_scores, -1e9)
    _, t_idx = jax.lax.top_k(t_scores, T_K)                 # [B,N,T_K]
    _, s_idx = jax.lax.top_k(s_scores, S_K)                 # [B,N,T,S_K]
    center = jnp.take_along_axis(t_feat, t_idx[..., None], axis=2)          # [B,N,T_K,H]
    s_feat_n = jnp.swapaxes(s_feat, 1, 2)                                   # [B,N,T,MN,H]
    nbr = jnp.take_along_axis(s_feat_n, s_idx[..., None], axis=3)           # [B,N,T,S_K,H]
    nbr = jnp.take_along_axis(nbr, t_idx[:, :, :, None, None], axis=2)      # [B,N,T_K,S_K,H]
    sub = jnp.concatenate([center[:, :, :, None, :], nbr], axis=3)          # [B,N,T_K,1+S_K,H]
    x = sub.reshape(B, N, T_K * (1 + S_K), H)
    # InfoGraph-style 3-layer GNN over each sampled (dense) subgraph; concat mean-pooled layer outputs
    pools = []
    for Wg, bg in ((Wg1, bg1), (Wg2, bg2), (Wg3, bg3)):
        agg = x.mean(axis=2, keepdims=True)
        x = jax.nn.relu((x + agg) @ Wg + bg)
        pools.append(x.mean(axis=2))
    l_enc = jnp.concatenate(pools, axis=-1)                 # [B,N,3H]
    return l_enc


def reference(s, k_nei, n_nei, W_feat, b_feat, g_in, beta_in, W_mu, b_mu, g_mu, beta_mu, W_lv, b_lv, g_lv, beta_lv, Wg1, bg1, Wg2, bg2, Wg3, bg3):
    return _forward(s, k_nei, n_nei, W_feat, b_feat, g_in, beta_in, W_mu, b_mu, g_mu, beta_mu, W_lv, b_lv, g_lv, beta_lv, Wg1, bg1, Wg2, bg2, Wg3, bg3)

if __name__ == "__main__":
    import jax
    _d = setup_inputs()
    print(jax.jit(kernel)(*tuple(_d.values())))

</pallas_src>

<mosaic_0001>
#map = affine_map<(d0, d1) -> (0, 0)>
module attributes {stable_mosaic.version = 14 : i64} {
  func.func @k(%arg0: i32, %arg1: i32, %arg2: memref<20480x64xf32, #tpu.memory_space<hbm>>, %arg3: memref<1x73728xi32, #tpu.memory_space<hbm>>, %arg4: memref<73728x64xf32, #tpu.memory_space<hbm>>) attributes {dimension_semantics = [#tpu.dimension_semantics<core_parallel>, #tpu.dimension_semantics<subcore_parallel>], iteration_bounds = array<i64: 2, 16>, scalar_prefetch = 0 : i64, scratch_operands = 0 : i64, tpu.core_type = #tpu.core_type<sc_vector_subcore>, window_params = [{transform_indices = #map}, {transform_indices = #map}, {transform_indices = #map}]} {
    %mul3A = arith.constant 1 : i32
    %mul3A_0 = arith.muli %arg1, %mul3A : i32
    %add3A = arith.constant 0 : i32
    %add3A_1 = arith.addi %add3A, %mul3A_0 : i32
    %mul3A_2 = arith.constant 16 : i32
    %mul3A_3 = arith.muli %arg0, %mul3A_2 : i32
    %add3A_4 = arith.addi %add3A_1, %mul3A_3 : i32
    %mul3A_5 = arith.constant 18 : i32
    %mul3A_6 = arith.muli %add3A_4, %mul3A_5 : i32
    "tpu.region"() ({
      %run_scoped3A = memref.alloca() : memref<2x1x128xi32, #tpu.memory_space<vmem>>
      %run_scoped3A_7 = tpu.sem_alloc : memref<2x!tpu.dma_semaphore, #tpu.memory_space<semaphore_mem>>
      %run_scoped3A_8 = memref.alloca() : memref<2x128x64xf32, #tpu.memory_space<vmem>>
      %run_scoped3A_9 = tpu.sem_alloc : memref<2x!tpu.dma_semaphore, #tpu.memory_space<semaphore_mem>>
      %add3A_10 = arith.constant 0 : i32
      %add3A_11 = arith.addi %add3A_10, %mul3A_6 : i32
      %select_n3A = arith.constant true
      %select_n3A_12 = arith.constant 0 : i32
      %select_n3A_13 = arith.constant -1 : i32
      %select_n3A_14 = arith.select %select_n3A, %select_n3A_13, %select_n3A_12 : i32
      %eq3A = arith.constant -1 : i32
      %eq3A_15 = arith.cmpi eq, %select_n3A_14, %eq3A : i32
      %select_n3A_16 = arith.constant 17 : i32
      %select_n3A_17 = arith.select %eq3A_15, %select_n3A_16, %select_n3A_14 : i32
      %add3A_18 = arith.addi %select_n3A_17, %mul3A_6 : i32
      %select_n3A_19 = arith.constant true
      %select_n3A_20 = arith.constant 0 : i32
      %select_n3A_21 = arith.constant 1 : i32
      %select_n3A_22 = arith.select %select_n3A_19, %select_n3A_21, %select_n3A_20 : i32
      %eq3A_23 = arith.constant 18 : i32
      %eq3A_24 = arith.cmpi eq, %select_n3A_22, %eq3A_23 : i32
      %select_n3A_25 = arith.constant 0 : i32
      %select_n3A_26 = arith.select %eq3A_24, %select_n3A_25, %select_n3A_22 : i32
      %add3A_27 = arith.addi %select_n3A_26, %mul3A_6 : i32
      %add3A_28 = arith.constant 1 : i32
      %add3A_29 = arith.addi %select_n3A_26, %add3A_28 : i32
      %select_n3A_30 = arith.constant true
      %select_n3A_31 = arith.select %select_n3A_30, %add3A_29, %select_n3A_26 : i32
      %eq3A_32 = arith.constant 18 : i32
      %eq3A_33 = arith.cmpi eq, %select_n3A_31, %eq3A_32 : i32
      %select_n3A_34 = arith.constant 0 : i32
      %select_n3A_35 = arith.select %eq3A_33, %select_n3A_34, %select_n3A_31 : i32
      %add3A_36 = arith.addi %select_n3A_35, %mul3A_6 : i32
      "tpu.trace_start"() <{level = 10 : i32, message = "ep_initialize_0"}> : () -> ()
      %rem3A = arith.constant 0 : i32
      %rem3A_37 = arith.constant 2 : i32
      %rem3A_38 = arith.remui %rem3A, %rem3A_37 : i32
      %mul3A_39 = arith.constant 128 : i32
      %mul3A_40 = arith.muli %mul3A_39, %add3A_11 : i32
      %dma_start3A = arith.constant 0 : i32
      %dma_start3A_41 = arith.constant 0 : i32
      %dma_start3A_42 = tpu.memref_slice %run_scoped3A[%rem3A_38, %dma_start3A, %dma_start3A_41] : memref<2x1x128xi32, #tpu.memory_space<vmem>> -> memref<1x1x128xi32, #tpu.memory_space<vmem>>
      %dma_start3A_43 = tpu.memref_squeeze %dma_start3A_42 : memref<1x1x128xi32, #tpu.memory_space<vmem>> -> memref<1x128xi32, #tpu.memory_space<vmem>>
      %dma_start3A_44 = arith.constant 0 : i32
      %dma_start3A_45 = tpu.memref_slice %arg3[%dma_start3A_44, %mul3A_40] : memref<1x73728xi32, #tpu.memory_space<hbm>> -> memref<1x128xi32, #tpu.memory_space<hbm>>
      %dma_start3A_46 = tpu.memref_slice %run_scoped3A_7[%rem3A_38] : memref<2x!tpu.dma_semaphore, #tpu.memory_space<semaphore_mem>> -> memref<1x!tpu.dma_semaphore, #tpu.memory_space<semaphore_mem>>
      %dma_start3A_47 = tpu.memref_squeeze %dma_start3A_46 : memref<1x!tpu.dma_semaphore, #tpu.memory_space<semaphore_mem>> -> memref<!tpu.dma_semaphore, #tpu.memory_space<semaphore_mem>>
      %dma_start3A_48 = arith.constant 0 : i32
      %dma_start3A_49 = arith.constant 0 : i32
      %dma_start3A_50 = tpu.memref_slice %run_scoped3A[%rem3A_38, %dma_start3A_48, %dma_start3A_49] : memref<2x1x128xi32, #tpu.memory_space<vmem>> -> memref<1x1x128xi32, #tpu.memory_space<vmem>>
      %dma_start3A_51 = tpu.memref_squeeze %dma_start3A_50 : memref<1x1x128xi32, #tpu.memory_space<vmem>> -> memref<1x128xi32, #tpu.memory_space<vmem>>
      %dma_start3A_52 = arith.constant 0 : i32
      %dma_start3A_53 = tpu.memref_slice %arg3[%dma_start3A_52, %mul3A_40] : memref<1x73728xi32, #tpu.memory_space<hbm>> -> memref<1x128xi32, #tpu.memory_space<hbm>>
      tpu.enqueue_dma source(%dma_start3A_53 : memref<1x128xi32, #tpu.memory_space<hbm>>) target(%dma_start3A_51 : memref<1x128xi32, #tpu.memory_space<vmem>>) target_semaphore(%dma_start3A_47 : memref<!tpu.dma_semaphore, #tpu.memory_space<semaphore_mem>>)
      %add3A_54 = arith.constant 0 : i32
      %add3A_55 = arith.constant 1 : i32
      %add3A_56 = arith.addi %add3A_54, %add3A_55 : i32
      %select_n3A_57 = arith.constant true
      %select_n3A_58 = arith.constant 0 : i32
      %select_n3A_59 = arith.select %select_n3A_57, %add3A_56, %select_n3A_58 : i32
      "tpu.trace_stop"() : () -> ()
      %scan3A = arith.constant 0 : i32
      %scan3A_60 = arith.constant 0 : i32
      %scan3A_61 = arith.constant 0 : i32
      %scan3A_62 = arith.constant 0 : i32
      %scan3A_63 = arith.constant 0 : i32
      %scan3A_64 = arith.constant 18 : i32
      %scan3A_65 = arith.addi %scan3A_63, %scan3A_64 : i32
      %scan3A_66 = arith.constant 1 : i32
      %scan3A_67:5 = scf.for %scan3A_121 = %scan3A_63 to %scan3A_65 step %scan3A_66 iter_args(%scan3A_122 = %select_n3A_59, %scan3A_123 = %scan3A, %scan3A_124 = %scan3A_60, %scan3A_125 = %scan3A_61, %scan3A_126 = %scan3A_62) -> (i32, i32, i32, i32, i32)  : i32 {
        %eq3A_127 = arith.constant 0 : i32
        %eq3A_128 = arith.cmpi eq, %scan3A_121, %eq3A_127 : i32
        %eq3A_129 = arith.constant 17 : i32
        %eq3A_130 = arith.cmpi eq, %scan3A_121, %eq3A_129 : i32
        %add3A_131 = arith.addi %scan3A_126, %mul3A_6 : i32
        %sub3A_132 = arith.constant 1 : i32
        %sub3A_133 = arith.subi %scan3A_126, %sub3A_132 : i32
        %select_n3A_134 = arith.constant true
        %select_n3A_135 = arith.select %select_n3A_134, %sub3A_133, %scan3A_126 : i32
        %eq3A_136 = arith.constant -1 : i32
        %eq3A_137 = arith.cmpi eq, %select_n3A_135, %eq3A_136 : i32
        %select_n3A_138 = arith.constant 17 : i32
        %select_n3A_139 = arith.select %eq3A_137, %select_n3A_138, %select_n3A_135 : i32
        %add3A_140 = arith.addi %select_n3A_139, %mul3A_6 : i32
        %add3A_141 = arith.constant 1 : i32
        %add3A_142 = arith.addi %scan3A_126, %add3A_141 : i32
        %select_n3A_143 = arith.constant true
        %select_n3A_144 = arith.select %select_n3A_143, %add3A_142, %scan3A_126 : i32
        %eq3A_145 = arith.constant 18 : i32
        %eq3A_146 = arith.cmpi eq, %select_n3A_144, %eq3A_145 : i32
        %select_n3A_147 = arith.constant 0 : i32
        %select_n3A_148 = arith.select %eq3A_146, %select_n3A_147, %select_n3A_144 : i32
        %add3A_149 = arith.addi %select_n3A_148, %mul3A_6 : i32
        %add3A_150 = arith.constant 1 : i32
        %add3A_151 = arith.addi %select_n3A_148, %add3A_150 : i32
        %select_n3A_152 = arith.constant true
        %select_n3A_153 = arith.select %select_n3A_152, %add3A_151, %select_n3A_148 : i32
        %eq3A_154 = arith.constant 18 : i32
        %eq3A_155 = arith.cmpi eq, %select_n3A_153, %eq3A_154 : i32
        %select_n3A_156 = arith.constant 0 : i32
        %select_n3A_157 = arith.select %eq3A_155, %select_n3A_156, %select_n3A_153 : i32
        %add3A_158 = arith.addi %select_n3A_157, %mul3A_6 : i32
        %ne3A = arith.cmpi ne, %add3A_131, %add3A_149 : i32
        %or3A = arith.constant false
        %or3A_159 = arith.ori %or3A, %ne3A : i1
        %ge3A = arith.constant 17 : i32
        %ge3A_160 = arith.cmpi sge, %scan3A_121, %ge3A : i32
        %not3A = arith.constant true
        %not3A_161 = arith.xori %ge3A_160, %not3A : i1
        %and3A = arith.andi %or3A_159, %not3A_161 : i1
        %convert_element_type3A = arith.extui %and3A : i1 to i32
        %cond3A = arith.constant 0 : i32
        %cond3A_162 = arith.cmpi ne, %convert_element_type3A, %cond3A : i32
        scf.if %cond3A_162 {
          "tpu.trace_start"() <{level = 10 : i32, message = "ep_copy_in"}> : () -> ()
          %rem3A_264 = arith.constant 2 : i32
          %rem3A_265 = arith.remui %scan3A_122, %rem3A_264 : i32
          %mul3A_266 = arith.constant 128 : i32
          %mul3A_267 = arith.muli %mul3A_266, %add3A_149 : i32
          %dma_start3A_268 = arith.constant 0 : i32
          %dma_start3A_269 = arith.constant 0 : i32
          %dma_start3A_270 = tpu.memref_slice %run_scoped3A[%rem3A_265, %dma_start3A_268, %dma_start3A_269] : memref<2x1x128xi32, #tpu.memory_space<vmem>> -> memref<1x1x128xi32, #tpu.memory_space<vmem>>
          %dma_start3A_271 = tpu.memref_squeeze %dma_start3A_270 : memref<1x1x128xi32, #tpu.memory_space<vmem>> -> memref<1x128xi32, #tpu.memory_space<vmem>>
          %dma_start3A_272 = arith.constant 0 : i32
          %dma_start3A_273 = tpu.memref_slice %arg3[%dma_start3A_272, %mul3A_267] : memref<1x73728xi32, #tpu.memory_space<hbm>> -> memref<1x128xi32, #tpu.memory_space<hbm>>
          %dma_start3A_274 = tpu.memref_slice %run_scoped3A_7[%rem3A_265] : memref<2x!tpu.dma_semaphore, #tpu.memory_space<semaphore_mem>> -> memref<1x!tpu.dma_semaphore, #tpu.memory_space<semaphore_mem>>
          %dma_start3A_275 = tpu.memref_squeeze %dma_start3A_274 : memref<1x!tpu.dma_semaphore, #tpu.memory_space<semaphore_mem>> -> memref<!tpu.dma_semaphore, #tpu.memory_space<semaphore_mem>>
          %dma_start3A_276 = arith.constant 0 : i32
          %dma_start3A_277 = arith.constant 0 : i32
          %dma_start3A_278 = tpu.memref_slice %run_scoped3A[%rem3A_265, %dma_start3A_276, %dma_start3A_277] : memref<2x1x128xi32, #tpu.memory_space<vmem>> -> memref<1x1x128xi32, #tpu.memory_space<vmem>>
          %dma_start3A_279 = tpu.memref_squeeze %dma_start3A_278 : memref<1x1x128xi32, #tpu.memory_space<vmem>> -> memref<1x128xi32, #tpu.memory_space<vmem>>
          %dma_start3A_280 = arith.constant 0 : i32
          %dma_start3A_281 = tpu.memref_slice %arg3[%dma_start3A_280, %mul3A_267] : memref<1x73728xi32, #tpu.memory_space<hbm>> -> memref<1x128xi32, #tpu.memory_space<hbm>>
          tpu.enqueue_dma source(%dma_start3A_281 : memref<1x128xi32, #tpu.memory_space<hbm>>) target(%dma_start3A_279 : memref<1x128xi32, #tpu.memory_space<vmem>>) target_semaphore(%dma_start3A_275 : memref<!tpu.dma_semaphore, #tpu.memory_space<semaphore_mem>>)
          "tpu.trace_stop"() : () -> ()
        } else {
        }
        %and3A_163 = arith.constant true
        %and3A_164 = arith.andi %and3A, %and3A_163 : i1
        %add3A_165 = arith.constant 1 : i32
        %add3A_166 = arith.addi %scan3A_122, %add3A_165 : i32
        %select_n3A_167 = arith.select %and3A_164, %add3A_166, %scan3A_122 : i32
        %ne3A_168 = arith.cmpi ne, %add3A_131, %add3A_149 : i32
        %or3A_169 = arith.constant false
        %or3A_170 = arith.ori %or3A_169, %ne3A_168 : i1
        %or3A_171 = arith.constant false
        %or3A_172 = arith.ori %or3A_170, %or3A_171 : i1
        %ge3A_173 = arith.constant 17 : i32
        %ge3A_174 = arith.cmpi sge, %scan3A_121, %ge3A_173 : i32
        %not3A_175 = arith.constant true
        %not3A_176 = arith.xori %ge3A_174, %not3A_175 : i1
        %and3A_177 = arith.andi %or3A_172, %not3A_176 : i1
        %ne3A_178 = arith.cmpi ne, %add3A_131, %add3A_140 : i32
        %or3A_179 = arith.constant false
        %or3A_180 = arith.ori %or3A_179, %ne3A_178 : i1
        %or3A_181 = arith.ori %or3A_180, %eq3A_128 : i1
        %convert_element_type3A_182 = arith.extui %or3A_181 : i1 to i32
        %cond3A_183 = arith.constant 0 : i32
        %cond3A_184 = arith.cmpi ne, %convert_element_type3A_182, %cond3A_183 : i32
        scf.if %cond3A_184 {
          "tpu.trace_start"() <{level = 10 : i32, message = "ep_wait_in"}> : () -> ()
          %mul3A_264 = arith.constant 128 : i32
          %mul3A_265 = arith.muli %mul3A_264, %add3A_131 : i32
          %rem3A_266 = arith.constant 2 : i32
          %rem3A_267 = arith.remui %scan3A_123, %rem3A_266 : i32
          %dma_wait3A_268 = arith.constant 0 : i32
          %dma_wait3A_269 = arith.constant 0 : i32
          %dma_wait3A_270 = tpu.memref_slice %run_scoped3A[%rem3A_267, %dma_wait3A_268, %dma_wait3A_269] : memref<2x1x128xi32, #tpu.memory_space<vmem>> -> memref<1x1x128xi32, #tpu.memory_space<vmem>>
          %dma_wait3A_271 = tpu.memref_squeeze %dma_wait3A_270 : memref<1x1x128xi32, #tpu.memory_space<vmem>> -> memref<1x128xi32, #tpu.memory_space<vmem>>
          %dma_wait3A_272 = arith.constant 0 : i32
          %dma_wait3A_273 = tpu.memref_slice %arg3[%dma_wait3A_272, %mul3A_265] : memref<1x73728xi32, #tpu.memory_space<hbm>> -> memref<1x128xi32, #tpu.memory_space<hbm>>
          %dma_wait3A_274 = tpu.memref_slice %run_scoped3A_7[%rem3A_267] : memref<2x!tpu.dma_semaphore, #tpu.memory_space<semaphore_mem>> -> memref<1x!tpu.dma_semaphore, #tpu.memory_space<semaphore_mem>>
          %dma_wait3A_275 = tpu.memref_squeeze %dma_wait3A_274 : memref<1x!tpu.dma_semaphore, #tpu.memory_space<semaphore_mem>> -> memref<!tpu.dma_semaphore, #tpu.memory_space<semaphore_mem>>
          %dma_wait3A_276 = arith.constant 0 : i32
          %dma_wait3A_277 = arith.constant 0 : i32
          %dma_wait3A_278 = tpu.memref_slice %run_scoped3A[%rem3A_267, %dma_wait3A_276, %dma_wait3A_277] : memref<2x1x128xi32, #tpu.memory_space<vmem>> -> memref<1x1x128xi32, #tpu.memory_space<vmem>>
          %dma_wait3A_279 = tpu.memref_squeeze %dma_wait3A_278 : memref<1x1x128xi32, #tpu.memory_space<vmem>> -> memref<1x128xi32, #tpu.memory_space<vmem>>
          %dma_wait3A_280 = arith.constant 0 : i32
          %dma_wait3A_281 = tpu.memref_slice %arg3[%dma_wait3A_280, %mul3A_265] : memref<1x73728xi32, #tpu.memory_space<hbm>> -> memref<1x128xi32, #tpu.memory_space<hbm>>
          tpu.wait_dma2 semaphore(%dma_wait3A_275 : memref<!tpu.dma_semaphore, #tpu.memory_space<semaphore_mem>>) src(%dma_wait3A_281 : memref<1x128xi32, #tpu.memory_space<hbm>>) dst(%dma_wait3A_279 : memref<1x128xi32, #tpu.memory_space<vmem>>)
          "tpu.trace_stop"() : () -> ()
        } else {
        }
        %ne3A_185 = arith.cmpi ne, %add3A_131, %add3A_140 : i32
        %or3A_186 = arith.constant false
        %or3A_187 = arith.ori %or3A_186, %ne3A_185 : i1
        %or3A_188 = arith.constant false
        %or3A_189 = arith.ori %or3A_187, %or3A_188 : i1
        %or3A_190 = arith.ori %or3A_189, %eq3A_128 : i1
        %convert_element_type3A_191 = arith.extui %or3A_190 : i1 to i32
        %cond3A_192 = arith.constant 0 : i32
        %cond3A_193 = arith.cmpi ne, %convert_element_type3A_191, %cond3A_192 : i32
        scf.if %cond3A_193 {
        } else {
        }
        %rem3A_194 = arith.constant 2 : i32
        %rem3A_195 = arith.remui %scan3A_123, %rem3A_194 : i32
        %rem3A_196 = arith.constant 2 : i32
        %rem3A_197 = arith.remui %scan3A_124, %rem3A_196 : i32
        %run_scoped3A_198 = arith.constant 0 : i32
        "tpu.trace_start"() <{level = 10 : i32, message = "ep_run_kernel"}> : () -> ()
        "tpu.region"() ({
          %run_scoped3A_264 = tpu.sem_alloc : memref<!tpu.dma_semaphore, #tpu.memory_space<semaphore_mem>>
          %dma_start3A_265 = arith.constant 0 : i32
          %dma_start3A_266 = arith.constant 0 : i32
          %dma_start3A_267 = tpu.memref_slice %run_scoped3A_8[%rem3A_197, %dma_start3A_265, %dma_start3A_266] : memref<2x128x64xf32, #tpu.memory_space<vmem>> -> memref<1x128x64xf32, #tpu.memory_space<vmem>>
          %dma_start3A_268 = tpu.memref_squeeze %dma_start3A_267 : memref<1x128x64xf32, #tpu.memory_space<vmem>> -> memref<128x64xf32, #tpu.memory_space<vmem>>
          %dma_start3A_269 = arith.constant 0 : i32
          %dma_start3A_270 = arith.constant 0 : i32
          %dma_start3A_271 = tpu.memref_slice %run_scoped3A[%rem3A_195, %dma_start3A_269, %dma_start3A_270] : memref<2x1x128xi32, #tpu.memory_space<vmem>> -> memref<1x1x128xi32, #tpu.memory_space<vmem>>
          %dma_start3A_272 = tpu.memref_squeeze %dma_start3A_271 : memref<1x1x128xi32, #tpu.memory_space<vmem>> -> memref<1x128xi32, #tpu.memory_space<vmem>>
          %dma_start3A_273 = arith.constant 0 : i32
          %dma_start3A_274 = tpu.memref_slice %dma_start3A_272[%run_scoped3A_198, %dma_start3A_273] : memref<1x128xi32, #tpu.memory_space<vmem>> -> memref<1x128xi32, #tpu.memory_space<vmem>>
          %dma_start3A_275 = tpu.memref_squeeze %dma_start3A_274 : memref<1x128xi32, #tpu.memory_space<vmem>> -> memref<128xi32, #tpu.memory_space<vmem>>
          %dma_start3A_276 = arith.constant 0 : i32
          %dma_start3A_277 = arith.constant 0 : i32
          %dma_start3A_278 = tpu.memref_slice %arg2[%dma_start3A_276, %dma_start3A_277] : memref<20480x64xf32, #tpu.memory_space<hbm>> -> memref<20480x64xf32, #tpu.memory_space<hbm>>
          tpu.enqueue_indirect_dma source(%dma_start3A_278 : memref<20480x64xf32, #tpu.memory_space<hbm>>) target(%dma_start3A_268 : memref<128x64xf32, #tpu.memory_space<vmem>>) offsets(%dma_start3A_275 : memref<128xi32, #tpu.memory_space<vmem>>) semaphore(%run_scoped3A_264 : memref<!tpu.dma_semaphore, #tpu.memory_space<semaphore_mem>>)
          %dma_wait3A_279 = arith.constant 0 : i32
          %dma_wait3A_280 = arith.constant 0 : i32
          %dma_wait3A_281 = tpu.memref_slice %run_scoped3A_8[%rem3A_197, %dma_wait3A_279, %dma_wait3A_280] : memref<2x128x64xf32, #tpu.memory_space<vmem>> -> memref<1x128x64xf32, #tpu.memory_space<vmem>>
          %dma_wait3A_282 = tpu.memref_squeeze %dma_wait3A_281 : memref<1x128x64xf32, #tpu.memory_space<vmem>> -> memref<128x64xf32, #tpu.memory_space<vmem>>
          %dma_wait3A_283 = arith.constant 0 : i32
          %dma_wait3A_284 = arith.constant 0 : i32
          %dma_wait3A_285 = tpu.memref_slice %run_scoped3A[%rem3A_195, %dma_wait3A_283, %dma_wait3A_284] : memref<2x1x128xi32, #tpu.memory_space<vmem>> -> memref<1x1x128xi32, #tpu.memory_space<vmem>>
          %dma_wait3A_286 = tpu.memref_squeeze %dma_wait3A_285 : memref<1x1x128xi32, #tpu.memory_space<vmem>> -> memref<1x128xi32, #tpu.memory_space<vmem>>
          %dma_wait3A_287 = arith.constant 0 : i32
          %dma_wait3A_288 = tpu.memref_slice %dma_wait3A_286[%run_scoped3A_198, %dma_wait3A_287] : memref<1x128xi32, #tpu.memory_space<vmem>> -> memref<1x128xi32, #tpu.memory_space<vmem>>
          %dma_wait3A_289 = tpu.memref_squeeze %dma_wait3A_288 : memref<1x128xi32, #tpu.memory_space<vmem>> -> memref<128xi32, #tpu.memory_space<vmem>>
          %dma_wait3A_290 = arith.constant 0 : i32
          %dma_wait3A_291 = arith.constant 0 : i32
          %dma_wait3A_292 = tpu.memref_slice %arg2[%dma_wait3A_290, %dma_wait3A_291] : memref<20480x64xf32, #tpu.memory_space<hbm>> -> memref<20480x64xf32, #tpu.memory_space<hbm>>
          tpu.wait_indirect_dma semaphore(%run_scoped3A_264 : memref<!tpu.dma_semaphore, #tpu.memory_space<semaphore_mem>>) src(%dma_wait3A_292 : memref<20480x64xf32, #tpu.memory_space<hbm>>) dst(%dma_wait3A_282 : memref<128x64xf32, #tpu.memory_space<vmem>>)
          tpu.yield
        }) : () -> ()
        "tpu.trace_stop"() : () -> ()
        %ne3A_199 = arith.cmpi ne, %add3A_131, %add3A_149 : i32
        %or3A_200 = arith.constant false
        %or3A_201 = arith.ori %or3A_200, %ne3A_199 : i1
        %or3A_202 = arith.ori %or3A_201, %eq3A_130 : i1
        %convert_element_type3A_203 = arith.extui %or3A_202 : i1 to i32
        %cond3A_204 = arith.constant 0 : i32
        %cond3A_205 = arith.cmpi ne, %convert_element_type3A_203, %cond3A_204 : i32
        scf.if %cond3A_205 {
        } else {
        }
        %and3A_206 = arith.constant false
        %and3A_207 = arith.andi %or3A_202, %and3A_206 : i1
        %ne3A_208 = arith.cmpi ne, %add3A_131, %add3A_149 : i32
        %or3A_209 = arith.constant false
        %or3A_210 = arith.ori %or3A_209, %ne3A_208 : i1
        %or3A_211 = arith.constant false
        %or3A_212 = arith.ori %or3A_210, %or3A_211 : i1
        %or3A_213 = arith.ori %or3A_212, %eq3A_130 : i1
        %convert_element_type3A_214 = arith.extui %or3A_213 : i1 to i32
        %cond3A_215 = arith.constant 0 : i32
        %cond3A_216 = arith.cmpi ne, %convert_element_type3A_214, %cond3A_215 : i32
        scf.if %cond3A_216 {
          "tpu.trace_start"() <{level = 10 : i32, message = "ep_copy_out"}> : () -> ()
          %rem3A_264 = arith.constant 2 : i32
          %rem3A_265 = arith.remui %scan3A_124, %rem3A_264 : i32
          %mul3A_266 = arith.constant 128 : i32
          %mul3A_267 = arith.muli %mul3A_266, %add3A_131 : i32
          %dma_start3A_268 = arith.constant 0 : i32
          %dma_start3A_269 = arith.constant 0 : i32
          %dma_start3A_270 = tpu.memref_slice %run_scoped3A_8[%rem3A_265, %dma_start3A_268, %dma_start3A_269] : memref<2x128x64xf32, #tpu.memory_space<vmem>> -> memref<1x128x64xf32, #tpu.memory_space<vmem>>
          %dma_start3A_271 = tpu.memref_squeeze %dma_start3A_270 : memref<1x128x64xf32, #tpu.memory_space<vmem>> -> memref<128x64xf32, #tpu.memory_space<vmem>>
          %dma_start3A_272 = arith.constant 0 : i32
          %dma_start3A_273 = tpu.memref_slice %arg4[%mul3A_267, %dma_start3A_272] : memref<73728x64xf32, #tpu.memory_space<hbm>> -> memref<128x64xf32, #tpu.memory_space<hbm>>
          %dma_start3A_274 = tpu.memref_slice %run_scoped3A_9[%rem3A_265] : memref<2x!tpu.dma_semaphore, #tpu.memory_space<semaphore_mem>> -> memref<1x!tpu.dma_semaphore, #tpu.memory_space<semaphore_mem>>
          %dma_start3A_275 = tpu.memref_squeeze %dma_start3A_274 : memref<1x!tpu.dma_semaphore, #tpu.memory_space<semaphore_mem>> -> memref<!tpu.dma_semaphore, #tpu.memory_space<semaphore_mem>>
          %dma_start3A_276 = arith.constant 0 : i32
          %dma_start3A_277 = tpu.memref_slice %arg4[%mul3A_267, %dma_start3A_276] : memref<73728x64xf32, #tpu.memory_space<hbm>> -> memref<128x64xf32, #tpu.memory_space<hbm>>
          %dma_start3A_278 = arith.constant 0 : i32
          %dma_start3A_279 = arith.constant 0 : i32
          %dma_start3A_280 = tpu.memref_slice %run_scoped3A_8[%rem3A_265, %dma_start3A_278, %dma_start3A_279] : memref<2x128x64xf32, #tpu.memory_space<vmem>> -> memref<1x128x64xf32, #tpu.memory_space<vmem>>
          %dma_start3A_281 = tpu.memref_squeeze %dma_start3A_280 : memref<1x128x64xf32, #tpu.memory_space<vmem>> -> memref<128x64xf32, #tpu.memory_space<vmem>>
          tpu.enqueue_dma source(%dma_start3A_281 : memref<128x64xf32, #tpu.memory_space<vmem>>) target(%dma_start3A_277 : memref<128x64xf32, #tpu.memory_space<hbm>>) target_semaphore(%dma_start3A_275 : memref<!tpu.dma_semaphore, #tpu.memory_space<semaphore_mem>>)
          "tpu.trace_stop"() : () -> ()
        } else {
        }
        %and3A_217 = arith.constant true
        %and3A_218 = arith.andi %or3A_213, %and3A_217 : i1
        %add3A_219 = arith.constant 1 : i32
        %add3A_220 = arith.addi %scan3A_124, %add3A_219 : i32
        %select_n3A_221 = arith.select %and3A_218, %add3A_220, %scan3A_124 : i32
        %ne3A_222 = arith.cmpi ne, %add3A_131, %add3A_140 : i32
        %or3A_223 = arith.constant false
        %or3A_224 = arith.ori %or3A_223, %ne3A_222 : i1
        %not3A_225 = arith.constant true
        %not3A_226 = arith.xori %eq3A_128, %not3A_225 : i1
        %and3A_227 = arith.andi %or3A_224, %not3A_226 : i1
        %convert_element_type3A_228 = arith.extui %and3A_227 : i1 to i32
        %cond3A_229 = arith.constant 0 : i32
        %cond3A_230 = arith.cmpi ne, %convert_element_type3A_228, %cond3A_229 : i32
        scf.if %cond3A_230 {
        } else {
        }
        %and3A_231 = arith.constant false
        %and3A_232 = arith.andi %and3A_227, %and3A_231 : i1
        %ne3A_233 = arith.cmpi ne, %add3A_131, %add3A_140 : i32
        %or3A_234 = arith.constant false
        %or3A_235 = arith.ori %or3A_234, %ne3A_233 : i1
        %or3A_236 = arith.constant false
        %or3A_237 = arith.ori %or3A_235, %or3A_236 : i1
        %not3A_238 = arith.constant true
        %not3A_239 = arith.xori %eq3A_128, %not3A_238 : i1
        %and3A_240 = arith.andi %or3A_237, %not3A_239 : i1
        %convert_element_type3A_241 = arith.extui %and3A_240 : i1 to i32
        %cond3A_242 = arith.constant 0 : i32
        %cond3A_243 = arith.cmpi ne, %convert_element_type3A_241, %cond3A_242 : i32
        scf.if %cond3A_243 {
          "tpu.trace_start"() <{level = 10 : i32, message = "ep_wait_out"}> : () -> ()
          %rem3A_264 = arith.constant 2 : i32
          %rem3A_265 = arith.remui %scan3A_125, %rem3A_264 : i32
          %mul3A_266 = arith.constant 128 : i32
          %mul3A_267 = arith.muli %mul3A_266, %add3A_140 : i32
          %dma_wait3A_268 = arith.constant 0 : i32
          %dma_wait3A_269 = arith.constant 0 : i32
          %dma_wait3A_270 = tpu.memref_slice %run_scoped3A_8[%rem3A_265, %dma_wait3A_268, %dma_wait3A_269] : memref<2x128x64xf32, #tpu.memory_space<vmem>> -> memref<1x128x64xf32, #tpu.memory_space<vmem>>
          %dma_wait3A_271 = tpu.memref_squeeze %dma_wait3A_270 : memref<1x128x64xf32, #tpu.memory_space<vmem>> -> memref<128x64xf32, #tpu.memory_space<vmem>>
          %dma_wait3A_272 = arith.constant 0 : i32
          %dma_wait3A_273 = tpu.memref_slice %arg4[%mul3A_267, %dma_wait3A_272] : memref<73728x64xf32, #tpu.memory_space<hbm>> -> memref<128x64xf32, #tpu.memory_space<hbm>>
          %dma_wait3A_274 = tpu.memref_slice %run_scoped3A_9[%rem3A_265] : memref<2x!tpu.dma_semaphore, #tpu.memory_space<semaphore_mem>> -> memref<1x!tpu.dma_semaphore, #tpu.memory_space<semaphore_mem>>
          %dma_wait3A_275 = tpu.memref_squeeze %dma_wait3A_274 : memref<1x!tpu.dma_semaphore, #tpu.memory_space<semaphore_mem>> -> memref<!tpu.dma_semaphore, #tpu.memory_space<semaphore_mem>>
          %dma_wait3A_276 = arith.constant 0 : i32
          %dma_wait3A_277 = tpu.memref_slice %arg4[%mul3A_267, %dma_wait3A_276] : memref<73728x64xf32, #tpu.memory_space<hbm>> -> memref<128x64xf32, #tpu.memory_space<hbm>>
          %dma_wait3A_278 = arith.constant 0 : i32
          %dma_wait3A_279 = arith.constant 0 : i32
          %dma_wait3A_280 = tpu.memref_slice %run_scoped3A_8[%rem3A_265, %dma_wait3A_278, %dma_wait3A_279] : memref<2x128x64xf32, #tpu.memory_space<vmem>> -> memref<1x128x64xf32, #tpu.memory_space<vmem>>
          %dma_wait3A_281 = tpu.memref_squeeze %dma_wait3A_280 : memref<1x128x64xf32, #tpu.memory_space<vmem>> -> memref<128x64xf32, #tpu.memory_space<vmem>>
          tpu.wait_dma2 semaphore(%dma_wait3A_275 : memref<!tpu.dma_semaphore, #tpu.memory_space<semaphore_mem>>) src(%dma_wait3A_281 : memref<128x64xf32, #tpu.memory_space<vmem>>) dst(%dma_wait3A_277 : memref<128x64xf32, #tpu.memory_space<hbm>>)
          "tpu.trace_stop"() : () -> ()
        } else {
        }
        %and3A_244 = arith.constant true
        %and3A_245 = arith.andi %and3A_240, %and3A_244 : i1
        %add3A_246 = arith.constant 1 : i32
        %add3A_247 = arith.addi %scan3A_125, %add3A_246 : i32
        %select_n3A_248 = arith.select %and3A_245, %add3A_247, %scan3A_125 : i32
        %ne3A_249 = arith.cmpi ne, %add3A_131, %add3A_149 : i32
        %or3A_250 = arith.constant false
        %or3A_251 = arith.ori %or3A_250, %ne3A_249 : i1
        %or3A_252 = arith.ori %or3A_251, %eq3A_130 : i1
        %add3A_253 = arith.constant 1 : i32
        %add3A_254 = arith.addi %scan3A_123, %add3A_253 : i32
        %select_n3A_255 = arith.select %or3A_252, %add3A_254, %scan3A_123 : i32
        %add3A_256 = arith.constant 1 : i32
        %add3A_257 = arith.addi %scan3A_126, %add3A_256 : i32
        %select_n3A_258 = arith.constant true
        %select_n3A_259 = arith.select %select_n3A_258, %add3A_257, %scan3A_126 : i32
        %eq3A_260 = arith.constant 18 : i32
        %eq3A_261 = arith.cmpi eq, %select_n3A_259, %eq3A_260 : i32
        %select_n3A_262 = arith.constant 0 : i32
        %select_n3A_263 = arith.select %eq3A_261, %select_n3A_262, %select_n3A_259 : i32
        scf.yield %select_n3A_167, %select_n3A_255, %select_n3A_221, %select_n3A_248, %select_n3A_263 : i32, i32, i32, i32, i32
      }
      %scan3A_68 = arith.constant 18 : i32
      %sub3A = arith.constant 1 : i32
      %sub3A_69 = arith.subi %scan3A_67#4, %sub3A : i32
      %select_n3A_70 = arith.constant true
      %select_n3A_71 = arith.select %select_n3A_70, %sub3A_69, %scan3A_67#4 : i32
      %eq3A_72 = arith.constant -1 : i32
      %eq3A_73 = arith.cmpi eq, %select_n3A_71, %eq3A_72 : i32
      %select_n3A_74 = arith.constant 17 : i32
      %select_n3A_75 = arith.select %eq3A_73, %select_n3A_74, %select_n3A_71 : i32
      %add3A_76 = arith.addi %select_n3A_75, %mul3A_6 : i32
      %sub3A_77 = arith.constant 1 : i32
      %sub3A_78 = arith.subi %select_n3A_75, %sub3A_77 : i32
      %select_n3A_79 = arith.constant true
      %select_n3A_80 = arith.select %select_n3A_79, %sub3A_78, %select_n3A_75 : i32
      %eq3A_81 = arith.constant -1 : i32
      %eq3A_82 = arith.cmpi eq, %select_n3A_80, %eq3A_81 : i32
      %select_n3A_83 = arith.constant 17 : i32
      %select_n3A_84 = arith.select %eq3A_82, %select_n3A_83, %select_n3A_80 : i32
      %add3A_85 = arith.addi %select_n3A_84, %mul3A_6 : i32
      %add3A_86 = arith.constant 1 : i32
      %add3A_87 = arith.addi %select_n3A_75, %add3A_86 : i32
      %select_n3A_88 = arith.constant true
      %select_n3A_89 = arith.select %select_n3A_88, %add3A_87, %select_n3A_75 : i32
      %eq3A_90 = arith.constant 18 : i32
      %eq3A_91 = arith.cmpi eq, %select_n3A_89, %eq3A_90 : i32
      %select_n3A_92 = arith.constant 0 : i32
      %select_n3A_93 = arith.select %eq3A_91, %select_n3A_92, %select_n3A_89 : i32
      %add3A_94 = arith.addi %select_n3A_93, %mul3A_6 : i32
      %add3A_95 = arith.constant 1 : i32
      %add3A_96 = arith.addi %select_n3A_93, %add3A_95 : i32
      %select_n3A_97 = arith.constant true
      %select_n3A_98 = arith.select %select_n3A_97, %add3A_96, %select_n3A_93 : i32
      %eq3A_99 = arith.constant 18 : i32
      %eq3A_100 = arith.cmpi eq, %select_n3A_98, %eq3A_99 : i32
      %select_n3A_101 = arith.constant 0 : i32
      %select_n3A_102 = arith.select %eq3A_100, %select_n3A_101, %select_n3A_98 : i32
      %add3A_103 = arith.addi %select_n3A_102, %mul3A_6 : i32
      "tpu.trace_start"() <{level = 10 : i32, message = "ep_finalize"}> : () -> ()
      %rem3A_104 = arith.constant 2 : i32
      %rem3A_105 = arith.remui %scan3A_67#3, %rem3A_104 : i32
      %mul3A_106 = arith.constant 128 : i32
      %mul3A_107 = arith.muli %mul3A_106, %add3A_76 : i32
      %dma_wait3A = arith.constant 0 : i32
      %dma_wait3A_108 = arith.constant 0 : i32
      %dma_wait3A_109 = tpu.memref_slice %run_scoped3A_8[%rem3A_105, %dma_wait3A, %dma_wait3A_108] : memref<2x128x64xf32, #tpu.memory_space<vmem>> -> memref<1x128x64xf32, #tpu.memory_space<vmem>>
      %dma_wait3A_110 = tpu.memref_squeeze %dma_wait3A_109 : memref<1x128x64xf32, #tpu.memory_space<vmem>> -> memref<128x64xf32, #tpu.memory_space<vmem>>
      %dma_wait3A_111 = arith.constant 0 : i32
      %dma_wait3A_112 = tpu.memref_slice %arg4[%mul3A_107, %dma_wait3A_111] : memref<73728x64xf32, #tpu.memory_space<hbm>> -> memref<128x64xf32, #tpu.memory_space<hbm>>
      %dma_wait3A_113 = tpu.memref_slice %run_scoped3A_9[%rem3A_105] : memref<2x!tpu.dma_semaphore, #tpu.memory_space<semaphore_mem>> -> memref<1x!tpu.dma_semaphore, #tpu.memory_space<semaphore_mem>>
      %dma_wait3A_114 = tpu.memref_squeeze %dma_wait3A_113 : memref<1x!tpu.dma_semaphore, #tpu.memory_space<semaphore_mem>> -> memref<!tpu.dma_semaphore, #tpu.memory_space<semaphore_mem>>
      %dma_wait3A_115 = arith.constant 0 : i32
      %dma_wait3A_116 = tpu.memref_slice %arg4[%mul3A_107, %dma_wait3A_115] : memref<73728x64xf32, #tpu.memory_space<hbm>> -> memref<128x64xf32, #tpu.memory_space<hbm>>
      %dma_wait3A_117 = arith.constant 0 : i32
      %dma_wait3A_118 = arith.constant 0 : i32
      %dma_wait3A_119 = tpu.memref_slice %run_scoped3A_8[%rem3A_105, %dma_wait3A_117, %dma_wait3A_118] : memref<2x128x64xf32, #tpu.memory_space<vmem>> -> memref<1x128x64xf32, #tpu.memory_space<vmem>>
      %dma_wait3A_120 = tpu.memref_squeeze %dma_wait3A_119 : memref<1x128x64xf32, #tpu.memory_space<vmem>> -> memref<128x64xf32, #tpu.memory_space<vmem>>
      tpu.wait_dma2 semaphore(%dma_wait3A_114 : memref<!tpu.dma_semaphore, #tpu.memory_space<semaphore_mem>>) src(%dma_wait3A_120 : memref<128x64xf32, #tpu.memory_space<vmem>>) dst(%dma_wait3A_116 : memref<128x64xf32, #tpu.memory_space<hbm>>)
      "tpu.trace_stop"() : () -> ()
      tpu.yield
    }) : () -> ()
    return
  }
}

module attributes {stable_mosaic.version = 14 : i64} {
  func.func @_feat_body(%arg0: i32, %arg1: memref<1x20x32x128xf32, #tpu.memory_space<vmem>>, %arg2: memref<128x64xf32, #tpu.memory_space<vmem>>, %arg3: memref<1x64xf32, #tpu.memory_space<vmem>>, %arg4: memref<1x20x32x64xf32, #tpu.memory_space<vmem>>, %arg5: memref<8x64xf32, #tpu.memory_space<vmem>>) attributes {dimension_semantics = [#tpu.dimension_semantics<arbitrary>], iteration_bounds = array<i64: 32>, scalar_prefetch = 0 : i64, scratch_operands = 0 : i64, tpu.core_type = #tpu.core_type<tc>, window_params = [{transform_indices = @transform_0, window_bounds = array<i64: 1, 20, 32, 128>}, {pipeline_mode = #tpu.pipeline_mode<synchronous>, transform_indices = @transform_1, window_bounds = array<i64: 128, 64>}, {pipeline_mode = #tpu.pipeline_mode<synchronous>, transform_indices = @transform_2, window_bounds = array<i64: 1, 64>}, {transform_indices = @transform_3, window_bounds = array<i64: 1, 20, 32, 64>}, {pipeline_mode = #tpu.pipeline_mode<synchronous>, transform_indices = @transform_4, window_bounds = array<i64: 8, 64>}]} {
    %get3A = arith.constant 0 : index
    %get3A_0 = arith.constant 0 : index
    %get3A_1 = arith.constant 0 : index
    %get3A_2 = arith.constant 0 : index
    %get3A_3 = vector.load %arg1[%get3A, %get3A_0, %get3A_1, %get3A_2] : memref<1x20x32x128xf32, #tpu.memory_space<vmem>>, vector<1x20x32x128xf32>
    %get3A_4 = vector.shape_cast %get3A_3 : vector<1x20x32x128xf32> to vector<20x32x128xf32>
    %reshape3A = vector.shape_cast %get3A_4 : vector<20x32x128xf32> to vector<640x128xf32>
    %get3A_5 = arith.constant 0 : index
    %get3A_6 = arith.constant 0 : index
    %get3A_7 = vector.load %arg2[%get3A_5, %get3A_6] : memref<128x64xf32, #tpu.memory_space<vmem>>, vector<128x64xf32>
    %convert_element_type3A = arith.truncf %get3A_7 : vector<128x64xf32> to vector<128x64xbf16>
    %convert_element_type3A_8 = arith.extf %convert_element_type3A : vector<128x64xbf16> to vector<128x64xf32>
    %dot_general3A = arith.constant dense<0.000000e+00> : vector<640x64xf32>
    %dot_general3A_9 = tpu.matmul %reshape3A, %convert_element_type3A_8, %dot_general3A {dimension_numbers = #tpu.dot_dimension_numbers<[1], [0], [0], [1], [0, 0, 1, 1], [], []>, transpose_lhs_hint = false} : vector<640x128xf32>, vector<128x64xf32>, vector<640x64xf32> -> vector<640x64xf32>
    %get3A_10 = arith.constant 0 : index
    %get3A_11 = arith.constant 0 : index
    %get3A_12 = vector.load %arg3[%get3A_10, %get3A_11] : memref<1x64xf32, #tpu.memory_space<vmem>>, vector<1x64xf32>
    %add3A = vector.broadcast %get3A_12 : vector<1x64xf32> to vector<640x64xf32>
    %add3A_13 = arith.addf %dot_general3A_9, %add3A : vector<640x64xf32>
    %reshape3A_14 = vector.shape_cast %add3A_13 : vector<640x64xf32> to vector<20x32x64xf32>
    %swap3A = arith.constant 0 : index
    %swap3A_15 = arith.constant 0 : index
    %swap3A_16 = arith.constant 0 : index
    %swap3A_17 = arith.constant 0 : index
    %swap3A_18 = vector.load %arg4[%swap3A, %swap3A_15, %swap3A_16, %swap3A_17] : memref<1x20x32x64xf32, #tpu.memory_space<vmem>>, vector<1x20x32x64xf32>
    %swap3A_19 = vector.shape_cast %swap3A_18 : vector<1x20x32x64xf32> to vector<20x32x64xf32>
    %swap3A_20 = vector.shape_cast %reshape3A_14 : vector<20x32x64xf32> to vector<1x20x32x64xf32>
    tpu.vector_store %arg4[%swap3A, %swap3A_15, %swap3A_16, %swap3A_17], %swap3A_20 {strides = array<i32>} : memref<1x20x32x64xf32, #tpu.memory_space<vmem>>, vector<1x20x32x64xf32>,
    %eq3A = arith.constant 0 : i32
    %eq3A_21 = arith.cmpi eq, %arg0, %eq3A : i32
    %convert_element_type3A_22 = arith.extui %eq3A_21 : i1 to i32
    %cond3A = arith.constant 0 : i32
    %cond3A_23 = arith.cmpi ne, %convert_element_type3A_22, %cond3A : i32
    scf.if %cond3A_23 {
      %broadcast_in_dim3A_42 = arith.constant 0.000000e+00 : f32
      %broadcast_in_dim3A_43 = vector.broadcast %broadcast_in_dim3A_42 : f32 to vector<8x64xf32>
      %swap3A_44 = arith.constant 0 : index
      %swap3A_45 = arith.constant 0 : index
      %swap3A_46 = vector.load %arg5[%swap3A_44, %swap3A_45] : memref<8x64xf32, #tpu.memory_space<vmem>>, vector<8x64xf32>
      tpu.vector_store %arg5[%swap3A_44, %swap3A_45], %broadcast_in_dim3A_43 {strides = array<i32>} : memref<8x64xf32, #tpu.memory_space<vmem>>, vector<8x64xf32>,
    } else {
    }
    %get3A_24 = arith.constant 0 : index
    %get3A_25 = arith.constant 0 : index
    %get3A_26 = vector.load %arg5[%get3A_24, %get3A_25] : memref<8x64xf32, #tpu.memory_space<vmem>>, vector<1x64xf32>
    %reduce_sum3A = arith.constant dense<0.000000e+00> : vector<64xf32>
    %reduce_sum3A_27 = vector.multi_reduction <add>, %add3A_13, %reduce_sum3A [0] : vector<640x64xf32> to vector<64xf32>
    %broadcast_in_dim3A = vector.shape_cast %reduce_sum3A_27 : vector<64xf32> to vector<1x64xf32>
    %add3A_28 = arith.addf %get3A_26, %broadcast_in_dim3A : vector<1x64xf32>
    %swap3A_29 = arith.constant 0 : index
    %swap3A_30 = arith.constant 0 : index
    %swap3A_31 = vector.load %arg5[%swap3A_29, %swap3A_30] : memref<8x64xf32, #tpu.memory_space<vmem>>, vector<1x64xf32>
    tpu.vector_store %arg5[%swap3A_29, %swap3A_30], %add3A_28 {strides = array<i32>} : memref<8x64xf32, #tpu.memory_space<vmem>>, vector<1x64xf32>,
    %get3A_32 = arith.constant 1 : index
    %get3A_33 = arith.constant 0 : index
    %get3A_34 = vector.load %arg5[%get3A_32, %get3A_33] : memref<8x64xf32, #tpu.memory_space<vmem>>, vector<1x64xf32>
    %mul3A = arith.mulf %add3A_13, %add3A_13 : vector<640x64xf32>
    %reduce_sum3A_35 = arith.constant dense<0.000000e+00> : vector<64xf32>
    %reduce_sum3A_36 = vector.multi_reduction <add>, %mul3A, %reduce_sum3A_35 [0] : vector<640x64xf32> to vector<64xf32>
    %broadcast_in_dim3A_37 = vector.shape_cast %reduce_sum3A_36 : vector<64xf32> to vector<1x64xf32>
    %add3A_38 = arith.addf %get3A_34, %broadcast_in_dim3A_37 : vector<1x64xf32>
    %swap3A_39 = arith.constant 1 : index
    %swap3A_40 = arith.constant 0 : index
    %swap3A_41 = vector.load %arg5[%swap3A_39, %swap3A_40] : memref<8x64xf32, #tpu.memory_space<vmem>>, vector<1x64xf32>
    tpu.vector_store %arg5[%swap3A_39, %swap3A_40], %add3A_38 {strides = array<i32>} : memref<8x64xf32, #tpu.memory_space<vmem>>, vector<1x64xf32>,
    return
  }
  func.func @transform_0(%arg0: i32) -> (i32, i32, i32, i32) {
    %c0_i32 = arith.constant 0 : i32
    %c0_i32_0 = arith.constant 0 : i32
    %c0_i32_1 = arith.constant 0 : i32
    %c0_i32_2 = arith.constant 0 : i32
    return %arg0, %c0_i32, %c0_i32_0, %c0_i32_1 : i32, i32, i32, i32
  }
  func.func @transform_1(%arg0: i32) -> (i32, i32) {
    %c0_i32 = arith.constant 0 : i32
    %c0_i32_0 = arith.constant 0 : i32
    %c0_i32_1 = arith.constant 0 : i32
    return %c0_i32, %c0_i32_0 : i32, i32
  }
  func.func @transform_2(%arg0: i32) -> (i32, i32) {
    %c0_i32 = arith.constant 0 : i32
    %c0_i32_0 = arith.constant 0 : i32
    %c0_i32_1 = arith.constant 0 : i32
    return %c0_i32, %c0_i32_0 : i32, i32
  }
  func.func @transform_3(%arg0: i32) -> (i32, i32, i32, i32) {
    %c0_i32 = arith.constant 0 : i32
    %c0_i32_0 = arith.constant 0 : i32
    %c0_i32_1 = arith.constant 0 : i32
    %c0_i32_2 = arith.constant 0 : i32
    return %arg0, %c0_i32, %c0_i32_0, %c0_i32_1 : i32, i32, i32, i32
  }
  func.func @transform_4(%arg0: i32) -> (i32, i32) {
    %c0_i32 = arith.constant 0 : i32
    %c0_i32_0 = arith.constant 0 : i32
    %c0_i32_1 = arith.constant 0 : i32
    return %c0_i32, %c0_i32_0 : i32, i32
  }
}

module attributes {stable_mosaic.version = 14 : i64} {
  func.func @_score_body(%arg0: i32, %arg1: memref<1x20x32x64xf32, #tpu.memory_space<vmem>>, %arg2: memref<1x512x1xi32, #tpu.memory_space<vmem>>, %arg3: memref<8x64xf32, #tpu.memory_space<vmem>>, %arg4: memref<1x64xf32, #tpu.memory_space<vmem>>, %arg5: memref<1x64xf32, #tpu.memory_space<vmem>>, %arg6: memref<64x2xf32, #tpu.memory_space<vmem>>, %arg7: memref<1x2xf32, #tpu.memory_space<vmem>>, %arg8: memref<1x32x17x20xf32, #tpu.memory_space<vmem>>, %arg9: memref<1x32x17x20xf32, #tpu.memory_space<vmem>>, %arg10: memref<32x8xf32, #tpu.memory_space<vmem>>) attributes {dimension_semantics = [#tpu.dimension_semantics<arbitrary>], iteration_bounds = array<i64: 32>, scalar_prefetch = 0 : i64, scratch_operands = 0 : i64, tpu.core_type = #tpu.core_type<tc>, window_params = [{transform_indices = @transform_0, window_bounds = array<i64: 1, 20, 32, 64>}, {transform_indices = @transform_1, window_bounds = array<i64: 1, 512, 1>}, {pipeline_mode = #tpu.pipeline_mode<synchronous>, transform_indices = @transform_2, window_bounds = array<i64: 8, 64>}, {pipeline_mode = #tpu.pipeline_mode<synchronous>, transform_indices = @transform_3, window_bounds = array<i64: 1, 64>}, {pipeline_mode = #tpu.pipeline_mode<synchronous>, transform_indices = @transform_4, window_bounds = array<i64: 1, 64>}, {pipeline_mode = #tpu.pipeline_mode<synchronous>, transform_indices = @transform_5, window_bounds = array<i64: 64, 2>}, {pipeline_mode = #tpu.pipeline_mode<synchronous>, transform_indices = @transform_6, window_bounds = array<i64: 1, 2>}, {transform_indices = @transform_7, window_bounds = array<i64: 1, 32, 17, 20>}, {transform_indices = @transform_8, window_bounds = array<i64: 1, 32, 17, 20>}, {pipeline_mode = #tpu.pipeline_mode<synchronous>, transform_indices = @transform_9, window_bounds = array<i64: 32, 8>}]} {
    %get3A = arith.constant 0 : index
    %get3A_0 = arith.constant 0 : index
    %get3A_1 = vector.load %arg3[%get3A, %get3A_0] : memref<8x64xf32, #tpu.memory_space<vmem>>, vector<1x64xf32>
    %div3A = arith.constant 2.048000e+04 : f32
    %div3A_2 = vector.broadcast %div3A : f32 to vector<1x64xf32>
    %div3A_3 = arith.divf %get3A_1, %div3A_2 : vector<1x64xf32>
    %get3A_4 = arith.constant 1 : index
    %get3A_5 = arith.constant 0 : index
    %get3A_6 = vector.load %arg3[%get3A_4, %get3A_5] : memref<8x64xf32, #tpu.memory_space<vmem>>, vector<1x64xf32>
    %div3A_7 = arith.constant 2.048000e+04 : f32
    %div3A_8 = vector.broadcast %div3A_7 : f32 to vector<1x64xf32>
    %div3A_9 = arith.divf %get3A_6, %div3A_8 : vector<1x64xf32>
    %mul3A = arith.mulf %div3A_3, %div3A_3 : vector<1x64xf32>
    %sub3A = arith.subf %div3A_9, %mul3A : vector<1x64xf32>
    %add3A = arith.constant 9.99999974E-6 : f32
    %add3A_10 = vector.broadcast %add3A : f32 to vector<1x64xf32>
    %add3A_11 = arith.addf %sub3A, %add3A_10 : vector<1x64xf32>
    %sqrt3A = math.sqrt %add3A_11 : vector<1x64xf32>
    %get3A_12 = arith.constant 0 : index
    %get3A_13 = arith.constant 0 : index
    %get3A_14 = arith.constant 0 : index
    %get3A_15 = arith.constant 0 : index
    %get3A_16 = vector.load %arg1[%get3A_12, %get3A_13, %get3A_14, %get3A_15] : memref<1x20x32x64xf32, #tpu.memory_space<vmem>>, vector<1x20x32x64xf32>
    %get3A_17 = vector.shape_cast %get3A_16 : vector<1x20x32x64xf32> to vector<20x32x64xf32>
    %reshape3A = vector.shape_cast %get3A_17 : vector<20x32x64xf32> to vector<640x64xf32>
    %sub3A_18 = vector.broadcast %div3A_3 : vector<1x64xf32> to vector<640x64xf32>
    %sub3A_19 = arith.subf %reshape3A, %sub3A_18 : vector<640x64xf32>
    %div3A_20 = vector.broadcast %sqrt3A : vector<1x64xf32> to vector<640x64xf32>
    %div3A_21 = arith.divf %sub3A_19, %div3A_20 : vector<640x64xf32>
    %get3A_22 = arith.constant 0 : index
    %get3A_23 = arith.constant 0 : index
    %get3A_24 = vector.load %arg4[%get3A_22, %get3A_23] : memref<1x64xf32, #tpu.memory_space<vmem>>, vector<1x64xf32>
    %mul3A_25 = vector.broadcast %get3A_24 : vector<1x64xf32> to vector<640x64xf32>
    %mul3A_26 = arith.mulf %div3A_21, %mul3A_25 : vector<640x64xf32>
    %get3A_27 = arith.constant 0 : index
    %get3A_28 = arith.constant 0 : index
    %get3A_29 = vector.load %arg5[%get3A_27, %get3A_28] : memref<1x64xf32, #tpu.memory_space<vmem>>, vector<1x64xf32>
    %add3A_30 = vector.broadcast %get3A_29 : vector<1x64xf32> to vector<640x64xf32>
    %add3A_31 = arith.addf %mul3A_26, %add3A_30 : vector<640x64xf32>
    %get3A_32 = arith.constant 0 : index
    %get3A_33 = arith.constant 0 : index
    %get3A_34 = vector.load %arg6[%get3A_32, %get3A_33] : memref<64x2xf32, #tpu.memory_space<vmem>>, vector<64x2xf32>
    %convert_element_type3A = arith.truncf %get3A_34 : vector<64x2xf32> to vector<64x2xbf16>
    %convert_element_type3A_35 = arith.extf %convert_element_type3A : vector<64x2xbf16> to vector<64x2xf32>
    %dot_general3A = arith.constant dense<0.000000e+00> : vector<640x2xf32>
    %dot_general3A_36 = tpu.matmul %add3A_31, %convert_element_type3A_35, %dot_general3A {dimension_numbers = #tpu.dot_dimension_numbers<[1], [0], [0], [1], [0, 0, 1, 1], [], []>, transpose_lhs_hint = false} : vector<640x64xf32>, vector<64x2xf32>, vector<640x2xf32> -> vector<640x2xf32>
    %get3A_37 = arith.constant 0 : index
    %get3A_38 = arith.constant 0 : index
    %get3A_39 = vector.load %arg7[%get3A_37, %get3A_38] : memref<1x2xf32, #tpu.memory_space<vmem>>, vector<1x2xf32>
    %add3A_40 = vector.broadcast %get3A_39 : vector<1x2xf32> to vector<640x2xf32>
    %add3A_41 = arith.addf %dot_general3A_36, %add3A_40 : vector<640x2xf32>
    %reshape3A_42 = vector.shape_cast %add3A_41 : vector<640x2xf32> to vector<20x32x2xf32>
    %slice3A = vector.extract_strided_slice %reshape3A_42 {offsets = [0, 0, 0], sizes = [20, 32, 1], strides = [1, 1, 1]} : vector<20x32x2xf32> to vector<20x32x1xf32>
    %squeeze3A = vector.shape_cast %slice3A : vector<20x32x1xf32> to vector<20x32xf32>
    %transpose3A = tpu.transpose %squeeze3A, [1, 0] : vector<20x32xf32> -> vector<32x20xf32>
    %slice3A_43 = vector.extract_strided_slice %reshape3A_42 {offsets = [0, 0, 1], sizes = [20, 32, 1], strides = [1, 1, 1]} : vector<20x32x2xf32> to vector<20x32x1xf32>
    %squeeze3A_44 = vector.shape_cast %slice3A_43 : vector<20x32x1xf32> to vector<20x32xf32>
    %transpose3A_45 = tpu.transpose %squeeze3A_44, [1, 0] : vector<20x32xf32> -> vector<32x20xf32>
    %get3A_46 = arith.constant 0 : index
    %get3A_47 = arith.constant 0 : index
    %get3A_48 = arith.constant 0 : index
    %get3A_49 = vector.load %arg2[%get3A_46, %get3A_47, %get3A_48] : memref<1x512x1xi32, #tpu.memory_space<vmem>>, vector<1x512x1xi32>
    %get3A_50 = vector.shape_cast %get3A_49 : vector<1x512x1xi32> to vector<512x1xi32>
    %iota3A = tpu.iota {dimensions = array<i32: 1>} : vector<512x32xi32>
    %eq3A = vector.broadcast %get3A_50 : vector<512x1xi32> to vector<512x32xi32>
    %eq3A_51 = arith.cmpi eq, %eq3A, %iota3A : vector<512x32xi32>
    %convert_element_type3A_52 = arith.extui %eq3A_51 : vector<512x32xi1> to vector<512x32xi32>
    %convert_element_type3A_53 = arith.sitofp %convert_element_type3A_52 : vector<512x32xi32> to vector<512x32xf32>
    %dot_general3A_54 = arith.constant dense<0.000000e+00> : vector<512x20xf32>
    %dot_general3A_55 = tpu.matmul %convert_element_type3A_53, %transpose3A, %dot_general3A_54 {dimension_numbers = #tpu.dot_dimension_numbers<[1], [0], [0], [1], [0, 0, 1, 1], [], []>, transpose_lhs_hint = false} : vector<512x32xf32>, vector<32x20xf32>, vector<512x20xf32> -> vector<512x20xf32>
    %reshape3A_56 = vector.shape_cast %dot_general3A_55 : vector<512x20xf32> to vector<32x16x20xf32>
    %dot_general3A_57 = arith.constant dense<0.000000e+00> : vector<512x20xf32>
    %dot_general3A_58 = tpu.matmul %convert_element_type3A_53, %transpose3A_45, %dot_general3A_57 {dimension_numbers = #tpu.dot_dimension_numbers<[1], [0], [0], [1], [0, 0, 1, 1], [], []>, transpose_lhs_hint = false} : vector<512x32xf32>, vector<32x20xf32>, vector<512x20xf32> -> vector<512x20xf32>
    %reshape3A_59 = vector.shape_cast %dot_general3A_58 : vector<512x20xf32> to vector<32x16x20xf32>
    %reshape3A_60 = vector.shape_cast %transpose3A : vector<32x20xf32> to vector<32x1x20xf32>
    %concatenate3A = tpu.concatenate %reshape3A_60, %reshape3A_56 in 1 : vector<32x1x20xf32>, vector<32x16x20xf32> -> vector<32x17x20xf32>
    %reshape3A_61 = vector.shape_cast %transpose3A_45 : vector<32x20xf32> to vector<32x1x20xf32>
    %concatenate3A_62 = tpu.concatenate %reshape3A_61, %reshape3A_59 in 1 : vector<32x1x20xf32>, vector<32x16x20xf32> -> vector<32x17x20xf32>
    %swap3A = arith.constant 0 : index
    %swap3A_63 = arith.constant 0 : index
    %swap3A_64 = arith.constant 0 : index
    %swap3A_65 = arith.constant 0 : index
    %swap3A_66 = vector.load %arg8[%swap3A, %swap3A_63, %swap3A_64, %swap3A_65] : memref<1x32x17x20xf32, #tpu.memory_space<vmem>>, vector<1x32x17x20xf32>
    %swap3A_67 = vector.shape_cast %swap3A_66 : vector<1x32x17x20xf32> to vector<32x17x20xf32>
    %swap3A_68 = vector.shape_cast %concatenate3A : vector<32x17x20xf32> to vector<1x32x17x20xf32>
    tpu.vector_store %arg8[%swap3A, %swap3A_63, %swap3A_64, %swap3A_65], %swap3A_68 {strides = array<i32>} : memref<1x32x17x20xf32, #tpu.memory_space<vmem>>, vector<1x32x17x20xf32>,
    %swap3A_69 = arith.constant 0 : index
    %swap3A_70 = arith.constant 0 : index
    %swap3A_71 = arith.constant 0 : index
    %swap3A_72 = arith.constant 0 : index
    %swap3A_73 = vector.load %arg9[%swap3A_69, %swap3A_70, %swap3A_71, %swap3A_72] : memref<1x32x17x20xf32, #tpu.memory_space<vmem>>, vector<1x32x17x20xf32>
    %swap3A_74 = vector.shape_cast %swap3A_73 : vector<1x32x17x20xf32> to vector<32x17x20xf32>
    %swap3A_75 = vector.shape_cast %concatenate3A_62 : vector<32x17x20xf32> to vector<1x32x17x20xf32>
    tpu.vector_store %arg9[%swap3A_69, %swap3A_70, %swap3A_71, %swap3A_72], %swap3A_75 {strides = array<i32>} : memref<1x32x17x20xf32, #tpu.memory_space<vmem>>, vector<1x32x17x20xf32>,
    %eq3A_76 = arith.constant 0 : i32
    %eq3A_77 = arith.cmpi eq, %arg0, %eq3A_76 : i32
    %convert_element_type3A_78 = arith.extui %eq3A_77 : i1 to i32
    %cond3A = arith.constant 0 : i32
    %cond3A_79 = arith.cmpi ne, %convert_element_type3A_78, %cond3A : i32
    scf.if %cond3A_79 {
      %broadcast_in_dim3A_128 = arith.constant 0.000000e+00 : f32
      %broadcast_in_dim3A_129 = vector.broadcast %broadcast_in_dim3A_128 : f32 to vector<32x8xf32>
      %swap3A_130 = arith.constant 0 : index
      %swap3A_131 = arith.constant 0 : index
      %swap3A_132 = vector.load %arg10[%swap3A_130, %swap3A_131] : memref<32x8xf32, #tpu.memory_space<vmem>>, vector<32x8xf32>
      tpu.vector_store %arg10[%swap3A_130, %swap3A_131], %broadcast_in_dim3A_129 {strides = array<i32>} : memref<32x8xf32, #tpu.memory_space<vmem>>, vector<32x8xf32>,
    } else {
    }
    %get3A_80 = arith.constant 0 : index
    %get3A_81 = arith.constant 0 : index
    %get3A_82 = vector.load %arg10[%get3A_80, %get3A_81] : memref<32x8xf32, #tpu.memory_space<vmem>>, vector<32x1xf32>
    %reduce_sum3A = arith.constant dense<0.000000e+00> : vector<32x17xf32>
    %reduce_sum3A_83 = vector.multi_reduction <add>, %concatenate3A, %reduce_sum3A [2] : vector<32x17x20xf32> to vector<32x17xf32>
    %reduce_sum3A_84 = arith.constant dense<0.000000e+00> : vector<32xf32>
    %reduce_sum3A_85 = vector.multi_reduction <add>, %reduce_sum3A_83, %reduce_sum3A_84 [1] : vector<32x17xf32> to vector<32xf32>
    %broadcast_in_dim3A = vector.shape_cast %reduce_sum3A_85 : vector<32xf32> to vector<32x1xf32>
    %add3A_86 = arith.addf %get3A_82, %broadcast_in_dim3A : vector<32x1xf32>
    %swap3A_87 = arith.constant 0 : index
    %swap3A_88 = arith.constant 0 : index
    %swap3A_89 = vector.load %arg10[%swap3A_87, %swap3A_88] : memref<32x8xf32, #tpu.memory_space<vmem>>, vector<32x1xf32>
    tpu.vector_store %arg10[%swap3A_87, %swap3A_88], %add3A_86 {strides = array<i32>} : memref<32x8xf32, #tpu.memory_space<vmem>>, vector<32x1xf32>,
    %get3A_90 = arith.constant 0 : index
    %get3A_91 = arith.constant 1 : index
    %get3A_92 = vector.load %arg10[%get3A_90, %get3A_91] : memref<32x8xf32, #tpu.memory_space<vmem>>, vector<32x1xf32>
    %mul3A_93 = arith.mulf %concatenate3A, %concatenate3A : vector<32x17x20xf32>
    %reduce_sum3A_94 = arith.constant dense<0.000000e+00> : vector<32x17xf32>
    %reduce_sum3A_95 = vector.multi_reduction <add>, %mul3A_93, %reduce_sum3A_94 [2] : vector<32x17x20xf32> to vector<32x17xf32>
    %reduce_sum3A_96 = arith.constant dense<0.000000e+00> : vector<32xf32>
    %reduce_sum3A_97 = vector.multi_reduction <add>, %reduce_sum3A_95, %reduce_sum3A_96 [1] : vector<32x17xf32> to vector<32xf32>
    %broadcast_in_dim3A_98 = vector.shape_cast %reduce_sum3A_97 : vector<32xf32> to vector<32x1xf32>
    %add3A_99 = arith.addf %get3A_92, %broadcast_in_dim3A_98 : vector<32x1xf32>
    %swap3A_100 = arith.constant 0 : index
    %swap3A_101 = arith.constant 1 : index
    %swap3A_102 = vector.load %arg10[%swap3A_100, %swap3A_101] : memref<32x8xf32, #tpu.memory_space<vmem>>, vector<32x1xf32>
    tpu.vector_store %arg10[%swap3A_100, %swap3A_101], %add3A_99 {strides = array<i32>} : memref<32x8xf32, #tpu.memory_space<vmem>>, vector<32x1xf32>,
    %get3A_103 = arith.constant 0 : index
    %get3A_104 = arith.constant 2 : index
    %get3A_105 = vector.load %arg10[%get3A_103, %get3A_104] : memref<32x8xf32, #tpu.memory_space<vmem>>, vector<32x1xf32>
    %reduce_sum3A_106 = arith.constant dense<0.000000e+00> : vector<32x17xf32>
    %reduce_sum3A_107 = vector.multi_reduction <add>, %concatenate3A_62, %reduce_sum3A_106 [2] : vector<32x17x20xf32> to vector<32x17xf32>
    %reduce_sum3A_108 = arith.constant dense<0.000000e+00> : vector<32xf32>
    %reduce_sum3A_109 = vector.multi_reduction <add>, %reduce_sum3A_107, %reduce_sum3A_108 [1] : vector<32x17xf32> to vector<32xf32>
    %broadcast_in_dim3A_110 = vector.shape_cast %reduce_sum3A_109 : vector<32xf32> to vector<32x1xf32>
    %add3A_111 = arith.addf %get3A_105, %broadcast_in_dim3A_110 : vector<32x1xf32>
    %swap3A_112 = arith.constant 0 : index
    %swap3A_113 = arith.constant 2 : index
    %swap3A_114 = vector.load %arg10[%swap3A_112, %swap3A_113] : memref<32x8xf32, #tpu.memory_space<vmem>>, vector<32x1xf32>
    tpu.vector_store %arg10[%swap3A_112, %swap3A_113], %add3A_111 {strides = array<i32>} : memref<32x8xf32, #tpu.memory_space<vmem>>, vector<32x1xf32>,
    %get3A_115 = arith.constant 0 : index
    %get3A_116 = arith.constant 3 : index
    %get3A_117 = vector.load %arg10[%get3A_115, %get3A_116] : memref<32x8xf32, #tpu.memory_space<vmem>>, vector<32x1xf32>
    %mul3A_118 = arith.mulf %concatenate3A_62, %concatenate3A_62 : vector<32x17x20xf32>
    %reduce_sum3A_119 = arith.constant dense<0.000000e+00> : vector<32x17xf32>
    %reduce_sum3A_120 = vector.multi_reduction <add>, %mul3A_118, %reduce_sum3A_119 [2] : vector<32x17x20xf32> to vector<32x17xf32>
    %reduce_sum3A_121 = arith.constant dense<0.000000e+00> : vector<32xf32>
    %reduce_sum3A_122 = vector.multi_reduction <add>, %reduce_sum3A_120, %reduce_sum3A_121 [1] : vector<32x17xf32> to vector<32xf32>
    %broadcast_in_dim3A_123 = vector.shape_cast %reduce_sum3A_122 : vector<32xf32> to vector<32x1xf32>
    %add3A_124 = arith.addf %get3A_117, %broadcast_in_dim3A_123 : vector<32x1xf32>
    %swap3A_125 = arith.constant 0 : index
    %swap3A_126 = arith.constant 3 : index
    %swap3A_127 = vector.load %arg10[%swap3A_125, %swap3A_126] : memref<32x8xf32, #tpu.memory_space<vmem>>, vector<32x1xf32>
    tpu.vector_store %arg10[%swap3A_125, %swap3A_126], %add3A_124 {strides = array<i32>} : memref<32x8xf32, #tpu.memory_space<vmem>>, vector<32x1xf32>,
    return
  }
  func.func @transform_0(%arg0: i32) -> (i32, i32, i32, i32) {
    %c0_i32 = arith.constant 0 : i32
    %c0_i32_0 = arith.constant 0 : i32
    %c0_i32_1 = arith.constant 0 : i32
    %c0_i32_2 = arith.constant 0 : i32
    return %arg0, %c0_i32, %c0_i32_0, %c0_i32_1 : i32, i32, i32, i32
  }
  func.func @transform_1(%arg0: i32) -> (i32, i32, i32) {
    %c0_i32 = arith.constant 0 : i32
    %c0_i32_0 = arith.constant 0 : i32
    %c0_i32_1 = arith.constant 0 : i32
    return %arg0, %c0_i32, %c0_i32_0 : i32, i32, i32
  }
  func.func @transform_2(%arg0: i32) -> (i32, i32) {
    %c0_i32 = arith.constant 0 : i32
    %c0_i32_0 = arith.constant 0 : i32
    %c0_i32_1 = arith.constant 0 : i32
    return %c0_i32, %c0_i32_0 : i32, i32
  }
  func.func @transform_3(%arg0: i32) -> (i32, i32) {
    %c0_i32 = arith.constant 0 : i32
    %c0_i32_0 = arith.constant 0 : i32
    %c0_i32_1 = arith.constant 0 : i32
    return %c0_i32, %c0_i32_0 : i32, i32
  }
  func.func @transform_4(%arg0: i32) -> (i32, i32) {
    %c0_i32 = arith.constant 0 : i32
    %c0_i32_0 = arith.constant 0 : i32
    %c0_i32_1 = arith.constant 0 : i32
    return %c0_i32, %c0_i32_0 : i32, i32
  }
  func.func @transform_5(%arg0: i32) -> (i32, i32) {
    %c0_i32 = arith.constant 0 : i32
    %c0_i32_0 = arith.constant 0 : i32
    %c0_i32_1 = arith.constant 0 : i32
    return %c0_i32, %c0_i32_0 : i32, i32
  }
  func.func @transform_6(%arg0: i32) -> (i32, i32) {
    %c0_i32 = arith.constant 0 : i32
    %c0_i32_0 = arith.constant 0 : i32
    %c0_i32_1 = arith.constant 0 : i32
    return %c0_i32, %c0_i32_0 : i32, i32
  }
  func.func @transform_7(%arg0: i32) -> (i32, i32, i32, i32) {
    %c0_i32 = arith.constant 0 : i32
    %c0_i32_0 = arith.constant 0 : i32
    %c0_i32_1 = arith.constant 0 : i32
    %c0_i32_2 = arith.constant 0 : i32
    return %arg0, %c0_i32, %c0_i32_0, %c0_i32_1 : i32, i32, i32, i32
  }
  func.func @transform_8(%arg0: i32) -> (i32, i32, i32, i32) {
    %c0_i32 = arith.constant 0 : i32
    %c0_i32_0 = arith.constant 0 : i32
    %c0_i32_1 = arith.constant 0 : i32
    %c0_i32_2 = arith.constant 0 : i32
    return %arg0, %c0_i32, %c0_i32_0, %c0_i32_1 : i32, i32, i32, i32
  }
  func.func @transform_9(%arg0: i32) -> (i32, i32) {
    %c0_i32 = arith.constant 0 : i32
    %c0_i32_0 = arith.constant 0 : i32
    %c0_i32_1 = arith.constant 0 : i32
    return %c0_i32, %c0_i32_0 : i32, i32
  }
}

module attributes {stable_mosaic.version = 14 : i64} {
  func.func @_select_body(%arg0: i32, %arg1: memref<1x32x17x20xf32, #tpu.memory_space<vmem>>, %arg2: memref<1x32x17x20xf32, #tpu.memory_space<vmem>>, %arg3: memref<32x8xf32, #tpu.memory_space<vmem>>, %arg4: memref<32x1xf32, #tpu.memory_space<vmem>>, %arg5: memref<32x1xf32, #tpu.memory_space<vmem>>, %arg6: memref<32x1xf32, #tpu.memory_space<vmem>>, %arg7: memref<32x1xf32, #tpu.memory_space<vmem>>, %arg8: memref<1x32x17x20xf32, #tpu.memory_space<vmem>>, %arg9: memref<1x32x1xi32, #tpu.memory_space<vmem>>, %arg10: memref<1x32x16xi32, #tpu.memory_space<vmem>>, %arg11: memref<1x32x72xi32, #tpu.memory_space<vmem>>) attributes {dimension_semantics = [#tpu.dimension_semantics<arbitrary>], iteration_bounds = array<i64: 32>, scalar_prefetch = 0 : i64, scratch_operands = 0 : i64, tpu.core_type = #tpu.core_type<tc>, window_params = [{transform_indices = @transform_0, window_bounds = array<i64: 1, 32, 17, 20>}, {transform_indices = @transform_1, window_bounds = array<i64: 1, 32, 17, 20>}, {pipeline_mode = #tpu.pipeline_mode<synchronous>, transform_indices = @transform_2, window_bounds = array<i64: 32, 8>}, {pipeline_mode = #tpu.pipeline_mode<synchronous>, transform_indices = @transform_3, window_bounds = array<i64: 32, 1>}, {pipeline_mode = #tpu.pipeline_mode<synchronous>, transform_indices = @transform_4, window_bounds = array<i64: 32, 1>}, {pipeline_mode = #tpu.pipeline_mode<synchronous>, transform_indices = @transform_5, window_bounds = array<i64: 32, 1>}, {pipeline_mode = #tpu.pipeline_mode<synchronous>, transform_indices = @transform_6, window_bounds = array<i64: 32, 1>}, {transform_indices = @transform_7, window_bounds = array<i64: 1, 32, 17, 20>}, {transform_indices = @transform_8, window_bounds = array<i64: 1, 32, 1>}, {transform_indices = @transform_9, window_bounds = array<i64: 1, 32, 16>}, {transform_indices = @transform_10, window_bounds = array<i64: 1, 32, 72>}]} {
    %get3A = arith.constant 0 : index
    %get3A_0 = arith.constant 0 : index
    %get3A_1 = vector.load %arg3[%get3A, %get3A_0] : memref<32x8xf32, #tpu.memory_space<vmem>>, vector<32x1xf32>
    %get3A_2 = arith.constant 0 : index
    %get3A_3 = arith.constant 1 : index
    %get3A_4 = vector.load %arg3[%get3A_2, %get3A_3] : memref<32x8xf32, #tpu.memory_space<vmem>>, vector<32x1xf32>
    %get3A_5 = arith.constant 0 : index
    %get3A_6 = arith.constant 2 : index
    %get3A_7 = vector.load %arg3[%get3A_5, %get3A_6] : memref<32x8xf32, #tpu.memory_space<vmem>>, vector<32x1xf32>
    %get3A_8 = arith.constant 0 : index
    %get3A_9 = arith.constant 3 : index
    %get3A_10 = vector.load %arg3[%get3A_8, %get3A_9] : memref<32x8xf32, #tpu.memory_space<vmem>>, vector<32x1xf32>
    %div3A = arith.constant 1.088000e+04 : f32
    %div3A_11 = vector.broadcast %div3A : f32 to vector<32x1xf32>
    %div3A_12 = arith.divf %get3A_1, %div3A_11 : vector<32x1xf32>
    %div3A_13 = arith.constant 1.088000e+04 : f32
    %div3A_14 = vector.broadcast %div3A_13 : f32 to vector<32x1xf32>
    %div3A_15 = arith.divf %get3A_4, %div3A_14 : vector<32x1xf32>
    %mul3A = arith.mulf %div3A_12, %div3A_12 : vector<32x1xf32>
    %sub3A = arith.subf %div3A_15, %mul3A : vector<32x1xf32>
    %add3A = arith.constant 9.99999974E-6 : f32
    %add3A_16 = vector.broadcast %add3A : f32 to vector<32x1xf32>
    %add3A_17 = arith.addf %sub3A, %add3A_16 : vector<32x1xf32>
    %sqrt3A = math.sqrt %add3A_17 : vector<32x1xf32>
    %div3A_18 = arith.constant 1.088000e+04 : f32
    %div3A_19 = vector.broadcast %div3A_18 : f32 to vector<32x1xf32>
    %div3A_20 = arith.divf %get3A_7, %div3A_19 : vector<32x1xf32>
    %div3A_21 = arith.constant 1.088000e+04 : f32
    %div3A_22 = vector.broadcast %div3A_21 : f32 to vector<32x1xf32>
    %div3A_23 = arith.divf %get3A_10, %div3A_22 : vector<32x1xf32>
    %mul3A_24 = arith.mulf %div3A_20, %div3A_20 : vector<32x1xf32>
    %sub3A_25 = arith.subf %div3A_23, %mul3A_24 : vector<32x1xf32>
    %add3A_26 = arith.constant 9.99999974E-6 : f32
    %add3A_27 = vector.broadcast %add3A_26 : f32 to vector<32x1xf32>
    %add3A_28 = arith.addf %sub3A_25, %add3A_27 : vector<32x1xf32>
    %sqrt3A_29 = math.sqrt %add3A_28 : vector<32x1xf32>
    %get3A_30 = arith.constant 0 : index
    %get3A_31 = arith.constant 0 : index
    %get3A_32 = arith.constant 0 : index
    %get3A_33 = arith.constant 0 : index
    %get3A_34 = vector.load %arg1[%get3A_30, %get3A_31, %get3A_32, %get3A_33] : memref<1x32x17x20xf32, #tpu.memory_space<vmem>>, vector<1x32x17x20xf32>
    %get3A_35 = vector.shape_cast %get3A_34 : vector<1x32x17x20xf32> to vector<32x17x20xf32>
    %reshape3A = vector.shape_cast %div3A_12 : vector<32x1xf32> to vector<32x1x1xf32>
    %sub3A_36 = vector.broadcast %reshape3A : vector<32x1x1xf32> to vector<32x17x20xf32>
    %sub3A_37 = arith.subf %get3A_35, %sub3A_36 : vector<32x17x20xf32>
    %reshape3A_38 = vector.shape_cast %sqrt3A : vector<32x1xf32> to vector<32x1x1xf32>
    %div3A_39 = vector.broadcast %reshape3A_38 : vector<32x1x1xf32> to vector<32x17x20xf32>
    %div3A_40 = arith.divf %sub3A_37, %div3A_39 : vector<32x17x20xf32>
    %get3A_41 = arith.constant 0 : index
    %get3A_42 = arith.constant 0 : index
    %get3A_43 = vector.load %arg4[%get3A_41, %get3A_42] : memref<32x1xf32, #tpu.memory_space<vmem>>, vector<32x1xf32>
    %reshape3A_44 = vector.shape_cast %get3A_43 : vector<32x1xf32> to vector<32x1x1xf32>
    %mul3A_45 = vector.broadcast %reshape3A_44 : vector<32x1x1xf32> to vector<32x17x20xf32>
    %mul3A_46 = arith.mulf %div3A_40, %mul3A_45 : vector<32x17x20xf32>
    %get3A_47 = arith.constant 0 : index
    %get3A_48 = arith.constant 0 : index
    %get3A_49 = vector.load %arg5[%get3A_47, %get3A_48] : memref<32x1xf32, #tpu.memory_space<vmem>>, vector<32x1xf32>
    %reshape3A_50 = vector.shape_cast %get3A_49 : vector<32x1xf32> to vector<32x1x1xf32>
    %add3A_51 = vector.broadcast %reshape3A_50 : vector<32x1x1xf32> to vector<32x17x20xf32>
    %add3A_52 = arith.addf %mul3A_46, %add3A_51 : vector<32x17x20xf32>
    %tanh3A = math.tanh %add3A_52 : vector<32x17x20xf32>
    %get3A_53 = arith.constant 0 : index
    %get3A_54 = arith.constant 0 : index
    %get3A_55 = arith.constant 0 : index
    %get3A_56 = arith.constant 0 : index
    %get3A_57 = vector.load %arg2[%get3A_53, %get3A_54, %get3A_55, %get3A_56] : memref<1x32x17x20xf32, #tpu.memory_space<vmem>>, vector<1x32x17x20xf32>
    %get3A_58 = vector.shape_cast %get3A_57 : vector<1x32x17x20xf32> to vector<32x17x20xf32>
    %reshape3A_59 = vector.shape_cast %div3A_20 : vector<32x1xf32> to vector<32x1x1xf32>
    %sub3A_60 = vector.broadcast %reshape3A_59 : vector<32x1x1xf32> to vector<32x17x20xf32>
    %sub3A_61 = arith.subf %get3A_58, %sub3A_60 : vector<32x17x20xf32>
    %reshape3A_62 = vector.shape_cast %sqrt3A_29 : vector<32x1xf32> to vector<32x1x1xf32>
    %div3A_63 = vector.broadcast %reshape3A_62 : vector<32x1x1xf32> to vector<32x17x20xf32>
    %div3A_64 = arith.divf %sub3A_61, %div3A_63 : vector<32x17x20xf32>
    %get3A_65 = arith.constant 0 : index
    %get3A_66 = arith.constant 0 : index
    %get3A_67 = vector.load %arg6[%get3A_65, %get3A_66] : memref<32x1xf32, #tpu.memory_space<vmem>>, vector<32x1xf32>
    %reshape3A_68 = vector.shape_cast %get3A_67 : vector<32x1xf32> to vector<32x1x1xf32>
    %mul3A_69 = vector.broadcast %reshape3A_68 : vector<32x1x1xf32> to vector<32x17x20xf32>
    %mul3A_70 = arith.mulf %div3A_64, %mul3A_69 : vector<32x17x20xf32>
    %get3A_71 = arith.constant 0 : index
    %get3A_72 = arith.constant 0 : index
    %get3A_73 = vector.load %arg7[%get3A_71, %get3A_72] : memref<32x1xf32, #tpu.memory_space<vmem>>, vector<32x1xf32>
    %reshape3A_74 = vector.shape_cast %get3A_73 : vector<32x1xf32> to vector<32x1x1xf32>
    %add3A_75 = vector.broadcast %reshape3A_74 : vector<32x1x1xf32> to vector<32x17x20xf32>
    %add3A_76 = arith.addf %mul3A_70, %add3A_75 : vector<32x17x20xf32>
    %jit3A = arith.constant -1.000000e+01 : f32
    %jit3A_77 = arith.constant 2.000000e+00 : f32
    %max3A = vector.broadcast %jit3A : f32 to vector<32x17x20xf32>
    %max3A_78 = arith.maximumf %max3A, %add3A_76 : vector<32x17x20xf32>
    %min3A = vector.broadcast %jit3A_77 : f32 to vector<32x17x20xf32>
    %min3A_79 = arith.minimumf %min3A, %max3A_78 : vector<32x17x20xf32>
    %get3A_80 = arith.constant 0 : index
    %get3A_81 = arith.constant 0 : index
    %get3A_82 = arith.constant 0 : index
    %get3A_83 = arith.constant 0 : index
    %get3A_84 = vector.load %arg8[%get3A_80, %get3A_81, %get3A_82, %get3A_83] : memref<1x32x17x20xf32, #tpu.memory_space<vmem>>, vector<1x32x17x20xf32>
    %get3A_85 = vector.shape_cast %get3A_84 : vector<1x32x17x20xf32> to vector<32x17x20xf32>
    %exp3A = math.exp %min3A_79 : vector<32x17x20xf32>
    %mul3A_86 = arith.mulf %get3A_85, %exp3A : vector<32x17x20xf32>
    %add3A_87 = arith.addf %mul3A_86, %tanh3A : vector<32x17x20xf32>
    %slice3A = vector.extract_strided_slice %add3A_87 {offsets = [0, 0, 0], sizes = [32, 1, 20], strides = [1, 1, 1]} : vector<32x17x20xf32> to vector<32x1x20xf32>
    %squeeze3A = vector.shape_cast %slice3A : vector<32x1x20xf32> to vector<32x20xf32>
    %slice3A_88 = vector.extract_strided_slice %add3A_87 {offsets = [0, 1, 0], sizes = [32, 16, 20], strides = [1, 1, 1]} : vector<32x17x20xf32> to vector<32x16x20xf32>
    %iota3A = tpu.iota {dimensions = array<i32: 1>} : vector<32x16x20xi32>
    %get3A_89 = arith.constant 0 : index
    %get3A_90 = arith.constant 0 : index
    %get3A_91 = arith.constant 0 : index
    %get3A_92 = vector.load %arg9[%get3A_89, %get3A_90, %get3A_91] : memref<1x32x1xi32, #tpu.memory_space<vmem>>, vector<1x32x1xi32>
    %get3A_93 = vector.shape_cast %get3A_92 : vector<1x32x1xi32> to vector<32x1xi32>
    %reshape3A_94 = vector.shape_cast %get3A_93 : vector<32x1xi32> to vector<32x1x1xi32>
    %lt3A = vector.broadcast %reshape3A_94 : vector<32x1x1xi32> to vector<32x16x20xi32>
    %lt3A_95 = arith.cmpi slt, %iota3A, %lt3A : vector<32x16x20xi32>
    %jit3A_96 = arith.constant -1.000000e+09 : f32
    %broadcast_in_dim3A = vector.broadcast %jit3A_96 : f32 to vector<32x16x20xf32>
    %select_n3A = arith.select %lt3A_95, %slice3A_88, %broadcast_in_dim3A : vector<32x16x20xi1>, vector<32x16x20xf32>
    %iota3A_97 = tpu.iota {dimensions = array<i32: 1>} : vector<32x20xi32>
    %iota3A_98 = tpu.iota {dimensions = array<i32: 2>} : vector<32x16x20xi32>
    %iota3A_99 = tpu.iota {dimensions = array<i32: 1>} : vector<32x16xi32>
    %iota3A_100 = tpu.iota {dimensions = array<i32: 0>} : vector<32x1xi32>
    %get3A_101 = arith.constant 0 : index
    %get3A_102 = arith.constant 0 : index
    %get3A_103 = arith.constant 0 : index
    %get3A_104 = vector.load %arg10[%get3A_101, %get3A_102, %get3A_103] : memref<1x32x16xi32, #tpu.memory_space<vmem>>, vector<1x32x16xi32>
    %get3A_105 = vector.shape_cast %get3A_104 : vector<1x32x16xi32> to vector<32x16xi32>
    %convert_element_type3A = arith.sitofp %get3A_105 : vector<32x16xi32> to vector<32x16xf32>
    %reduce_max3A = arith.constant dense<0xFF800000> : vector<32xf32>
    %reduce_max3A_106 = vector.multi_reduction <maximumf>, %squeeze3A, %reduce_max3A [1] : vector<32x20xf32> to vector<32xf32>
    %broadcast_in_dim3A_107 = vector.shape_cast %reduce_max3A_106 : vector<32xf32> to vector<32x1xf32>
    %ge3A = vector.broadcast %broadcast_in_dim3A_107 : vector<32x1xf32> to vector<32x20xf32>
    %ge3A_108 = arith.cmpf oge, %squeeze3A, %ge3A : vector<32x20xf32>
    %jit3A_109 = arith.constant 20 : i32
    %broadcast_in_dim3A_110 = vector.broadcast %jit3A_109 : i32 to vector<32x20xi32>
    %select_n3A_111 = arith.select %ge3A_108, %iota3A_97, %broadcast_in_dim3A_110 : vector<32x20xi1>, vector<32x20xi32>
    %reduce_min3A = arith.constant dense<2147483647> : vector<32xi32>
    %reduce_min3A_112 = vector.multi_reduction <minsi>, %select_n3A_111, %reduce_min3A [1] : vector<32x20xi32> to vector<32xi32>
    %broadcast_in_dim3A_113 = vector.shape_cast %reduce_min3A_112 : vector<32xi32> to vector<32x1xi32>
    %eq3A = vector.broadcast %broadcast_in_dim3A_113 : vector<32x1xi32> to vector<32x20xi32>
    %eq3A_114 = arith.cmpi eq, %iota3A_97, %eq3A : vector<32x20xi32>
    %jit3A_115 = arith.constant 0xFF800000 : f32
    %broadcast_in_dim3A_116 = vector.broadcast %jit3A_115 : f32 to vector<32x20xf32>
    %select_n3A_117 = arith.select %eq3A_114, %broadcast_in_dim3A_116, %squeeze3A : vector<32x20xi1>, vector<32x20xf32>
    %reduce_max3A_118 = arith.constant dense<0xFF800000> : vector<32xf32>
    %reduce_max3A_119 = vector.multi_reduction <maximumf>, %select_n3A_117, %reduce_max3A_118 [1] : vector<32x20xf32> to vector<32xf32>
    %broadcast_in_dim3A_120 = vector.shape_cast %reduce_max3A_119 : vector<32xf32> to vector<32x1xf32>
    %ge3A_121 = vector.broadcast %broadcast_in_dim3A_120 : vector<32x1xf32> to vector<32x20xf32>
    %ge3A_122 = arith.cmpf oge, %select_n3A_117, %ge3A_121 : vector<32x20xf32>
    %jit3A_123 = arith.constant 20 : i32
    %broadcast_in_dim3A_124 = vector.broadcast %jit3A_123 : i32 to vector<32x20xi32>
    %select_n3A_125 = arith.select %ge3A_122, %iota3A_97, %broadcast_in_dim3A_124 : vector<32x20xi1>, vector<32x20xi32>
    %reduce_min3A_126 = arith.constant dense<2147483647> : vector<32xi32>
    %reduce_min3A_127 = vector.multi_reduction <minsi>, %select_n3A_125, %reduce_min3A_126 [1] : vector<32x20xi32> to vector<32xi32>
    %broadcast_in_dim3A_128 = vector.shape_cast %reduce_min3A_127 : vector<32xi32> to vector<32x1xi32>
    %eq3A_129 = vector.broadcast %broadcast_in_dim3A_128 : vector<32x1xi32> to vector<32x20xi32>
    %eq3A_130 = arith.cmpi eq, %iota3A_97, %eq3A_129 : vector<32x20xi32>
    %jit3A_131 = arith.constant 0xFF800000 : f32
    %broadcast_in_dim3A_132 = vector.broadcast %jit3A_131 : f32 to vector<32x20xf32>
    %select_n3A_133 = arith.select %eq3A_130, %broadcast_in_dim3A_132, %select_n3A_117 : vector<32x20xi1>, vector<32x20xf32>
    %reduce_max3A_134 = arith.constant dense<0xFF800000> : vector<32xf32>
    %reduce_max3A_135 = vector.multi_reduction <maximumf>, %select_n3A_133, %reduce_max3A_134 [1] : vector<32x20xf32> to vector<32xf32>
    %broadcast_in_dim3A_136 = vector.shape_cast %reduce_max3A_135 : vector<32xf32> to vector<32x1xf32>
    %ge3A_137 = vector.broadcast %broadcast_in_dim3A_136 : vector<32x1xf32> to vector<32x20xf32>
    %ge3A_138 = arith.cmpf oge, %select_n3A_133, %ge3A_137 : vector<32x20xf32>
    %jit3A_139 = arith.constant 20 : i32
    %broadcast_in_dim3A_140 = vector.broadcast %jit3A_139 : i32 to vector<32x20xi32>
    %select_n3A_141 = arith.select %ge3A_138, %iota3A_97, %broadcast_in_dim3A_140 : vector<32x20xi1>, vector<32x20xi32>
    %reduce_min3A_142 = arith.constant dense<2147483647> : vector<32xi32>
    %reduce_min3A_143 = vector.multi_reduction <minsi>, %select_n3A_141, %reduce_min3A_142 [1] : vector<32x20xi32> to vector<32xi32>
    %broadcast_in_dim3A_144 = vector.shape_cast %reduce_min3A_143 : vector<32xi32> to vector<32x1xi32>
    %eq3A_145 = vector.broadcast %broadcast_in_dim3A_144 : vector<32x1xi32> to vector<32x20xi32>
    %eq3A_146 = arith.cmpi eq, %iota3A_97, %eq3A_145 : vector<32x20xi32>
    %jit3A_147 = arith.constant 0xFF800000 : f32
    %broadcast_in_dim3A_148 = vector.broadcast %jit3A_147 : f32 to vector<32x20xf32>
    %select_n3A_149 = arith.select %eq3A_146, %broadcast_in_dim3A_148, %select_n3A_133 : vector<32x20xi1>, vector<32x20xf32>
    %reduce_max3A_150 = arith.constant dense<0xFF800000> : vector<32xf32>
    %reduce_max3A_151 = vector.multi_reduction <maximumf>, %select_n3A_149, %reduce_max3A_150 [1] : vector<32x20xf32> to vector<32xf32>
    %broadcast_in_dim3A_152 = vector.shape_cast %reduce_max3A_151 : vector<32xf32> to vector<32x1xf32>
    %ge3A_153 = vector.broadcast %broadcast_in_dim3A_152 : vector<32x1xf32> to vector<32x20xf32>
    %ge3A_154 = arith.cmpf oge, %select_n3A_149, %ge3A_153 : vector<32x20xf32>
    %jit3A_155 = arith.constant 20 : i32
    %broadcast_in_dim3A_156 = vector.broadcast %jit3A_155 : i32 to vector<32x20xi32>
    %select_n3A_157 = arith.select %ge3A_154, %iota3A_97, %broadcast_in_dim3A_156 : vector<32x20xi1>, vector<32x20xi32>
    %reduce_min3A_158 = arith.constant dense<2147483647> : vector<32xi32>
    %reduce_min3A_159 = vector.multi_reduction <minsi>, %select_n3A_157, %reduce_min3A_158 [1] : vector<32x20xi32> to vector<32xi32>
    %broadcast_in_dim3A_160 = vector.shape_cast %reduce_min3A_159 : vector<32xi32> to vector<32x1xi32>
    %eq3A_161 = vector.broadcast %broadcast_in_dim3A_160 : vector<32x1xi32> to vector<32x20xi32>
    %eq3A_162 = arith.cmpi eq, %iota3A_97, %eq3A_161 : vector<32x20xi32>
    %jit3A_163 = arith.constant 0xFF800000 : f32
    %broadcast_in_dim3A_164 = vector.broadcast %jit3A_163 : f32 to vector<32x20xf32>
    %select_n3A_165 = arith.select %eq3A_162, %broadcast_in_dim3A_164, %select_n3A_149 : vector<32x20xi1>, vector<32x20xf32>
    %reduce_max3A_166 = arith.constant dense<0xFF800000> : vector<32xf32>
    %reduce_max3A_167 = vector.multi_reduction <maximumf>, %select_n3A_165, %reduce_max3A_166 [1] : vector<32x20xf32> to vector<32xf32>
    %broadcast_in_dim3A_168 = vector.shape_cast %reduce_max3A_167 : vector<32xf32> to vector<32x1xf32>
    %ge3A_169 = vector.broadcast %broadcast_in_dim3A_168 : vector<32x1xf32> to vector<32x20xf32>
    %ge3A_170 = arith.cmpf oge, %select_n3A_165, %ge3A_169 : vector<32x20xf32>
    %jit3A_171 = arith.constant 20 : i32
    %broadcast_in_dim3A_172 = vector.broadcast %jit3A_171 : i32 to vector<32x20xi32>
    %select_n3A_173 = arith.select %ge3A_170, %iota3A_97, %broadcast_in_dim3A_172 : vector<32x20xi1>, vector<32x20xi32>
    %reduce_min3A_174 = arith.constant dense<2147483647> : vector<32xi32>
    %reduce_min3A_175 = vector.multi_reduction <minsi>, %select_n3A_173, %reduce_min3A_174 [1] : vector<32x20xi32> to vector<32xi32>
    %broadcast_in_dim3A_176 = vector.shape_cast %reduce_min3A_175 : vector<32xi32> to vector<32x1xi32>
    %eq3A_177 = vector.broadcast %broadcast_in_dim3A_176 : vector<32x1xi32> to vector<32x20xi32>
    %eq3A_178 = arith.cmpi eq, %iota3A_97, %eq3A_177 : vector<32x20xi32>
    %jit3A_179 = arith.constant 0xFF800000 : f32
    %broadcast_in_dim3A_180 = vector.broadcast %jit3A_179 : f32 to vector<32x20xf32>
    %select_n3A_181 = arith.select %eq3A_178, %broadcast_in_dim3A_180, %select_n3A_165 : vector<32x20xi1>, vector<32x20xf32>
    %reduce_max3A_182 = arith.constant dense<0xFF800000> : vector<32xf32>
    %reduce_max3A_183 = vector.multi_reduction <maximumf>, %select_n3A_181, %reduce_max3A_182 [1] : vector<32x20xf32> to vector<32xf32>
    %broadcast_in_dim3A_184 = vector.shape_cast %reduce_max3A_183 : vector<32xf32> to vector<32x1xf32>
    %ge3A_185 = vector.broadcast %broadcast_in_dim3A_184 : vector<32x1xf32> to vector<32x20xf32>
    %ge3A_186 = arith.cmpf oge, %select_n3A_181, %ge3A_185 : vector<32x20xf32>
    %jit3A_187 = arith.constant 20 : i32
    %broadcast_in_dim3A_188 = vector.broadcast %jit3A_187 : i32 to vector<32x20xi32>
    %select_n3A_189 = arith.select %ge3A_186, %iota3A_97, %broadcast_in_dim3A_188 : vector<32x20xi1>, vector<32x20xi32>
    %reduce_min3A_190 = arith.constant dense<2147483647> : vector<32xi32>
    %reduce_min3A_191 = vector.multi_reduction <minsi>, %select_n3A_189, %reduce_min3A_190 [1] : vector<32x20xi32> to vector<32xi32>
    %broadcast_in_dim3A_192 = vector.shape_cast %reduce_min3A_191 : vector<32xi32> to vector<32x1xi32>
    %eq3A_193 = vector.broadcast %broadcast_in_dim3A_192 : vector<32x1xi32> to vector<32x20xi32>
    %eq3A_194 = arith.cmpi eq, %iota3A_97, %eq3A_193 : vector<32x20xi32>
    %jit3A_195 = arith.constant 0xFF800000 : f32
    %broadcast_in_dim3A_196 = vector.broadcast %jit3A_195 : f32 to vector<32x20xf32>
    %select_n3A_197 = arith.select %eq3A_194, %broadcast_in_dim3A_196, %select_n3A_181 : vector<32x20xi1>, vector<32x20xf32>
    %reduce_max3A_198 = arith.constant dense<0xFF800000> : vector<32xf32>
    %reduce_max3A_199 = vector.multi_reduction <maximumf>, %select_n3A_197, %reduce_max3A_198 [1] : vector<32x20xf32> to vector<32xf32>
    %broadcast_in_dim3A_200 = vector.shape_cast %reduce_max3A_199 : vector<32xf32> to vector<32x1xf32>
    %ge3A_201 = vector.broadcast %broadcast_in_dim3A_200 : vector<32x1xf32> to vector<32x20xf32>
    %ge3A_202 = arith.cmpf oge, %select_n3A_197, %ge3A_201 : vector<32x20xf32>
    %jit3A_203 = arith.constant 20 : i32
    %broadcast_in_dim3A_204 = vector.broadcast %jit3A_203 : i32 to vector<32x20xi32>
    %select_n3A_205 = arith.select %ge3A_202, %iota3A_97, %broadcast_in_dim3A_204 : vector<32x20xi1>, vector<32x20xi32>
    %reduce_min3A_206 = arith.constant dense<2147483647> : vector<32xi32>
    %reduce_min3A_207 = vector.multi_reduction <minsi>, %select_n3A_205, %reduce_min3A_206 [1] : vector<32x20xi32> to vector<32xi32>
    %broadcast_in_dim3A_208 = vector.shape_cast %reduce_min3A_207 : vector<32xi32> to vector<32x1xi32>
    %eq3A_209 = vector.broadcast %broadcast_in_dim3A_208 : vector<32x1xi32> to vector<32x20xi32>
    %eq3A_210 = arith.cmpi eq, %iota3A_97, %eq3A_209 : vector<32x20xi32>
    %jit3A_211 = arith.constant 0xFF800000 : f32
    %broadcast_in_dim3A_212 = vector.broadcast %jit3A_211 : f32 to vector<32x20xf32>
    %select_n3A_213 = arith.select %eq3A_210, %broadcast_in_dim3A_212, %select_n3A_197 : vector<32x20xi1>, vector<32x20xf32>
    %reduce_max3A_214 = arith.constant dense<0xFF800000> : vector<32xf32>
    %reduce_max3A_215 = vector.multi_reduction <maximumf>, %select_n3A_213, %reduce_max3A_214 [1] : vector<32x20xf32> to vector<32xf32>
    %broadcast_in_dim3A_216 = vector.shape_cast %reduce_max3A_215 : vector<32xf32> to vector<32x1xf32>
    %ge3A_217 = vector.broadcast %broadcast_in_dim3A_216 : vector<32x1xf32> to vector<32x20xf32>
    %ge3A_218 = arith.cmpf oge, %select_n3A_213, %ge3A_217 : vector<32x20xf32>
    %jit3A_219 = arith.constant 20 : i32
    %broadcast_in_dim3A_220 = vector.broadcast %jit3A_219 : i32 to vector<32x20xi32>
    %select_n3A_221 = arith.select %ge3A_218, %iota3A_97, %broadcast_in_dim3A_220 : vector<32x20xi1>, vector<32x20xi32>
    %reduce_min3A_222 = arith.constant dense<2147483647> : vector<32xi32>
    %reduce_min3A_223 = vector.multi_reduction <minsi>, %select_n3A_221, %reduce_min3A_222 [1] : vector<32x20xi32> to vector<32xi32>
    %broadcast_in_dim3A_224 = vector.shape_cast %reduce_min3A_223 : vector<32xi32> to vector<32x1xi32>
    %mul3A_225 = arith.constant 20 : i32
    %mul3A_226 = arith.muli %arg0, %mul3A_225 : i32
    %add3A_227 = vector.broadcast %mul3A_226 : i32 to vector<32x1xi32>
    %add3A_228 = arith.addi %add3A_227, %broadcast_in_dim3A_113 : vector<32x1xi32>
    %mul3A_229 = arith.constant 32 : i32
    %mul3A_230 = vector.broadcast %mul3A_229 : i32 to vector<32x1xi32>
    %mul3A_231 = arith.muli %add3A_228, %mul3A_230 : vector<32x1xi32>
    %add3A_232 = arith.addi %mul3A_231, %iota3A_100 : vector<32x1xi32>
    %reshape3A_233 = vector.shape_cast %broadcast_in_dim3A_113 : vector<32x1xi32> to vector<32x1x1xi32>
    %eq3A_234 = vector.broadcast %reshape3A_233 : vector<32x1x1xi32> to vector<32x16x20xi32>
    %eq3A_235 = arith.cmpi eq, %iota3A_98, %eq3A_234 : vector<32x16x20xi32>
    %convert_element_type3A_236 = arith.extui %eq3A_235 : vector<32x16x20xi1> to vector<32x16x20xi32>
    %convert_element_type3A_237 = arith.sitofp %convert_element_type3A_236 : vector<32x16x20xi32> to vector<32x16x20xf32>
    %mul3A_238 = arith.mulf %select_n3A, %convert_element_type3A_237 : vector<32x16x20xf32>
    %reduce_sum3A = arith.constant dense<0.000000e+00> : vector<32x16xf32>
    %reduce_sum3A_239 = vector.multi_reduction <add>, %mul3A_238, %reduce_sum3A [2] : vector<32x16x20xf32> to vector<32x16xf32>
    %reduce_max3A_240 = arith.constant dense<0xFF800000> : vector<32xf32>
    %reduce_max3A_241 = vector.multi_reduction <maximumf>, %reduce_sum3A_239, %reduce_max3A_240 [1] : vector<32x16xf32> to vector<32xf32>
    %broadcast_in_dim3A_242 = vector.shape_cast %reduce_max3A_241 : vector<32xf32> to vector<32x1xf32>
    %ge3A_243 = vector.broadcast %broadcast_in_dim3A_242 : vector<32x1xf32> to vector<32x16xf32>
    %ge3A_244 = arith.cmpf oge, %reduce_sum3A_239, %ge3A_243 : vector<32x16xf32>
    %jit3A_245 = arith.constant 16 : i32
    %broadcast_in_dim3A_246 = vector.broadcast %jit3A_245 : i32 to vector<32x16xi32>
    %select_n3A_247 = arith.select %ge3A_244, %iota3A_99, %broadcast_in_dim3A_246 : vector<32x16xi1>, vector<32x16xi32>
    %reduce_min3A_248 = arith.constant dense<2147483647> : vector<32xi32>
    %reduce_min3A_249 = vector.multi_reduction <minsi>, %select_n3A_247, %reduce_min3A_248 [1] : vector<32x16xi32> to vector<32xi32>
    %broadcast_in_dim3A_250 = vector.shape_cast %reduce_min3A_249 : vector<32xi32> to vector<32x1xi32>
    %eq3A_251 = vector.broadcast %broadcast_in_dim3A_250 : vector<32x1xi32> to vector<32x16xi32>
    %eq3A_252 = arith.cmpi eq, %iota3A_99, %eq3A_251 : vector<32x16xi32>
    %jit3A_253 = arith.constant 0xFF800000 : f32
    %broadcast_in_dim3A_254 = vector.broadcast %jit3A_253 : f32 to vector<32x16xf32>
    %select_n3A_255 = arith.select %eq3A_252, %broadcast_in_dim3A_254, %reduce_sum3A_239 : vector<32x16xi1>, vector<32x16xf32>
    %jit3A_256 = arith.constant 0.000000e+00 : f32
    %broadcast_in_dim3A_257 = vector.broadcast %jit3A_256 : f32 to vector<32x16xf32>
    %select_n3A_258 = arith.select %eq3A_252, %convert_element_type3A, %broadcast_in_dim3A_257 : vector<32x16xi1>, vector<32x16xf32>
    %reduce_sum3A_259 = arith.constant dense<0.000000e+00> : vector<32xf32>
    %reduce_sum3A_260 = vector.multi_reduction <add>, %select_n3A_258, %reduce_sum3A_259 [1] : vector<32x16xf32> to vector<32xf32>
    %broadcast_in_dim3A_261 = vector.shape_cast %reduce_sum3A_260 : vector<32xf32> to vector<32x1xf32>
    %convert_element_type3A_262 = arith.fptosi %broadcast_in_dim3A_261 : vector<32x1xf32> to vector<32x1xi32>
    %add3A_263 = arith.addi %mul3A_231, %convert_element_type3A_262 : vector<32x1xi32>
    %reduce_max3A_264 = arith.constant dense<0xFF800000> : vector<32xf32>
    %reduce_max3A_265 = vector.multi_reduction <maximumf>, %select_n3A_255, %reduce_max3A_264 [1] : vector<32x16xf32> to vector<32xf32>
    %broadcast_in_dim3A_266 = vector.shape_cast %reduce_max3A_265 : vector<32xf32> to vector<32x1xf32>
    %ge3A_267 = vector.broadcast %broadcast_in_dim3A_266 : vector<32x1xf32> to vector<32x16xf32>
    %ge3A_268 = arith.cmpf oge, %select_n3A_255, %ge3A_267 : vector<32x16xf32>
    %jit3A_269 = arith.constant 16 : i32
    %broadcast_in_dim3A_270 = vector.broadcast %jit3A_269 : i32 to vector<32x16xi32>
    %select_n3A_271 = arith.select %ge3A_268, %iota3A_99, %broadcast_in_dim3A_270 : vector<32x16xi1>, vector<32x16xi32>
    %reduce_min3A_272 = arith.constant dense<2147483647> : vector<32xi32>
    %reduce_min3A_273 = vector.multi_reduction <minsi>, %select_n3A_271, %reduce_min3A_272 [1] : vector<32x16xi32> to vector<32xi32>
    %broadcast_in_dim3A_274 = vector.shape_cast %reduce_min3A_273 : vector<32xi32> to vector<32x1xi32>
    %eq3A_275 = vector.broadcast %broadcast_in_dim3A_274 : vector<32x1xi32> to vector<32x16xi32>
    %eq3A_276 = arith.cmpi eq, %iota3A_99, %eq3A_275 : vector<32x16xi32>
    %jit3A_277 = arith.constant 0xFF800000 : f32
    %broadcast_in_dim3A_278 = vector.broadcast %jit3A_277 : f32 to vector<32x16xf32>
    %select_n3A_279 = arith.select %eq3A_276, %broadcast_in_dim3A_278, %select_n3A_255 : vector<32x16xi1>, vector<32x16xf32>
    %jit3A_280 = arith.constant 0.000000e+00 : f32
    %broadcast_in_dim3A_281 = vector.broadcast %jit3A_280 : f32 to vector<32x16xf32>
    %select_n3A_282 = arith.select %eq3A_276, %convert_element_type3A, %broadcast_in_dim3A_281 : vector<32x16xi1>, vector<32x16xf32>
    %reduce_sum3A_283 = arith.constant dense<0.000000e+00> : vector<32xf32>
    %reduce_sum3A_284 = vector.multi_reduction <add>, %select_n3A_282, %reduce_sum3A_283 [1] : vector<32x16xf32> to vector<32xf32>
    %broadcast_in_dim3A_285 = vector.shape_cast %reduce_sum3A_284 : vector<32xf32> to vector<32x1xf32>
    %convert_element_type3A_286 = arith.fptosi %broadcast_in_dim3A_285 : vector<32x1xf32> to vector<32x1xi32>
    %add3A_287 = arith.addi %mul3A_231, %convert_element_type3A_286 : vector<32x1xi32>
    %reduce_max3A_288 = arith.constant dense<0xFF800000> : vector<32xf32>
    %reduce_max3A_289 = vector.multi_reduction <maximumf>, %select_n3A_279, %reduce_max3A_288 [1] : vector<32x16xf32> to vector<32xf32>
    %broadcast_in_dim3A_290 = vector.shape_cast %reduce_max3A_289 : vector<32xf32> to vector<32x1xf32>
    %ge3A_291 = vector.broadcast %broadcast_in_dim3A_290 : vector<32x1xf32> to vector<32x16xf32>
    %ge3A_292 = arith.cmpf oge, %select_n3A_279, %ge3A_291 : vector<32x16xf32>
    %jit3A_293 = arith.constant 16 : i32
    %broadcast_in_dim3A_294 = vector.broadcast %jit3A_293 : i32 to vector<32x16xi32>
    %select_n3A_295 = arith.select %ge3A_292, %iota3A_99, %broadcast_in_dim3A_294 : vector<32x16xi1>, vector<32x16xi32>
    %reduce_min3A_296 = arith.constant dense<2147483647> : vector<32xi32>
    %reduce_min3A_297 = vector.multi_reduction <minsi>, %select_n3A_295, %reduce_min3A_296 [1] : vector<32x16xi32> to vector<32xi32>
    %broadcast_in_dim3A_298 = vector.shape_cast %reduce_min3A_297 : vector<32xi32> to vector<32x1xi32>
    %eq3A_299 = vector.broadcast %broadcast_in_dim3A_298 : vector<32x1xi32> to vector<32x16xi32>
    %eq3A_300 = arith.cmpi eq, %iota3A_99, %eq3A_299 : vector<32x16xi32>
    %jit3A_301 = arith.constant 0xFF800000 : f32
    %broadcast_in_dim3A_302 = vector.broadcast %jit3A_301 : f32 to vector<32x16xf32>
    %select_n3A_303 = arith.select %eq3A_300, %broadcast_in_dim3A_302, %select_n3A_279 : vector<32x16xi1>, vector<32x16xf32>
    %jit3A_304 = arith.constant 0.000000e+00 : f32
    %broadcast_in_dim3A_305 = vector.broadcast %jit3A_304 : f32 to vector<32x16xf32>
    %select_n3A_306 = arith.select %eq3A_300, %convert_element_type3A, %broadcast_in_dim3A_305 : vector<32x16xi1>, vector<32x16xf32>
    %reduce_sum3A_307 = arith.constant dense<0.000000e+00> : vector<32xf32>
    %reduce_sum3A_308 = vector.multi_reduction <add>, %select_n3A_306, %reduce_sum3A_307 [1] : vector<32x16xf32> to vector<32xf32>
    %broadcast_in_dim3A_309 = vector.shape_cast %reduce_sum3A_308 : vector<32xf32> to vector<32x1xf32>
    %convert_element_type3A_310 = arith.fptosi %broadcast_in_dim3A_309 : vector<32x1xf32> to vector<32x1xi32>
    %add3A_311 = arith.addi %mul3A_231, %convert_element_type3A_310 : vector<32x1xi32>
    %reduce_max3A_312 = arith.constant dense<0xFF800000> : vector<32xf32>
    %reduce_max3A_313 = vector.multi_reduction <maximumf>, %select_n3A_303, %reduce_max3A_312 [1] : vector<32x16xf32> to vector<32xf32>
    %broadcast_in_dim3A_314 = vector.shape_cast %reduce_max3A_313 : vector<32xf32> to vector<32x1xf32>
    %ge3A_315 = vector.broadcast %broadcast_in_dim3A_314 : vector<32x1xf32> to vector<32x16xf32>
    %ge3A_316 = arith.cmpf oge, %select_n3A_303, %ge3A_315 : vector<32x16xf32>
    %jit3A_317 = arith.constant 16 : i32
    %broadcast_in_dim3A_318 = vector.broadcast %jit3A_317 : i32 to vector<32x16xi32>
    %select_n3A_319 = arith.select %ge3A_316, %iota3A_99, %broadcast_in_dim3A_318 : vector<32x16xi1>, vector<32x16xi32>
    %reduce_min3A_320 = arith.constant dense<2147483647> : vector<32xi32>
    %reduce_min3A_321 = vector.multi_reduction <minsi>, %select_n3A_319, %reduce_min3A_320 [1] : vector<32x16xi32> to vector<32xi32>
    %broadcast_in_dim3A_322 = vector.shape_cast %reduce_min3A_321 : vector<32xi32> to vector<32x1xi32>
    %eq3A_323 = vector.broadcast %broadcast_in_dim3A_322 : vector<32x1xi32> to vector<32x16xi32>
    %eq3A_324 = arith.cmpi eq, %iota3A_99, %eq3A_323 : vector<32x16xi32>
    %jit3A_325 = arith.constant 0xFF800000 : f32
    %broadcast_in_dim3A_326 = vector.broadcast %jit3A_325 : f32 to vector<32x16xf32>
    %select_n3A_327 = arith.select %eq3A_324, %broadcast_in_dim3A_326, %select_n3A_303 : vector<32x16xi1>, vector<32x16xf32>
    %jit3A_328 = arith.constant 0.000000e+00 : f32
    %broadcast_in_dim3A_329 = vector.broadcast %jit3A_328 : f32 to vector<32x16xf32>
    %select_n3A_330 = arith.select %eq3A_324, %convert_element_type3A, %broadcast_in_dim3A_329 : vector<32x16xi1>, vector<32x16xf32>
    %reduce_sum3A_331 = arith.constant dense<0.000000e+00> : vector<32xf32>
    %reduce_sum3A_332 = vector.multi_reduction <add>, %select_n3A_330, %reduce_sum3A_331 [1] : vector<32x16xf32> to vector<32xf32>
    %broadcast_in_dim3A_333 = vector.shape_cast %reduce_sum3A_332 : vector<32xf32> to vector<32x1xf32>
    %convert_element_type3A_334 = arith.fptosi %broadcast_in_dim3A_333 : vector<32x1xf32> to vector<32x1xi32>
    %add3A_335 = arith.addi %mul3A_231, %convert_element_type3A_334 : vector<32x1xi32>
    %reduce_max3A_336 = arith.constant dense<0xFF800000> : vector<32xf32>
    %reduce_max3A_337 = vector.multi_reduction <maximumf>, %select_n3A_327, %reduce_max3A_336 [1] : vector<32x16xf32> to vector<32xf32>
    %broadcast_in_dim3A_338 = vector.shape_cast %reduce_max3A_337 : vector<32xf32> to vector<32x1xf32>
    %ge3A_339 = vector.broadcast %broadcast_in_dim3A_338 : vector<32x1xf32> to vector<32x16xf32>
    %ge3A_340 = arith.cmpf oge, %select_n3A_327, %ge3A_339 : vector<32x16xf32>
    %jit3A_341 = arith.constant 16 : i32
    %broadcast_in_dim3A_342 = vector.broadcast %jit3A_341 : i32 to vector<32x16xi32>
    %select_n3A_343 = arith.select %ge3A_340, %iota3A_99, %broadcast_in_dim3A_342 : vector<32x16xi1>, vector<32x16xi32>
    %reduce_min3A_344 = arith.constant dense<2147483647> : vector<32xi32>
    %reduce_min3A_345 = vector.multi_reduction <minsi>, %select_n3A_343, %reduce_min3A_344 [1] : vector<32x16xi32> to vector<32xi32>
    %broadcast_in_dim3A_346 = vector.shape_cast %reduce_min3A_345 : vector<32xi32> to vector<32x1xi32>
    %eq3A_347 = vector.broadcast %broadcast_in_dim3A_346 : vector<32x1xi32> to vector<32x16xi32>
    %eq3A_348 = arith.cmpi eq, %iota3A_99, %eq3A_347 : vector<32x16xi32>
    %jit3A_349 = arith.constant 0xFF800000 : f32
    %broadcast_in_dim3A_350 = vector.broadcast %jit3A_349 : f32 to vector<32x16xf32>
    %select_n3A_351 = arith.select %eq3A_348, %broadcast_in_dim3A_350, %select_n3A_327 : vector<32x16xi1>, vector<32x16xf32>
    %jit3A_352 = arith.constant 0.000000e+00 : f32
    %broadcast_in_dim3A_353 = vector.broadcast %jit3A_352 : f32 to vector<32x16xf32>
    %select_n3A_354 = arith.select %eq3A_348, %convert_element_type3A, %broadcast_in_dim3A_353 : vector<32x16xi1>, vector<32x16xf32>
    %reduce_sum3A_355 = arith.constant dense<0.000000e+00> : vector<32xf32>
    %reduce_sum3A_356 = vector.multi_reduction <add>, %select_n3A_354, %reduce_sum3A_355 [1] : vector<32x16xf32> to vector<32xf32>
    %broadcast_in_dim3A_357 = vector.shape_cast %reduce_sum3A_356 : vector<32xf32> to vector<32x1xf32>
    %convert_element_type3A_358 = arith.fptosi %broadcast_in_dim3A_357 : vector<32x1xf32> to vector<32x1xi32>
    %add3A_359 = arith.addi %mul3A_231, %convert_element_type3A_358 : vector<32x1xi32>
    %reduce_max3A_360 = arith.constant dense<0xFF800000> : vector<32xf32>
    %reduce_max3A_361 = vector.multi_reduction <maximumf>, %select_n3A_351, %reduce_max3A_360 [1] : vector<32x16xf32> to vector<32xf32>
    %broadcast_in_dim3A_362 = vector.shape_cast %reduce_max3A_361 : vector<32xf32> to vector<32x1xf32>
    %ge3A_363 = vector.broadcast %broadcast_in_dim3A_362 : vector<32x1xf32> to vector<32x16xf32>
    %ge3A_364 = arith.cmpf oge, %select_n3A_351, %ge3A_363 : vector<32x16xf32>
    %jit3A_365 = arith.constant 16 : i32
    %broadcast_in_dim3A_366 = vector.broadcast %jit3A_365 : i32 to vector<32x16xi32>
    %select_n3A_367 = arith.select %ge3A_364, %iota3A_99, %broadcast_in_dim3A_366 : vector<32x16xi1>, vector<32x16xi32>
    %reduce_min3A_368 = arith.constant dense<2147483647> : vector<32xi32>
    %reduce_min3A_369 = vector.multi_reduction <minsi>, %select_n3A_367, %reduce_min3A_368 [1] : vector<32x16xi32> to vector<32xi32>
    %broadcast_in_dim3A_370 = vector.shape_cast %reduce_min3A_369 : vector<32xi32> to vector<32x1xi32>
    %eq3A_371 = vector.broadcast %broadcast_in_dim3A_370 : vector<32x1xi32> to vector<32x16xi32>
    %eq3A_372 = arith.cmpi eq, %iota3A_99, %eq3A_371 : vector<32x16xi32>
    %jit3A_373 = arith.constant 0xFF800000 : f32
    %broadcast_in_dim3A_374 = vector.broadcast %jit3A_373 : f32 to vector<32x16xf32>
    %select_n3A_375 = arith.select %eq3A_372, %broadcast_in_dim3A_374, %select_n3A_351 : vector<32x16xi1>, vector<32x16xf32>
    %jit3A_376 = arith.constant 0.000000e+00 : f32
    %broadcast_in_dim3A_377 = vector.broadcast %jit3A_376 : f32 to vector<32x16xf32>
    %select_n3A_378 = arith.select %eq3A_372, %convert_element_type3A, %broadcast_in_dim3A_377 : vector<32x16xi1>, vector<32x16xf32>
    %reduce_sum3A_379 = arith.constant dense<0.000000e+00> : vector<32xf32>
    %reduce_sum3A_380 = vector.multi_reduction <add>, %select_n3A_378, %reduce_sum3A_379 [1] : vector<32x16xf32> to vector<32xf32>
    %broadcast_in_dim3A_381 = vector.shape_cast %reduce_sum3A_380 : vector<32xf32> to vector<32x1xf32>
    %convert_element_type3A_382 = arith.fptosi %broadcast_in_dim3A_381 : vector<32x1xf32> to vector<32x1xi32>
    %add3A_383 = arith.addi %mul3A_231, %convert_element_type3A_382 : vector<32x1xi32>
    %reduce_max3A_384 = arith.constant dense<0xFF800000> : vector<32xf32>
    %reduce_max3A_385 = vector.multi_reduction <maximumf>, %select_n3A_375, %reduce_max3A_384 [1] : vector<32x16xf32> to vector<32xf32>
    %broadcast_in_dim3A_386 = vector.shape_cast %reduce_max3A_385 : vector<32xf32> to vector<32x1xf32>
    %ge3A_387 = vector.broadcast %broadcast_in_dim3A_386 : vector<32x1xf32> to vector<32x16xf32>
    %ge3A_388 = arith.cmpf oge, %select_n3A_375, %ge3A_387 : vector<32x16xf32>
    %jit3A_389 = arith.constant 16 : i32
    %broadcast_in_dim3A_390 = vector.broadcast %jit3A_389 : i32 to vector<32x16xi32>
    %select_n3A_391 = arith.select %ge3A_388, %iota3A_99, %broadcast_in_dim3A_390 : vector<32x16xi1>, vector<32x16xi32>
    %reduce_min3A_392 = arith.constant dense<2147483647> : vector<32xi32>
    %reduce_min3A_393 = vector.multi_reduction <minsi>, %select_n3A_391, %reduce_min3A_392 [1] : vector<32x16xi32> to vector<32xi32>
    %broadcast_in_dim3A_394 = vector.shape_cast %reduce_min3A_393 : vector<32xi32> to vector<32x1xi32>
    %eq3A_395 = vector.broadcast %broadcast_in_dim3A_394 : vector<32x1xi32> to vector<32x16xi32>
    %eq3A_396 = arith.cmpi eq, %iota3A_99, %eq3A_395 : vector<32x16xi32>
    %jit3A_397 = arith.constant 0xFF800000 : f32
    %broadcast_in_dim3A_398 = vector.broadcast %jit3A_397 : f32 to vector<32x16xf32>
    %select_n3A_399 = arith.select %eq3A_396, %broadcast_in_dim3A_398, %select_n3A_375 : vector<32x16xi1>, vector<32x16xf32>
    %jit3A_400 = arith.constant 0.000000e+00 : f32
    %broadcast_in_dim3A_401 = vector.broadcast %jit3A_400 : f32 to vector<32x16xf32>
    %select_n3A_402 = arith.select %eq3A_396, %convert_element_type3A, %broadcast_in_dim3A_401 : vector<32x16xi1>, vector<32x16xf32>
    %reduce_sum3A_403 = arith.constant dense<0.000000e+00> : vector<32xf32>
    %reduce_sum3A_404 = vector.multi_reduction <add>, %select_n3A_402, %reduce_sum3A_403 [1] : vector<32x16xf32> to vector<32xf32>
    %broadcast_in_dim3A_405 = vector.shape_cast %reduce_sum3A_404 : vector<32xf32> to vector<32x1xf32>
    %convert_element_type3A_406 = arith.fptosi %broadcast_in_dim3A_405 : vector<32x1xf32> to vector<32x1xi32>
    %add3A_407 = arith.addi %mul3A_231, %convert_element_type3A_406 : vector<32x1xi32>
    %reduce_max3A_408 = arith.constant dense<0xFF800000> : vector<32xf32>
    %reduce_max3A_409 = vector.multi_reduction <maximumf>, %select_n3A_399, %reduce_max3A_408 [1] : vector<32x16xf32> to vector<32xf32>
    %broadcast_in_dim3A_410 = vector.shape_cast %reduce_max3A_409 : vector<32xf32> to vector<32x1xf32>
    %ge3A_411 = vector.broadcast %broadcast_in_dim3A_410 : vector<32x1xf32> to vector<32x16xf32>
    %ge3A_412 = arith.cmpf oge, %select_n3A_399, %ge3A_411 : vector<32x16xf32>
    %jit3A_413 = arith.constant 16 : i32
    %broadcast_in_dim3A_414 = vector.broadcast %jit3A_413 : i32 to vector<32x16xi32>
    %select_n3A_415 = arith.select %ge3A_412, %iota3A_99, %broadcast_in_dim3A_414 : vector<32x16xi1>, vector<32x16xi32>
    %reduce_min3A_416 = arith.constant dense<2147483647> : vector<32xi32>
    %reduce_min3A_417 = vector.multi_reduction <minsi>, %select_n3A_415, %reduce_min3A_416 [1] : vector<32x16xi32> to vector<32xi32>
    %broadcast_in_dim3A_418 = vector.shape_cast %reduce_min3A_417 : vector<32xi32> to vector<32x1xi32>
    %eq3A_419 = vector.broadcast %broadcast_in_dim3A_418 : vector<32x1xi32> to vector<32x16xi32>
    %eq3A_420 = arith.cmpi eq, %iota3A_99, %eq3A_419 : vector<32x16xi32>
    %jit3A_421 = arith.constant 0.000000e+00 : f32
    %broadcast_in_dim3A_422 = vector.broadcast %jit3A_421 : f32 to vector<32x16xf32>
    %select_n3A_423 = arith.select %eq3A_420, %convert_element_type3A, %broadcast_in_dim3A_422 : vector<32x16xi1>, vector<32x16xf32>
    %reduce_sum3A_424 = arith.constant dense<0.000000e+00> : vector<32xf32>
    %reduce_sum3A_425 = vector.multi_reduction <add>, %select_n3A_423, %reduce_sum3A_424 [1] : vector<32x16xf32> to vector<32xf32>
    %broadcast_in_dim3A_426 = vector.shape_cast %reduce_sum3A_425 : vector<32xf32> to vector<32x1xf32>
    %convert_element_type3A_427 = arith.fptosi %broadcast_in_dim3A_426 : vector<32x1xf32> to vector<32x1xi32>
    %add3A_428 = arith.addi %mul3A_231, %convert_element_type3A_427 : vector<32x1xi32>
    %mul3A_429 = arith.constant 20 : i32
    %mul3A_430 = arith.muli %arg0, %mul3A_429 : i32
    %add3A_431 = vector.broadcast %mul3A_430 : i32 to vector<32x1xi32>
    %add3A_432 = arith.addi %add3A_431, %broadcast_in_dim3A_128 : vector<32x1xi32>
    %mul3A_433 = arith.constant 32 : i32
    %mul3A_434 = vector.broadcast %mul3A_433 : i32 to vector<32x1xi32>
    %mul3A_435 = arith.muli %add3A_432, %mul3A_434 : vector<32x1xi32>
    %add3A_436 = arith.addi %mul3A_435, %iota3A_100 : vector<32x1xi32>
    %reshape3A_437 = vector.shape_cast %broadcast_in_dim3A_128 : vector<32x1xi32> to vector<32x1x1xi32>
    %eq3A_438 = vector.broadcast %reshape3A_437 : vector<32x1x1xi32> to vector<32x16x20xi32>
    %eq3A_439 = arith.cmpi eq, %iota3A_98, %eq3A_438 : vector<32x16x20xi32>
    %convert_element_type3A_440 = arith.extui %eq3A_439 : vector<32x16x20xi1> to vector<32x16x20xi32>
    %convert_element_type3A_441 = arith.sitofp %convert_element_type3A_440 : vector<32x16x20xi32> to vector<32x16x20xf32>
    %mul3A_442 = arith.mulf %select_n3A, %convert_element_type3A_441 : vector<32x16x20xf32>
    %reduce_sum3A_443 = arith.constant dense<0.000000e+00> : vector<32x16xf32>
    %reduce_sum3A_444 = vector.multi_reduction <add>, %mul3A_442, %reduce_sum3A_443 [2] : vector<32x16x20xf32> to vector<32x16xf32>
    %reduce_max3A_445 = arith.constant dense<0xFF800000> : vector<32xf32>
    %reduce_max3A_446 = vector.multi_reduction <maximumf>, %reduce_sum3A_444, %reduce_max3A_445 [1] : vector<32x16xf32> to vector<32xf32>
    %broadcast_in_dim3A_447 = vector.shape_cast %reduce_max3A_446 : vector<32xf32> to vector<32x1xf32>
    %ge3A_448 = vector.broadcast %broadcast_in_dim3A_447 : vector<32x1xf32> to vector<32x16xf32>
    %ge3A_449 = arith.cmpf oge, %reduce_sum3A_444, %ge3A_448 : vector<32x16xf32>
    %jit3A_450 = arith.constant 16 : i32
    %broadcast_in_dim3A_451 = vector.broadcast %jit3A_450 : i32 to vector<32x16xi32>
    %select_n3A_452 = arith.select %ge3A_449, %iota3A_99, %broadcast_in_dim3A_451 : vector<32x16xi1>, vector<32x16xi32>
    %reduce_min3A_453 = arith.constant dense<2147483647> : vector<32xi32>
    %reduce_min3A_454 = vector.multi_reduction <minsi>, %select_n3A_452, %reduce_min3A_453 [1] : vector<32x16xi32> to vector<32xi32>
    %broadcast_in_dim3A_455 = vector.shape_cast %reduce_min3A_454 : vector<32xi32> to vector<32x1xi32>
    %eq3A_456 = vector.broadcast %broadcast_in_dim3A_455 : vector<32x1xi32> to vector<32x16xi32>
    %eq3A_457 = arith.cmpi eq, %iota3A_99, %eq3A_456 : vector<32x16xi32>
    %jit3A_458 = arith.constant 0xFF800000 : f32
    %broadcast_in_dim3A_459 = vector.broadcast %jit3A_458 : f32 to vector<32x16xf32>
    %select_n3A_460 = arith.select %eq3A_457, %broadcast_in_dim3A_459, %reduce_sum3A_444 : vector<32x16xi1>, vector<32x16xf32>
    %jit3A_461 = arith.constant 0.000000e+00 : f32
    %broadcast_in_dim3A_462 = vector.broadcast %jit3A_461 : f32 to vector<32x16xf32>
    %select_n3A_463 = arith.select %eq3A_457, %convert_element_type3A, %broadcast_in_dim3A_462 : vector<32x16xi1>, vector<32x16xf32>
    %reduce_sum3A_464 = arith.constant dense<0.000000e+00> : vector<32xf32>
    %reduce_sum3A_465 = vector.multi_reduction <add>, %select_n3A_463, %reduce_sum3A_464 [1] : vector<32x16xf32> to vector<32xf32>
    %broadcast_in_dim3A_466 = vector.shape_cast %reduce_sum3A_465 : vector<32xf32> to vector<32x1xf32>
    %convert_element_type3A_467 = arith.fptosi %broadcast_in_dim3A_466 : vector<32x1xf32> to vector<32x1xi32>
    %add3A_468 = arith.addi %mul3A_435, %convert_element_type3A_467 : vector<32x1xi32>
    %reduce_max3A_469 = arith.constant dense<0xFF800000> : vector<32xf32>
    %reduce_max3A_470 = vector.multi_reduction <maximumf>, %select_n3A_460, %reduce_max3A_469 [1] : vector<32x16xf32> to vector<32xf32>
    %broadcast_in_dim3A_471 = vector.shape_cast %reduce_max3A_470 : vector<32xf32> to vector<32x1xf32>
    %ge3A_472 = vector.broadcast %broadcast_in_dim3A_471 : vector<32x1xf32> to vector<32x16xf32>
    %ge3A_473 = arith.cmpf oge, %select_n3A_460, %ge3A_472 : vector<32x16xf32>
    %jit3A_474 = arith.constant 16 : i32
    %broadcast_in_dim3A_475 = vector.broadcast %jit3A_474 : i32 to vector<32x16xi32>
    %select_n3A_476 = arith.select %ge3A_473, %iota3A_99, %broadcast_in_dim3A_475 : vector<32x16xi1>, vector<32x16xi32>
    %reduce_min3A_477 = arith.constant dense<2147483647> : vector<32xi32>
    %reduce_min3A_478 = vector.multi_reduction <minsi>, %select_n3A_476, %reduce_min3A_477 [1] : vector<32x16xi32> to vector<32xi32>
    %broadcast_in_dim3A_479 = vector.shape_cast %reduce_min3A_478 : vector<32xi32> to vector<32x1xi32>
    %eq3A_480 = vector.broadcast %broadcast_in_dim3A_479 : vector<32x1xi32> to vector<32x16xi32>
    %eq3A_481 = arith.cmpi eq, %iota3A_99, %eq3A_480 : vector<32x16xi32>
    %jit3A_482 = arith.constant 0xFF800000 : f32
    %broadcast_in_dim3A_483 = vector.broadcast %jit3A_482 : f32 to vector<32x16xf32>
    %select_n3A_484 = arith.select %eq3A_481, %broadcast_in_dim3A_483, %select_n3A_460 : vector<32x16xi1>, vector<32x16xf32>
    %jit3A_485 = arith.constant 0.000000e+00 : f32
    %broadcast_in_dim3A_486 = vector.broadcast %jit3A_485 : f32 to vector<32x16xf32>
    %select_n3A_487 = arith.select %eq3A_481, %convert_element_type3A, %broadcast_in_dim3A_486 : vector<32x16xi1>, vector<32x16xf32>
    %reduce_sum3A_488 = arith.constant dense<0.000000e+00> : vector<32xf32>
    %reduce_sum3A_489 = vector.multi_reduction <add>, %select_n3A_487, %reduce_sum3A_488 [1] : vector<32x16xf32> to vector<32xf32>
    %broadcast_in_dim3A_490 = vector.shape_cast %reduce_sum3A_489 : vector<32xf32> to vector<32x1xf32>
    %convert_element_type3A_491 = arith.fptosi %broadcast_in_dim3A_490 : vector<32x1xf32> to vector<32x1xi32>
    %add3A_492 = arith.addi %mul3A_435, %convert_element_type3A_491 : vector<32x1xi32>
    %reduce_max3A_493 = arith.constant dense<0xFF800000> : vector<32xf32>
    %reduce_max3A_494 = vector.multi_reduction <maximumf>, %select_n3A_484, %reduce_max3A_493 [1] : vector<32x16xf32> to vector<32xf32>
    %broadcast_in_dim3A_495 = vector.shape_cast %reduce_max3A_494 : vector<32xf32> to vector<32x1xf32>
    %ge3A_496 = vector.broadcast %broadcast_in_dim3A_495 : vector<32x1xf32> to vector<32x16xf32>
    %ge3A_497 = arith.cmpf oge, %select_n3A_484, %ge3A_496 : vector<32x16xf32>
    %jit3A_498 = arith.constant 16 : i32
    %broadcast_in_dim3A_499 = vector.broadcast %jit3A_498 : i32 to vector<32x16xi32>
    %select_n3A_500 = arith.select %ge3A_497, %iota3A_99, %broadcast_in_dim3A_499 : vector<32x16xi1>, vector<32x16xi32>
    %reduce_min3A_501 = arith.constant dense<2147483647> : vector<32xi32>
    %reduce_min3A_502 = vector.multi_reduction <minsi>, %select_n3A_500, %reduce_min3A_501 [1] : vector<32x16xi32> to vector<32xi32>
    %broadcast_in_dim3A_503 = vector.shape_cast %reduce_min3A_502 : vector<32xi32> to vector<32x1xi32>
    %eq3A_504 = vector.broadcast %broadcast_in_dim3A_503 : vector<32x1xi32> to vector<32x16xi32>
    %eq3A_505 = arith.cmpi eq, %iota3A_99, %eq3A_504 : vector<32x16xi32>
    %jit3A_506 = arith.constant 0xFF800000 : f32
    %broadcast_in_dim3A_507 = vector.broadcast %jit3A_506 : f32 to vector<32x16xf32>
    %select_n3A_508 = arith.select %eq3A_505, %broadcast_in_dim3A_507, %select_n3A_484 : vector<32x16xi1>, vector<32x16xf32>
    %jit3A_509 = arith.constant 0.000000e+00 : f32
    %broadcast_in_dim3A_510 = vector.broadcast %jit3A_509 : f32 to vector<32x16xf32>
    %select_n3A_511 = arith.select %eq3A_505, %convert_element_type3A, %broadcast_in_dim3A_510 : vector<32x16xi1>, vector<32x16xf32>
    %reduce_sum3A_512 = arith.constant dense<0.000000e+00> : vector<32xf32>
    %reduce_sum3A_513 = vector.multi_reduction <add>, %select_n3A_511, %reduce_sum3A_512 [1] : vector<32x16xf32> to vector<32xf32>
    %broadcast_in_dim3A_514 = vector.shape_cast %reduce_sum3A_513 : vector<32xf32> to vector<32x1xf32>
    %convert_element_type3A_515 = arith.fptosi %broadcast_in_dim3A_514 : vector<32x1xf32> to vector<32x1xi32>
    %add3A_516 = arith.addi %mul3A_435, %convert_element_type3A_515 : vector<32x1xi32>
    %reduce_max3A_517 = arith.constant dense<0xFF800000> : vector<32xf32>
    %reduce_max3A_518 = vector.multi_reduction <maximumf>, %select_n3A_508, %reduce_max3A_517 [1] : vector<32x16xf32> to vector<32xf32>
    %broadcast_in_dim3A_519 = vector.shape_cast %reduce_max3A_518 : vector<32xf32> to vector<32x1xf32>
    %ge3A_520 = vector.broadcast %broadcast_in_dim3A_519 : vector<32x1xf32> to vector<32x16xf32>
    %ge3A_521 = arith.cmpf oge, %select_n3A_508, %ge3A_520 : vector<32x16xf32>
    %jit3A_522 = arith.constant 16 : i32
    %broadcast_in_dim3A_523 = vector.broadcast %jit3A_522 : i32 to vector<32x16xi32>
    %select_n3A_524 = arith.select %ge3A_521, %iota3A_99, %broadcast_in_dim3A_523 : vector<32x16xi1>, vector<32x16xi32>
    %reduce_min3A_525 = arith.constant dense<2147483647> : vector<32xi32>
    %reduce_min3A_526 = vector.multi_reduction <minsi>, %select_n3A_524, %reduce_min3A_525 [1] : vector<32x16xi32> to vector<32xi32>
    %broadcast_in_dim3A_527 = vector.shape_cast %reduce_min3A_526 : vector<32xi32> to vector<32x1xi32>
    %eq3A_528 = vector.broadcast %broadcast_in_dim3A_527 : vector<32x1xi32> to vector<32x16xi32>
    %eq3A_529 = arith.cmpi eq, %iota3A_99, %eq3A_528 : vector<32x16xi32>
    %jit3A_530 = arith.constant 0xFF800000 : f32
    %broadcast_in_dim3A_531 = vector.broadcast %jit3A_530 : f32 to vector<32x16xf32>
    %select_n3A_532 = arith.select %eq3A_529, %broadcast_in_dim3A_531, %select_n3A_508 : vector<32x16xi1>, vector<32x16xf32>
    %jit3A_533 = arith.constant 0.000000e+00 : f32
    %broadcast_in_dim3A_534 = vector.broadcast %jit3A_533 : f32 to vector<32x16xf32>
    %select_n3A_535 = arith.select %eq3A_529, %convert_element_type3A, %broadcast_in_dim3A_534 : vector<32x16xi1>, vector<32x16xf32>
    %reduce_sum3A_536 = arith.constant dense<0.000000e+00> : vector<32xf32>
    %reduce_sum3A_537 = vector.multi_reduction <add>, %select_n3A_535, %reduce_sum3A_536 [1] : vector<32x16xf32> to vector<32xf32>
    %broadcast_in_dim3A_538 = vector.shape_cast %reduce_sum3A_537 : vector<32xf32> to vector<32x1xf32>
    %convert_element_type3A_539 = arith.fptosi %broadcast_in_dim3A_538 : vector<32x1xf32> to vector<32x1xi32>
    %add3A_540 = arith.addi %mul3A_435, %convert_element_type3A_539 : vector<32x1xi32>
    %reduce_max3A_541 = arith.constant dense<0xFF800000> : vector<32xf32>
    %reduce_max3A_542 = vector.multi_reduction <maximumf>, %select_n3A_532, %reduce_max3A_541 [1] : vector<32x16xf32> to vector<32xf32>
    %broadcast_in_dim3A_543 = vector.shape_cast %reduce_max3A_542 : vector<32xf32> to vector<32x1xf32>
    %ge3A_544 = vector.broadcast %broadcast_in_dim3A_543 : vector<32x1xf32> to vector<32x16xf32>
    %ge3A_545 = arith.cmpf oge, %select_n3A_532, %ge3A_544 : vector<32x16xf32>
    %jit3A_546 = arith.constant 16 : i32
    %broadcast_in_dim3A_547 = vector.broadcast %jit3A_546 : i32 to vector<32x16xi32>
    %select_n3A_548 = arith.select %ge3A_545, %iota3A_99, %broadcast_in_dim3A_547 : vector<32x16xi1>, vector<32x16xi32>
    %reduce_min3A_549 = arith.constant dense<2147483647> : vector<32xi32>
    %reduce_min3A_550 = vector.multi_reduction <minsi>, %select_n3A_548, %reduce_min3A_549 [1] : vector<32x16xi32> to vector<32xi32>
    %broadcast_in_dim3A_551 = vector.shape_cast %reduce_min3A_550 : vector<32xi32> to vector<32x1xi32>
    %eq3A_552 = vector.broadcast %broadcast_in_dim3A_551 : vector<32x1xi32> to vector<32x16xi32>
    %eq3A_553 = arith.cmpi eq, %iota3A_99, %eq3A_552 : vector<32x16xi32>
    %jit3A_554 = arith.constant 0xFF800000 : f32
    %broadcast_in_dim3A_555 = vector.broadcast %jit3A_554 : f32 to vector<32x16xf32>
    %select_n3A_556 = arith.select %eq3A_553, %broadcast_in_dim3A_555, %select_n3A_532 : vector<32x16xi1>, vector<32x16xf32>
    %jit3A_557 = arith.constant 0.000000e+00 : f32
    %broadcast_in_dim3A_558 = vector.broadcast %jit3A_557 : f32 to vector<32x16xf32>
    %select_n3A_559 = arith.select %eq3A_553, %convert_element_type3A, %broadcast_in_dim3A_558 : vector<32x16xi1>, vector<32x16xf32>
    %reduce_sum3A_560 = arith.constant dense<0.000000e+00> : vector<32xf32>
    %reduce_sum3A_561 = vector.multi_reduction <add>, %select_n3A_559, %reduce_sum3A_560 [1] : vector<32x16xf32> to vector<32xf32>
    %broadcast_in_dim3A_562 = vector.shape_cast %reduce_sum3A_561 : vector<32xf32> to vector<32x1xf32>
    %convert_element_type3A_563 = arith.fptosi %broadcast_in_dim3A_562 : vector<32x1xf32> to vector<32x1xi32>
    %add3A_564 = arith.addi %mul3A_435, %convert_element_type3A_563 : vector<32x1xi32>
    %reduce_max3A_565 = arith.constant dense<0xFF800000> : vector<32xf32>
    %reduce_max3A_566 = vector.multi_reduction <maximumf>, %select_n3A_556, %reduce_max3A_565 [1] : vector<32x16xf32> to vector<32xf32>
    %broadcast_in_dim3A_567 = vector.shape_cast %reduce_max3A_566 : vector<32xf32> to vector<32x1xf32>
    %ge3A_568 = vector.broadcast %broadcast_in_dim3A_567 : vector<32x1xf32> to vector<32x16xf32>
    %ge3A_569 = arith.cmpf oge, %select_n3A_556, %ge3A_568 : vector<32x16xf32>
    %jit3A_570 = arith.constant 16 : i32
    %broadcast_in_dim3A_571 = vector.broadcast %jit3A_570 : i32 to vector<32x16xi32>
    %select_n3A_572 = arith.select %ge3A_569, %iota3A_99, %broadcast_in_dim3A_571 : vector<32x16xi1>, vector<32x16xi32>
    %reduce_min3A_573 = arith.constant dense<2147483647> : vector<32xi32>
    %reduce_min3A_574 = vector.multi_reduction <minsi>, %select_n3A_572, %reduce_min3A_573 [1] : vector<32x16xi32> to vector<32xi32>
    %broadcast_in_dim3A_575 = vector.shape_cast %reduce_min3A_574 : vector<32xi32> to vector<32x1xi32>
    %eq3A_576 = vector.broadcast %broadcast_in_dim3A_575 : vector<32x1xi32> to vector<32x16xi32>
    %eq3A_577 = arith.cmpi eq, %iota3A_99, %eq3A_576 : vector<32x16xi32>
    %jit3A_578 = arith.constant 0xFF800000 : f32
    %broadcast_in_dim3A_579 = vector.broadcast %jit3A_578 : f32 to vector<32x16xf32>
    %select_n3A_580 = arith.select %eq3A_577, %broadcast_in_dim3A_579, %select_n3A_556 : vector<32x16xi1>, vector<32x16xf32>
    %jit3A_581 = arith.constant 0.000000e+00 : f32
    %broadcast_in_dim3A_582 = vector.broadcast %jit3A_581 : f32 to vector<32x16xf32>
    %select_n3A_583 = arith.select %eq3A_577, %convert_element_type3A, %broadcast_in_dim3A_582 : vector<32x16xi1>, vector<32x16xf32>
    %reduce_sum3A_584 = arith.constant dense<0.000000e+00> : vector<32xf32>
    %reduce_sum3A_585 = vector.multi_reduction <add>, %select_n3A_583, %reduce_sum3A_584 [1] : vector<32x16xf32> to vector<32xf32>
    %broadcast_in_dim3A_586 = vector.shape_cast %reduce_sum3A_585 : vector<32xf32> to vector<32x1xf32>
    %convert_element_type3A_587 = arith.fptosi %broadcast_in_dim3A_586 : vector<32x1xf32> to vector<32x1xi32>
    %add3A_588 = arith.addi %mul3A_435, %convert_element_type3A_587 : vector<32x1xi32>
    %reduce_max3A_589 = arith.constant dense<0xFF800000> : vector<32xf32>
    %reduce_max3A_590 = vector.multi_reduction <maximumf>, %select_n3A_580, %reduce_max3A_589 [1] : vector<32x16xf32> to vector<32xf32>
    %broadcast_in_dim3A_591 = vector.shape_cast %reduce_max3A_590 : vector<32xf32> to vector<32x1xf32>
    %ge3A_592 = vector.broadcast %broadcast_in_dim3A_591 : vector<32x1xf32> to vector<32x16xf32>
    %ge3A_593 = arith.cmpf oge, %select_n3A_580, %ge3A_592 : vector<32x16xf32>
    %jit3A_594 = arith.constant 16 : i32
    %broadcast_in_dim3A_595 = vector.broadcast %jit3A_594 : i32 to vector<32x16xi32>
    %select_n3A_596 = arith.select %ge3A_593, %iota3A_99, %broadcast_in_dim3A_595 : vector<32x16xi1>, vector<32x16xi32>
    %reduce_min3A_597 = arith.constant dense<2147483647> : vector<32xi32>
    %reduce_min3A_598 = vector.multi_reduction <minsi>, %select_n3A_596, %reduce_min3A_597 [1] : vector<32x16xi32> to vector<32xi32>
    %broadcast_in_dim3A_599 = vector.shape_cast %reduce_min3A_598 : vector<32xi32> to vector<32x1xi32>
    %eq3A_600 = vector.broadcast %broadcast_in_dim3A_599 : vector<32x1xi32> to vector<32x16xi32>
    %eq3A_601 = arith.cmpi eq, %iota3A_99, %eq3A_600 : vector<32x16xi32>
    %jit3A_602 = arith.constant 0xFF800000 : f32
    %broadcast_in_dim3A_603 = vector.broadcast %jit3A_602 : f32 to vector<32x16xf32>
    %select_n3A_604 = arith.select %eq3A_601, %broadcast_in_dim3A_603, %select_n3A_580 : vector<32x16xi1>, vector<32x16xf32>
    %jit3A_605 = arith.constant 0.000000e+00 : f32
    %broadcast_in_dim3A_606 = vector.broadcast %jit3A_605 : f32 to vector<32x16xf32>
    %select_n3A_607 = arith.select %eq3A_601, %convert_element_type3A, %broadcast_in_dim3A_606 : vector<32x16xi1>, vector<32x16xf32>
    %reduce_sum3A_608 = arith.constant dense<0.000000e+00> : vector<32xf32>
    %reduce_sum3A_609 = vector.multi_reduction <add>, %select_n3A_607, %reduce_sum3A_608 [1] : vector<32x16xf32> to vector<32xf32>
    %broadcast_in_dim3A_610 = vector.shape_cast %reduce_sum3A_609 : vector<32xf32> to vector<32x1xf32>
    %convert_element_type3A_611 = arith.fptosi %broadcast_in_dim3A_610 : vector<32x1xf32> to vector<32x1xi32>
    %add3A_612 = arith.addi %mul3A_435, %convert_element_type3A_611 : vector<32x1xi32>
    %reduce_max3A_613 = arith.constant dense<0xFF800000> : vector<32xf32>
    %reduce_max3A_614 = vector.multi_reduction <maximumf>, %select_n3A_604, %reduce_max3A_613 [1] : vector<32x16xf32> to vector<32xf32>
    %broadcast_in_dim3A_615 = vector.shape_cast %reduce_max3A_614 : vector<32xf32> to vector<32x1xf32>
    %ge3A_616 = vector.broadcast %broadcast_in_dim3A_615 : vector<32x1xf32> to vector<32x16xf32>
    %ge3A_617 = arith.cmpf oge, %select_n3A_604, %ge3A_616 : vector<32x16xf32>
    %jit3A_618 = arith.constant 16 : i32
    %broadcast_in_dim3A_619 = vector.broadcast %jit3A_618 : i32 to vector<32x16xi32>
    %select_n3A_620 = arith.select %ge3A_617, %iota3A_99, %broadcast_in_dim3A_619 : vector<32x16xi1>, vector<32x16xi32>
    %reduce_min3A_621 = arith.constant dense<2147483647> : vector<32xi32>
    %reduce_min3A_622 = vector.multi_reduction <minsi>, %select_n3A_620, %reduce_min3A_621 [1] : vector<32x16xi32> to vector<32xi32>
    %broadcast_in_dim3A_623 = vector.shape_cast %reduce_min3A_622 : vector<32xi32> to vector<32x1xi32>
    %eq3A_624 = vector.broadcast %broadcast_in_dim3A_623 : vector<32x1xi32> to vector<32x16xi32>
    %eq3A_625 = arith.cmpi eq, %iota3A_99, %eq3A_624 : vector<32x16xi32>
    %jit3A_626 = arith.constant 0.000000e+00 : f32
    %broadcast_in_dim3A_627 = vector.broadcast %jit3A_626 : f32 to vector<32x16xf32>
    %select_n3A_628 = arith.select %eq3A_625, %convert_element_type3A, %broadcast_in_dim3A_627 : vector<32x16xi1>, vector<32x16xf32>
    %reduce_sum3A_629 = arith.constant dense<0.000000e+00> : vector<32xf32>
    %reduce_sum3A_630 = vector.multi_reduction <add>, %select_n3A_628, %reduce_sum3A_629 [1] : vector<32x16xf32> to vector<32xf32>
    %broadcast_in_dim3A_631 = vector.shape_cast %reduce_sum3A_630 : vector<32xf32> to vector<32x1xf32>
    %convert_element_type3A_632 = arith.fptosi %broadcast_in_dim3A_631 : vector<32x1xf32> to vector<32x1xi32>
    %add3A_633 = arith.addi %mul3A_435, %convert_element_type3A_632 : vector<32x1xi32>
    %mul3A_634 = arith.constant 20 : i32
    %mul3A_635 = arith.muli %arg0, %mul3A_634 : i32
    %add3A_636 = vector.broadcast %mul3A_635 : i32 to vector<32x1xi32>
    %add3A_637 = arith.addi %add3A_636, %broadcast_in_dim3A_144 : vector<32x1xi32>
    %mul3A_638 = arith.constant 32 : i32
    %mul3A_639 = vector.broadcast %mul3A_638 : i32 to vector<32x1xi32>
    %mul3A_640 = arith.muli %add3A_637, %mul3A_639 : vector<32x1xi32>
    %add3A_641 = arith.addi %mul3A_640, %iota3A_100 : vector<32x1xi32>
    %reshape3A_642 = vector.shape_cast %broadcast_in_dim3A_144 : vector<32x1xi32> to vector<32x1x1xi32>
    %eq3A_643 = vector.broadcast %reshape3A_642 : vector<32x1x1xi32> to vector<32x16x20xi32>
    %eq3A_644 = arith.cmpi eq, %iota3A_98, %eq3A_643 : vector<32x16x20xi32>
    %convert_element_type3A_645 = arith.extui %eq3A_644 : vector<32x16x20xi1> to vector<32x16x20xi32>
    %convert_element_type3A_646 = arith.sitofp %convert_element_type3A_645 : vector<32x16x20xi32> to vector<32x16x20xf32>
    %mul3A_647 = arith.mulf %select_n3A, %convert_element_type3A_646 : vector<32x16x20xf32>
    %reduce_sum3A_648 = arith.constant dense<0.000000e+00> : vector<32x16xf32>
    %reduce_sum3A_649 = vector.multi_reduction <add>, %mul3A_647, %reduce_sum3A_648 [2] : vector<32x16x20xf32> to vector<32x16xf32>
    %reduce_max3A_650 = arith.constant dense<0xFF800000> : vector<32xf32>
    %reduce_max3A_651 = vector.multi_reduction <maximumf>, %reduce_sum3A_649, %reduce_max3A_650 [1] : vector<32x16xf32> to vector<32xf32>
    %broadcast_in_dim3A_652 = vector.shape_cast %reduce_max3A_651 : vector<32xf32> to vector<32x1xf32>
    %ge3A_653 = vector.broadcast %broadcast_in_dim3A_652 : vector<32x1xf32> to vector<32x16xf32>
    %ge3A_654 = arith.cmpf oge, %reduce_sum3A_649, %ge3A_653 : vector<32x16xf32>
    %jit3A_655 = arith.constant 16 : i32
    %broadcast_in_dim3A_656 = vector.broadcast %jit3A_655 : i32 to vector<32x16xi32>
    %select_n3A_657 = arith.select %ge3A_654, %iota3A_99, %broadcast_in_dim3A_656 : vector<32x16xi1>, vector<32x16xi32>
    %reduce_min3A_658 = arith.constant dense<2147483647> : vector<32xi32>
    %reduce_min3A_659 = vector.multi_reduction <minsi>, %select_n3A_657, %reduce_min3A_658 [1] : vector<32x16xi32> to vector<32xi32>
    %broadcast_in_dim3A_660 = vector.shape_cast %reduce_min3A_659 : vector<32xi32> to vector<32x1xi32>
    %eq3A_661 = vector.broadcast %broadcast_in_dim3A_660 : vector<32x1xi32> to vector<32x16xi32>
    %eq3A_662 = arith.cmpi eq, %iota3A_99, %eq3A_661 : vector<32x16xi32>
    %jit3A_663 = arith.constant 0xFF800000 : f32
    %broadcast_in_dim3A_664 = vector.broadcast %jit3A_663 : f32 to vector<32x16xf32>
    %select_n3A_665 = arith.select %eq3A_662, %broadcast_in_dim3A_664, %reduce_sum3A_649 : vector<32x16xi1>, vector<32x16xf32>
    %jit3A_666 = arith.constant 0.000000e+00 : f32
    %broadcast_in_dim3A_667 = vector.broadcast %jit3A_666 : f32 to vector<32x16xf32>
    %select_n3A_668 = arith.select %eq3A_662, %convert_element_type3A, %broadcast_in_dim3A_667 : vector<32x16xi1>, vector<32x16xf32>
    %reduce_sum3A_669 = arith.constant dense<0.000000e+00> : vector<32xf32>
    %reduce_sum3A_670 = vector.multi_reduction <add>, %select_n3A_668, %reduce_sum3A_669 [1] : vector<32x16xf32> to vector<32xf32>
    %broadcast_in_dim3A_671 = vector.shape_cast %reduce_sum3A_670 : vector<32xf32> to vector<32x1xf32>
    %convert_element_type3A_672 = arith.fptosi %broadcast_in_dim3A_671 : vector<32x1xf32> to vector<32x1xi32>
    %add3A_673 = arith.addi %mul3A_640, %convert_element_type3A_672 : vector<32x1xi32>
    %reduce_max3A_674 = arith.constant dense<0xFF800000> : vector<32xf32>
    %reduce_max3A_675 = vector.multi_reduction <maximumf>, %select_n3A_665, %reduce_max3A_674 [1] : vector<32x16xf32> to vector<32xf32>
    %broadcast_in_dim3A_676 = vector.shape_cast %reduce_max3A_675 : vector<32xf32> to vector<32x1xf32>
    %ge3A_677 = vector.broadcast %broadcast_in_dim3A_676 : vector<32x1xf32> to vector<32x16xf32>
    %ge3A_678 = arith.cmpf oge, %select_n3A_665, %ge3A_677 : vector<32x16xf32>
    %jit3A_679 = arith.constant 16 : i32
    %broadcast_in_dim3A_680 = vector.broadcast %jit3A_679 : i32 to vector<32x16xi32>
    %select_n3A_681 = arith.select %ge3A_678, %iota3A_99, %broadcast_in_dim3A_680 : vector<32x16xi1>, vector<32x16xi32>
    %reduce_min3A_682 = arith.constant dense<2147483647> : vector<32xi32>
    %reduce_min3A_683 = vector.multi_reduction <minsi>, %select_n3A_681, %reduce_min3A_682 [1] : vector<32x16xi32> to vector<32xi32>
    %broadcast_in_dim3A_684 = vector.shape_cast %reduce_min3A_683 : vector<32xi32> to vector<32x1xi32>
    %eq3A_685 = vector.broadcast %broadcast_in_dim3A_684 : vector<32x1xi32> to vector<32x16xi32>
    %eq3A_686 = arith.cmpi eq, %iota3A_99, %eq3A_685 : vector<32x16xi32>
    %jit3A_687 = arith.constant 0xFF800000 : f32
    %broadcast_in_dim3A_688 = vector.broadcast %jit3A_687 : f32 to vector<32x16xf32>
    %select_n3A_689 = arith.select %eq3A_686, %broadcast_in_dim3A_688, %select_n3A_665 : vector<32x16xi1>, vector<32x16xf32>
    %jit3A_690 = arith.constant 0.000000e+00 : f32
    %broadcast_in_dim3A_691 = vector.broadcast %jit3A_690 : f32 to vector<32x16xf32>
    %select_n3A_692 = arith.select %eq3A_686, %convert_element_type3A, %broadcast_in_dim3A_691 : vector<32x16xi1>, vector<32x16xf32>
    %reduce_sum3A_693 = arith.constant dense<0.000000e+00> : vector<32xf32>
    %reduce_sum3A_694 = vector.multi_reduction <add>, %select_n3A_692, %reduce_sum3A_693 [1] : vector<32x16xf32> to vector<32xf32>
    %broadcast_in_dim3A_695 = vector.shape_cast %reduce_sum3A_694 : vector<32xf32> to vector<32x1xf32>
    %convert_element_type3A_696 = arith.fptosi %broadcast_in_dim3A_695 : vector<32x1xf32> to vector<32x1xi32>
    %add3A_697 = arith.addi %mul3A_640, %convert_element_type3A_696 : vector<32x1xi32>
    %reduce_max3A_698 = arith.constant dense<0xFF800000> : vector<32xf32>
    %reduce_max3A_699 = vector.multi_reduction <maximumf>, %select_n3A_689, %reduce_max3A_698 [1] : vector<32x16xf32> to vector<32xf32>
    %broadcast_in_dim3A_700 = vector.shape_cast %reduce_max3A_699 : vector<32xf32> to vector<32x1xf32>
    %ge3A_701 = vector.broadcast %broadcast_in_dim3A_700 : vector<32x1xf32> to vector<32x16xf32>
    %ge3A_702 = arith.cmpf oge, %select_n3A_689, %ge3A_701 : vector<32x16xf32>
    %jit3A_703 = arith.constant 16 : i32
    %broadcast_in_dim3A_704 = vector.broadcast %jit3A_703 : i32 to vector<32x16xi32>
    %select_n3A_705 = arith.select %ge3A_702, %iota3A_99, %broadcast_in_dim3A_704 : vector<32x16xi1>, vector<32x16xi32>
    %reduce_min3A_706 = arith.constant dense<2147483647> : vector<32xi32>
    %reduce_min3A_707 = vector.multi_reduction <minsi>, %select_n3A_705, %reduce_min3A_706 [1] : vector<32x16xi32> to vector<32xi32>
    %broadcast_in_dim3A_708 = vector.shape_cast %reduce_min3A_707 : vector<32xi32> to vector<32x1xi32>
    %eq3A_709 = vector.broadcast %broadcast_in_dim3A_708 : vector<32x1xi32> to vector<32x16xi32>
    %eq3A_710 = arith.cmpi eq, %iota3A_99, %eq3A_709 : vector<32x16xi32>
    %jit3A_711 = arith.constant 0xFF800000 : f32
    %broadcast_in_dim3A_712 = vector.broadcast %jit3A_711 : f32 to vector<32x16xf32>
    %select_n3A_713 = arith.select %eq3A_710, %broadcast_in_dim3A_712, %select_n3A_689 : vector<32x16xi1>, vector<32x16xf32>
    %jit3A_714 = arith.constant 0.000000e+00 : f32
    %broadcast_in_dim3A_715 = vector.broadcast %jit3A_714 : f32 to vector<32x16xf32>
    %select_n3A_716 = arith.select %eq3A_710, %convert_element_type3A, %broadcast_in_dim3A_715 : vector<32x16xi1>, vector<32x16xf32>
    %reduce_sum3A_717 = arith.constant dense<0.000000e+00> : vector<32xf32>
    %reduce_sum3A_718 = vector.multi_reduction <add>, %select_n3A_716, %reduce_sum3A_717 [1] : vector<32x16xf32> to vector<32xf32>
    %broadcast_in_dim3A_719 = vector.shape_cast %reduce_sum3A_718 : vector<32xf32> to vector<32x1xf32>
    %convert_element_type3A_720 = arith.fptosi %broadcast_in_dim3A_719 : vector<32x1xf32> to vector<32x1xi32>
    %add3A_721 = arith.addi %mul3A_640, %convert_element_type3A_720 : vector<32x1xi32>
    %reduce_max3A_722 = arith.constant dense<0xFF800000> : vector<32xf32>
    %reduce_max3A_723 = vector.multi_reduction <maximumf>, %select_n3A_713, %reduce_max3A_722 [1] : vector<32x16xf32> to vector<32xf32>
    %broadcast_in_dim3A_724 = vector.shape_cast %reduce_max3A_723 : vector<32xf32> to vector<32x1xf32>
    %ge3A_725 = vector.broadcast %broadcast_in_dim3A_724 : vector<32x1xf32> to vector<32x16xf32>
    %ge3A_726 = arith.cmpf oge, %select_n3A_713, %ge3A_725 : vector<32x16xf32>
    %jit3A_727 = arith.constant 16 : i32
    %broadcast_in_dim3A_728 = vector.broadcast %jit3A_727 : i32 to vector<32x16xi32>
    %select_n3A_729 = arith.select %ge3A_726, %iota3A_99, %broadcast_in_dim3A_728 : vector<32x16xi1>, vector<32x16xi32>
    %reduce_min3A_730 = arith.constant dense<2147483647> : vector<32xi32>
    %reduce_min3A_731 = vector.multi_reduction <minsi>, %select_n3A_729, %reduce_min3A_730 [1] : vector<32x16xi32> to vector<32xi32>
    %broadcast_in_dim3A_732 = vector.shape_cast %reduce_min3A_731 : vector<32xi32> to vector<32x1xi32>
    %eq3A_733 = vector.broadcast %broadcast_in_dim3A_732 : vector<32x1xi32> to vector<32x16xi32>
    %eq3A_734 = arith.cmpi eq, %iota3A_99, %eq3A_733 : vector<32x16xi32>
    %jit3A_735 = arith.constant 0xFF800000 : f32
    %broadcast_in_dim3A_736 = vector.broadcast %jit3A_735 : f32 to vector<32x16xf32>
    %select_n3A_737 = arith.select %eq3A_734, %broadcast_in_dim3A_736, %select_n3A_713 : vector<32x16xi1>, vector<32x16xf32>
    %jit3A_738 = arith.constant 0.000000e+00 : f32
    %broadcast_in_dim3A_739 = vector.broadcast %jit3A_738 : f32 to vector<32x16xf32>
    %select_n3A_740 = arith.select %eq3A_734, %convert_element_type3A, %broadcast_in_dim3A_739 : vector<32x16xi1>, vector<32x16xf32>
    %reduce_sum3A_741 = arith.constant dense<0.000000e+00> : vector<32xf32>
    %reduce_sum3A_742 = vector.multi_reduction <add>, %select_n3A_740, %reduce_sum3A_741 [1] : vector<32x16xf32> to vector<32xf32>
    %broadcast_in_dim3A_743 = vector.shape_cast %reduce_sum3A_742 : vector<32xf32> to vector<32x1xf32>
    %convert_element_type3A_744 = arith.fptosi %broadcast_in_dim3A_743 : vector<32x1xf32> to vector<32x1xi32>
    %add3A_745 = arith.addi %mul3A_640, %convert_element_type3A_744 : vector<32x1xi32>
    %reduce_max3A_746 = arith.constant dense<0xFF800000> : vector<32xf32>
    %reduce_max3A_747 = vector.multi_reduction <maximumf>, %select_n3A_737, %reduce_max3A_746 [1] : vector<32x16xf32> to vector<32xf32>
    %broadcast_in_dim3A_748 = vector.shape_cast %reduce_max3A_747 : vector<32xf32> to vector<32x1xf32>
    %ge3A_749 = vector.broadcast %broadcast_in_dim3A_748 : vector<32x1xf32> to vector<32x16xf32>
    %ge3A_750 = arith.cmpf oge, %select_n3A_737, %ge3A_749 : vector<32x16xf32>
    %jit3A_751 = arith.constant 16 : i32
    %broadcast_in_dim3A_752 = vector.broadcast %jit3A_751 : i32 to vector<32x16xi32>
    %select_n3A_753 = arith.select %ge3A_750, %iota3A_99, %broadcast_in_dim3A_752 : vector<32x16xi1>, vector<32x16xi32>
    %reduce_min3A_754 = arith.constant dense<2147483647> : vector<32xi32>
    %reduce_min3A_755 = vector.multi_reduction <minsi>, %select_n3A_753, %reduce_min3A_754 [1] : vector<32x16xi32> to vector<32xi32>
    %broadcast_in_dim3A_756 = vector.shape_cast %reduce_min3A_755 : vector<32xi32> to vector<32x1xi32>
    %eq3A_757 = vector.broadcast %broadcast_in_dim3A_756 : vector<32x1xi32> to vector<32x16xi32>
    %eq3A_758 = arith.cmpi eq, %iota3A_99, %eq3A_757 : vector<32x16xi32>
    %jit3A_759 = arith.constant 0xFF800000 : f32
    %broadcast_in_dim3A_760 = vector.broadcast %jit3A_759 : f32 to vector<32x16xf32>
    %select_n3A_761 = arith.select %eq3A_758, %broadcast_in_dim3A_760, %select_n3A_737 : vector<32x16xi1>, vector<32x16xf32>
    %jit3A_762 = arith.constant 0.000000e+00 : f32
    %broadcast_in_dim3A_763 = vector.broadcast %jit3A_762 : f32 to vector<32x16xf32>
    %select_n3A_764 = arith.select %eq3A_758, %convert_element_type3A, %broadcast_in_dim3A_763 : vector<32x16xi1>, vector<32x16xf32>
    %reduce_sum3A_765 = arith.constant dense<0.000000e+00> : vector<32xf32>
    %reduce_sum3A_766 = vector.multi_reduction <add>, %select_n3A_764, %reduce_sum3A_765 [1] : vector<32x16xf32> to vector<32xf32>
    %broadcast_in_dim3A_767 = vector.shape_cast %reduce_sum3A_766 : vector<32xf32> to vector<32x1xf32>
    %convert_element_type3A_768 = arith.fptosi %broadcast_in_dim3A_767 : vector<32x1xf32> to vector<32x1xi32>
    %add3A_769 = arith.addi %mul3A_640, %convert_element_type3A_768 : vector<32x1xi32>
    %reduce_max3A_770 = arith.constant dense<0xFF800000> : vector<32xf32>
    %reduce_max3A_771 = vector.multi_reduction <maximumf>, %select_n3A_761, %reduce_max3A_770 [1] : vector<32x16xf32> to vector<32xf32>
    %broadcast_in_dim3A_772 = vector.shape_cast %reduce_max3A_771 : vector<32xf32> to vector<32x1xf32>
    %ge3A_773 = vector.broadcast %broadcast_in_dim3A_772 : vector<32x1xf32> to vector<32x16xf32>
    %ge3A_774 = arith.cmpf oge, %select_n3A_761, %ge3A_773 : vector<32x16xf32>
    %jit3A_775 = arith.constant 16 : i32
    %broadcast_in_dim3A_776 = vector.broadcast %jit3A_775 : i32 to vector<32x16xi32>
    %select_n3A_777 = arith.select %ge3A_774, %iota3A_99, %broadcast_in_dim3A_776 : vector<32x16xi1>, vector<32x16xi32>
    %reduce_min3A_778 = arith.constant dense<2147483647> : vector<32xi32>
    %reduce_min3A_779 = vector.multi_reduction <minsi>, %select_n3A_777, %reduce_min3A_778 [1] : vector<32x16xi32> to vector<32xi32>
    %broadcast_in_dim3A_780 = vector.shape_cast %reduce_min3A_779 : vector<32xi32> to vector<32x1xi32>
    %eq3A_781 = vector.broadcast %broadcast_in_dim3A_780 : vector<32x1xi32> to vector<32x16xi32>
    %eq3A_782 = arith.cmpi eq, %iota3A_99, %eq3A_781 : vector<32x16xi32>
    %jit3A_783 = arith.constant 0xFF800000 : f32
    %broadcast_in_dim3A_784 = vector.broadcast %jit3A_783 : f32 to vector<32x16xf32>
    %select_n3A_785 = arith.select %eq3A_782, %broadcast_in_dim3A_784, %select_n3A_761 : vector<32x16xi1>, vector<32x16xf32>
    %jit3A_786 = arith.constant 0.000000e+00 : f32
    %broadcast_in_dim3A_787 = vector.broadcast %jit3A_786 : f32 to vector<32x16xf32>
    %select_n3A_788 = arith.select %eq3A_782, %convert_element_type3A, %broadcast_in_dim3A_787 : vector<32x16xi1>, vector<32x16xf32>
    %reduce_sum3A_789 = arith.constant dense<0.000000e+00> : vector<32xf32>
    %reduce_sum3A_790 = vector.multi_reduction <add>, %select_n3A_788, %reduce_sum3A_789 [1] : vector<32x16xf32> to vector<32xf32>
    %broadcast_in_dim3A_791 = vector.shape_cast %reduce_sum3A_790 : vector<32xf32> to vector<32x1xf32>
    %convert_element_type3A_792 = arith.fptosi %broadcast_in_dim3A_791 : vector<32x1xf32> to vector<32x1xi32>
    %add3A_793 = arith.addi %mul3A_640, %convert_element_type3A_792 : vector<32x1xi32>
    %reduce_max3A_794 = arith.constant dense<0xFF800000> : vector<32xf32>
    %reduce_max3A_795 = vector.multi_reduction <maximumf>, %select_n3A_785, %reduce_max3A_794 [1] : vector<32x16xf32> to vector<32xf32>
    %broadcast_in_dim3A_796 = vector.shape_cast %reduce_max3A_795 : vector<32xf32> to vector<32x1xf32>
    %ge3A_797 = vector.broadcast %broadcast_in_dim3A_796 : vector<32x1xf32> to vector<32x16xf32>
    %ge3A_798 = arith.cmpf oge, %select_n3A_785, %ge3A_797 : vector<32x16xf32>
    %jit3A_799 = arith.constant 16 : i32
    %broadcast_in_dim3A_800 = vector.broadcast %jit3A_799 : i32 to vector<32x16xi32>
    %select_n3A_801 = arith.select %ge3A_798, %iota3A_99, %broadcast_in_dim3A_800 : vector<32x16xi1>, vector<32x16xi32>
    %reduce_min3A_802 = arith.constant dense<2147483647> : vector<32xi32>
    %reduce_min3A_803 = vector.multi_reduction <minsi>, %select_n3A_801, %reduce_min3A_802 [1] : vector<32x16xi32> to vector<32xi32>
    %broadcast_in_dim3A_804 = vector.shape_cast %reduce_min3A_803 : vector<32xi32> to vector<32x1xi32>
    %eq3A_805 = vector.broadcast %broadcast_in_dim3A_804 : vector<32x1xi32> to vector<32x16xi32>
    %eq3A_806 = arith.cmpi eq, %iota3A_99, %eq3A_805 : vector<32x16xi32>
    %jit3A_807 = arith.constant 0xFF800000 : f32
    %broadcast_in_dim3A_808 = vector.broadcast %jit3A_807 : f32 to vector<32x16xf32>
    %select_n3A_809 = arith.select %eq3A_806, %broadcast_in_dim3A_808, %select_n3A_785 : vector<32x16xi1>, vector<32x16xf32>
    %jit3A_810 = arith.constant 0.000000e+00 : f32
    %broadcast_in_dim3A_811 = vector.broadcast %jit3A_810 : f32 to vector<32x16xf32>
    %select_n3A_812 = arith.select %eq3A_806, %convert_element_type3A, %broadcast_in_dim3A_811 : vector<32x16xi1>, vector<32x16xf32>
    %reduce_sum3A_813 = arith.constant dense<0.000000e+00> : vector<32xf32>
    %reduce_sum3A_814 = vector.multi_reduction <add>, %select_n3A_812, %reduce_sum3A_813 [1] : vector<32x16xf32> to vector<32xf32>
    %broadcast_in_dim3A_815 = vector.shape_cast %reduce_sum3A_814 : vector<32xf32> to vector<32x1xf32>
    %convert_element_type3A_816 = arith.fptosi %broadcast_in_dim3A_815 : vector<32x1xf32> to vector<32x1xi32>
    %add3A_817 = arith.addi %mul3A_640, %convert_element_type3A_816 : vector<32x1xi32>
    %reduce_max3A_818 = arith.constant dense<0xFF800000> : vector<32xf32>
    %reduce_max3A_819 = vector.multi_reduction <maximumf>, %select_n3A_809, %reduce_max3A_818 [1] : vector<32x16xf32> to vector<32xf32>
    %broadcast_in_dim3A_820 = vector.shape_cast %reduce_max3A_819 : vector<32xf32> to vector<32x1xf32>
    %ge3A_821 = vector.broadcast %broadcast_in_dim3A_820 : vector<32x1xf32> to vector<32x16xf32>
    %ge3A_822 = arith.cmpf oge, %select_n3A_809, %ge3A_821 : vector<32x16xf32>
    %jit3A_823 = arith.constant 16 : i32
    %broadcast_in_dim3A_824 = vector.broadcast %jit3A_823 : i32 to vector<32x16xi32>
    %select_n3A_825 = arith.select %ge3A_822, %iota3A_99, %broadcast_in_dim3A_824 : vector<32x16xi1>, vector<32x16xi32>
    %reduce_min3A_826 = arith.constant dense<2147483647> : vector<32xi32>
    %reduce_min3A_827 = vector.multi_reduction <minsi>, %select_n3A_825, %reduce_min3A_826 [1] : vector<32x16xi32> to vector<32xi32>
    %broadcast_in_dim3A_828 = vector.shape_cast %reduce_min3A_827 : vector<32xi32> to vector<32x1xi32>
    %eq3A_829 = vector.broadcast %broadcast_in_dim3A_828 : vector<32x1xi32> to vector<32x16xi32>
    %eq3A_830 = arith.cmpi eq, %iota3A_99, %eq3A_829 : vector<32x16xi32>
    %jit3A_831 = arith.constant 0.000000e+00 : f32
    %broadcast_in_dim3A_832 = vector.broadcast %jit3A_831 : f32 to vector<32x16xf32>
    %select_n3A_833 = arith.select %eq3A_830, %convert_element_type3A, %broadcast_in_dim3A_832 : vector<32x16xi1>, vector<32x16xf32>
    %reduce_sum3A_834 = arith.constant dense<0.000000e+00> : vector<32xf32>
    %reduce_sum3A_835 = vector.multi_reduction <add>, %select_n3A_833, %reduce_sum3A_834 [1] : vector<32x16xf32> to vector<32xf32>
    %broadcast_in_dim3A_836 = vector.shape_cast %reduce_sum3A_835 : vector<32xf32> to vector<32x1xf32>
    %convert_element_type3A_837 = arith.fptosi %broadcast_in_dim3A_836 : vector<32x1xf32> to vector<32x1xi32>
    %add3A_838 = arith.addi %mul3A_640, %convert_element_type3A_837 : vector<32x1xi32>
    %mul3A_839 = arith.constant 20 : i32
    %mul3A_840 = arith.muli %arg0, %mul3A_839 : i32
    %add3A_841 = vector.broadcast %mul3A_840 : i32 to vector<32x1xi32>
    %add3A_842 = arith.addi %add3A_841, %broadcast_in_dim3A_160 : vector<32x1xi32>
    %mul3A_843 = arith.constant 32 : i32
    %mul3A_844 = vector.broadcast %mul3A_843 : i32 to vector<32x1xi32>
    %mul3A_845 = arith.muli %add3A_842, %mul3A_844 : vector<32x1xi32>
    %add3A_846 = arith.addi %mul3A_845, %iota3A_100 : vector<32x1xi32>
    %reshape3A_847 = vector.shape_cast %broadcast_in_dim3A_160 : vector<32x1xi32> to vector<32x1x1xi32>
    %eq3A_848 = vector.broadcast %reshape3A_847 : vector<32x1x1xi32> to vector<32x16x20xi32>
    %eq3A_849 = arith.cmpi eq, %iota3A_98, %eq3A_848 : vector<32x16x20xi32>
    %convert_element_type3A_850 = arith.extui %eq3A_849 : vector<32x16x20xi1> to vector<32x16x20xi32>
    %convert_element_type3A_851 = arith.sitofp %convert_element_type3A_850 : vector<32x16x20xi32> to vector<32x16x20xf32>
    %mul3A_852 = arith.mulf %select_n3A, %convert_element_type3A_851 : vector<32x16x20xf32>
    %reduce_sum3A_853 = arith.constant dense<0.000000e+00> : vector<32x16xf32>
    %reduce_sum3A_854 = vector.multi_reduction <add>, %mul3A_852, %reduce_sum3A_853 [2] : vector<32x16x20xf32> to vector<32x16xf32>
    %reduce_max3A_855 = arith.constant dense<0xFF800000> : vector<32xf32>
    %reduce_max3A_856 = vector.multi_reduction <maximumf>, %reduce_sum3A_854, %reduce_max3A_855 [1] : vector<32x16xf32> to vector<32xf32>
    %broadcast_in_dim3A_857 = vector.shape_cast %reduce_max3A_856 : vector<32xf32> to vector<32x1xf32>
    %ge3A_858 = vector.broadcast %broadcast_in_dim3A_857 : vector<32x1xf32> to vector<32x16xf32>
    %ge3A_859 = arith.cmpf oge, %reduce_sum3A_854, %ge3A_858 : vector<32x16xf32>
    %jit3A_860 = arith.constant 16 : i32
    %broadcast_in_dim3A_861 = vector.broadcast %jit3A_860 : i32 to vector<32x16xi32>
    %select_n3A_862 = arith.select %ge3A_859, %iota3A_99, %broadcast_in_dim3A_861 : vector<32x16xi1>, vector<32x16xi32>
    %reduce_min3A_863 = arith.constant dense<2147483647> : vector<32xi32>
    %reduce_min3A_864 = vector.multi_reduction <minsi>, %select_n3A_862, %reduce_min3A_863 [1] : vector<32x16xi32> to vector<32xi32>
    %broadcast_in_dim3A_865 = vector.shape_cast %reduce_min3A_864 : vector<32xi32> to vector<32x1xi32>
    %eq3A_866 = vector.broadcast %broadcast_in_dim3A_865 : vector<32x1xi32> to vector<32x16xi32>
    %eq3A_867 = arith.cmpi eq, %iota3A_99, %eq3A_866 : vector<32x16xi32>
    %jit3A_868 = arith.constant 0xFF800000 : f32
    %broadcast_in_dim3A_869 = vector.broadcast %jit3A_868 : f32 to vector<32x16xf32>
    %select_n3A_870 = arith.select %eq3A_867, %broadcast_in_dim3A_869, %reduce_sum3A_854 : vector<32x16xi1>, vector<32x16xf32>
    %jit3A_871 = arith.constant 0.000000e+00 : f32
    %broadcast_in_dim3A_872 = vector.broadcast %jit3A_871 : f32 to vector<32x16xf32>
    %select_n3A_873 = arith.select %eq3A_867, %convert_element_type3A, %broadcast_in_dim3A_872 : vector<32x16xi1>, vector<32x16xf32>
    %reduce_sum3A_874 = arith.constant dense<0.000000e+00> : vector<32xf32>
    %reduce_sum3A_875 = vector.multi_reduction <add>, %select_n3A_873, %reduce_sum3A_874 [1] : vector<32x16xf32> to vector<32xf32>
    %broadcast_in_dim3A_876 = vector.shape_cast %reduce_sum3A_875 : vector<32xf32> to vector<32x1xf32>
    %convert_element_type3A_877 = arith.fptosi %broadcast_in_dim3A_876 : vector<32x1xf32> to vector<32x1xi32>
    %add3A_878 = arith.addi %mul3A_845, %convert_element_type3A_877 : vector<32x1xi32>
    %reduce_max3A_879 = arith.constant dense<0xFF800000> : vector<32xf32>
    %reduce_max3A_880 = vector.multi_reduction <maximumf>, %select_n3A_870, %reduce_max3A_879 [1] : vector<32x16xf32> to vector<32xf32>
    %broadcast_in_dim3A_881 = vector.shape_cast %reduce_max3A_880 : vector<32xf32> to vector<32x1xf32>
    %ge3A_882 = vector.broadcast %broadcast_in_dim3A_881 : vector<32x1xf32> to vector<32x16xf32>
    %ge3A_883 = arith.cmpf oge, %select_n3A_870, %ge3A_882 : vector<32x16xf32>
    %jit3A_884 = arith.constant 16 : i32
    %broadcast_in_dim3A_885 = vector.broadcast %jit3A_884 : i32 to vector<32x16xi32>
    %select_n3A_886 = arith.select %ge3A_883, %iota3A_99, %broadcast_in_dim3A_885 : vector<32x16xi1>, vector<32x16xi32>
    %reduce_min3A_887 = arith.constant dense<2147483647> : vector<32xi32>
    %reduce_min3A_888 = vector.multi_reduction <minsi>, %select_n3A_886, %reduce_min3A_887 [1] : vector<32x16xi32> to vector<32xi32>
    %broadcast_in_dim3A_889 = vector.shape_cast %reduce_min3A_888 : vector<32xi32> to vector<32x1xi32>
    %eq3A_890 = vector.broadcast %broadcast_in_dim3A_889 : vector<32x1xi32> to vector<32x16xi32>
    %eq3A_891 = arith.cmpi eq, %iota3A_99, %eq3A_890 : vector<32x16xi32>
    %jit3A_892 = arith.constant 0xFF800000 : f32
    %broadcast_in_dim3A_893 = vector.broadcast %jit3A_892 : f32 to vector<32x16xf32>
    %select_n3A_894 = arith.select %eq3A_891, %broadcast_in_dim3A_893, %select_n3A_870 : vector<32x16xi1>, vector<32x16xf32>
    %jit3A_895 = arith.constant 0.000000e+00 : f32
    %broadcast_in_dim3A_896 = vector.broadcast %jit3A_895 : f32 to vector<32x16xf32>
    %select_n3A_897 = arith.select %eq3A_891, %convert_element_type3A, %broadcast_in_dim3A_896 : vector<32x16xi1>, vector<32x16xf32>
    %reduce_sum3A_898 = arith.constant dense<0.000000e+00> : vector<32xf32>
    %reduce_sum3A_899 = vector.multi_reduction <add>, %select_n3A_897, %reduce_sum3A_898 [1] : vector<32x16xf32> to vector<32xf32>
    %broadcast_in_dim3A_900 = vector.shape_cast %reduce_sum3A_899 : vector<32xf32> to vector<32x1xf32>
    %convert_element_type3A_901 = arith.fptosi %broadcast_in_dim3A_900 : vector<32x1xf32> to vector<32x1xi32>
    %add3A_902 = arith.addi %mul3A_845, %convert_element_type3A_901 : vector<32x1xi32>
    %reduce_max3A_903 = arith.constant dense<0xFF800000> : vector<32xf32>
    %reduce_max3A_904 = vector.multi_reduction <maximumf>, %select_n3A_894, %reduce_max3A_903 [1] : vector<32x16xf32> to vector<32xf32>
    %broadcast_in_dim3A_905 = vector.shape_cast %reduce_max3A_904 : vector<32xf32> to vector<32x1xf32>
    %ge3A_906 = vector.broadcast %broadcast_in_dim3A_905 : vector<32x1xf32> to vector<32x16xf32>
    %ge3A_907 = arith.cmpf oge, %select_n3A_894, %ge3A_906 : vector<32x16xf32>
    %jit3A_908 = arith.constant 16 : i32
    %broadcast_in_dim3A_909 = vector.broadcast %jit3A_908 : i32 to vector<32x16xi32>
    %select_n3A_910 = arith.select %ge3A_907, %iota3A_99, %broadcast_in_dim3A_909 : vector<32x16xi1>, vector<32x16xi32>
    %reduce_min3A_911 = arith.constant dense<2147483647> : vector<32xi32>
    %reduce_min3A_912 = vector.multi_reduction <minsi>, %select_n3A_910, %reduce_min3A_911 [1] : vector<32x16xi32> to vector<32xi32>
    %broadcast_in_dim3A_913 = vector.shape_cast %reduce_min3A_912 : vector<32xi32> to vector<32x1xi32>
    %eq3A_914 = vector.broadcast %broadcast_in_dim3A_913 : vector<32x1xi32> to vector<32x16xi32>
    %eq3A_915 = arith.cmpi eq, %iota3A_99, %eq3A_914 : vector<32x16xi32>
    %jit3A_916 = arith.constant 0xFF800000 : f32
    %broadcast_in_dim3A_917 = vector.broadcast %jit3A_916 : f32 to vector<32x16xf32>
    %select_n3A_918 = arith.select %eq3A_915, %broadcast_in_dim3A_917, %select_n3A_894 : vector<32x16xi1>, vector<32x16xf32>
    %jit3A_919 = arith.constant 0.000000e+00 : f32
    %broadcast_in_dim3A_920 = vector.broadcast %jit3A_919 : f32 to vector<32x16xf32>
    %select_n3A_921 = arith.select %eq3A_915, %convert_element_type3A, %broadcast_in_dim3A_920 : vector<32x16xi1>, vector<32x16xf32>
    %reduce_sum3A_922 = arith.constant dense<0.000000e+00> : vector<32xf32>
    %reduce_sum3A_923 = vector.multi_reduction <add>, %select_n3A_921, %reduce_sum3A_922 [1] : vector<32x16xf32> to vector<32xf32>
    %broadcast_in_dim3A_924 = vector.shape_cast %reduce_sum3A_923 : vector<32xf32> to vector<32x1xf32>
    %convert_element_type3A_925 = arith.fptosi %broadcast_in_dim3A_924 : vector<32x1xf32> to vector<32x1xi32>
    %add3A_926 = arith.addi %mul3A_845, %convert_element_type3A_925 : vector<32x1xi32>
    %reduce_max3A_927 = arith.constant dense<0xFF800000> : vector<32xf32>
    %reduce_max3A_928 = vector.multi_reduction <maximumf>, %select_n3A_918, %reduce_max3A_927 [1] : vector<32x16xf32> to vector<32xf32>
    %broadcast_in_dim3A_929 = vector.shape_cast %reduce_max3A_928 : vector<32xf32> to vector<32x1xf32>
    %ge3A_930 = vector.broadcast %broadcast_in_dim3A_929 : vector<32x1xf32> to vector<32x16xf32>
    %ge3A_931 = arith.cmpf oge, %select_n3A_918, %ge3A_930 : vector<32x16xf32>
    %jit3A_932 = arith.constant 16 : i32
    %broadcast_in_dim3A_933 = vector.broadcast %jit3A_932 : i32 to vector<32x16xi32>
    %select_n3A_934 = arith.select %ge3A_931, %iota3A_99, %broadcast_in_dim3A_933 : vector<32x16xi1>, vector<32x16xi32>
    %reduce_min3A_935 = arith.constant dense<2147483647> : vector<32xi32>
    %reduce_min3A_936 = vector.multi_reduction <minsi>, %select_n3A_934, %reduce_min3A_935 [1] : vector<32x16xi32> to vector<32xi32>
    %broadcast_in_dim3A_937 = vector.shape_cast %reduce_min3A_936 : vector<32xi32> to vector<32x1xi32>
    %eq3A_938 = vector.broadcast %broadcast_in_dim3A_937 : vector<32x1xi32> to vector<32x16xi32>
    %eq3A_939 = arith.cmpi eq, %iota3A_99, %eq3A_938 : vector<32x16xi32>
    %jit3A_940 = arith.constant 0xFF800000 : f32
    %broadcast_in_dim3A_941 = vector.broadcast %jit3A_940 : f32 to vector<32x16xf32>
    %select_n3A_942 = arith.select %eq3A_939, %broadcast_in_dim3A_941, %select_n3A_918 : vector<32x16xi1>, vector<32x16xf32>
    %jit3A_943 = arith.constant 0.000000e+00 : f32
    %broadcast_in_dim3A_944 = vector.broadcast %jit3A_943 : f32 to vector<32x16xf32>
    %select_n3A_945 = arith.select %eq3A_939, %convert_element_type3A, %broadcast_in_dim3A_944 : vector<32x16xi1>, vector<32x16xf32>
    %reduce_sum3A_946 = arith.constant dense<0.000000e+00> : vector<32xf32>
    %reduce_sum3A_947 = vector.multi_reduction <add>, %select_n3A_945, %reduce_sum3A_946 [1] : vector<32x16xf32> to vector<32xf32>
    %broadcast_in_dim3A_948 = vector.shape_cast %reduce_sum3A_947 : vector<32xf32> to vector<32x1xf32>
    %convert_element_type3A_949 = arith.fptosi %broadcast_in_dim3A_948 : vector<32x1xf32> to vector<32x1xi32>
    %add3A_950 = arith.addi %mul3A_845, %convert_element_type3A_949 : vector<32x1xi32>
    %reduce_max3A_951 = arith.constant dense<0xFF800000> : vector<32xf32>
    %reduce_max3A_952 = vector.multi_reduction <maximumf>, %select_n3A_942, %reduce_max3A_951 [1] : vector<32x16xf32> to vector<32xf32>
    %broadcast_in_dim3A_953 = vector.shape_cast %reduce_max3A_952 : vector<32xf32> to vector<32x1xf32>
    %ge3A_954 = vector.broadcast %broadcast_in_dim3A_953 : vector<32x1xf32> to vector<32x16xf32>
    %ge3A_955 = arith.cmpf oge, %select_n3A_942, %ge3A_954 : vector<32x16xf32>
    %jit3A_956 = arith.constant 16 : i32
    %broadcast_in_dim3A_957 = vector.broadcast %jit3A_956 : i32 to vector<32x16xi32>
    %select_n3A_958 = arith.select %ge3A_955, %iota3A_99, %broadcast_in_dim3A_957 : vector<32x16xi1>, vector<32x16xi32>
    %reduce_min3A_959 = arith.constant dense<2147483647> : vector<32xi32>
    %reduce_min3A_960 = vector.multi_reduction <minsi>, %select_n3A_958, %reduce_min3A_959 [1] : vector<32x16xi32> to vector<32xi32>
    %broadcast_in_dim3A_961 = vector.shape_cast %reduce_min3A_960 : vector<32xi32> to vector<32x1xi32>
    %eq3A_962 = vector.broadcast %broadcast_in_dim3A_961 : vector<32x1xi32> to vector<32x16xi32>
    %eq3A_963 = arith.cmpi eq, %iota3A_99, %eq3A_962 : vector<32x16xi32>
    %jit3A_964 = arith.constant 0xFF800000 : f32
    %broadcast_in_dim3A_965 = vector.broadcast %jit3A_964 : f32 to vector<32x16xf32>
    %select_n3A_966 = arith.select %eq3A_963, %broadcast_in_dim3A_965, %select_n3A_942 : vector<32x16xi1>, vector<32x16xf32>
    %jit3A_967 = arith.constant 0.000000e+00 : f32
    %broadcast_in_dim3A_968 = vector.broadcast %jit3A_967 : f32 to vector<32x16xf32>
    %select_n3A_969 = arith.select %eq3A_963, %convert_element_type3A, %broadcast_in_dim3A_968 : vector<32x16xi1>, vector<32x16xf32>
    %reduce_sum3A_970 = arith.constant dense<0.000000e+00> : vector<32xf32>
    %reduce_sum3A_971 = vector.multi_reduction <add>, %select_n3A_969, %reduce_sum3A_970 [1] : vector<32x16xf32> to vector<32xf32>
    %broadcast_in_dim3A_972 = vector.shape_cast %reduce_sum3A_971 : vector<32xf32> to vector<32x1xf32>
    %convert_element_type3A_973 = arith.fptosi %broadcast_in_dim3A_972 : vector<32x1xf32> to vector<32x1xi32>
    %add3A_974 = arith.addi %mul3A_845, %convert_element_type3A_973 : vector<32x1xi32>
    %reduce_max3A_975 = arith.constant dense<0xFF800000> : vector<32xf32>
    %reduce_max3A_976 = vector.multi_reduction <maximumf>, %select_n3A_966, %reduce_max3A_975 [1] : vector<32x16xf32> to vector<32xf32>
    %broadcast_in_dim3A_977 = vector.shape_cast %reduce_max3A_976 : vector<32xf32> to vector<32x1xf32>
    %ge3A_978 = vector.broadcast %broadcast_in_dim3A_977 : vector<32x1xf32> to vector<32x16xf32>
    %ge3A_979 = arith.cmpf oge, %select_n3A_966, %ge3A_978 : vector<32x16xf32>
    %jit3A_980 = arith.constant 16 : i32
    %broadcast_in_dim3A_981 = vector.broadcast %jit3A_980 : i32 to vector<32x16xi32>
    %select_n3A_982 = arith.select %ge3A_979, %iota3A_99, %broadcast_in_dim3A_981 : vector<32x16xi1>, vector<32x16xi32>
    %reduce_min3A_983 = arith.constant dense<2147483647> : vector<32xi32>
    %reduce_min3A_984 = vector.multi_reduction <minsi>, %select_n3A_982, %reduce_min3A_983 [1] : vector<32x16xi32> to vector<32xi32>
    %broadcast_in_dim3A_985 = vector.shape_cast %reduce_min3A_984 : vector<32xi32> to vector<32x1xi32>
    %eq3A_986 = vector.broadcast %broadcast_in_dim3A_985 : vector<32x1xi32> to vector<32x16xi32>
    %eq3A_987 = arith.cmpi eq, %iota3A_99, %eq3A_986 : vector<32x16xi32>
    %jit3A_988 = arith.constant 0xFF800000 : f32
    %broadcast_in_dim3A_989 = vector.broadcast %jit3A_988 : f32 to vector<32x16xf32>
    %select_n3A_990 = arith.select %eq3A_987, %broadcast_in_dim3A_989, %select_n3A_966 : vector<32x16xi1>, vector<32x16xf32>
    %jit3A_991 = arith.constant 0.000000e+00 : f32
    %broadcast_in_dim3A_992 = vector.broadcast %jit3A_991 : f32 to vector<32x16xf32>
    %select_n3A_993 = arith.select %eq3A_987, %convert_element_type3A, %broadcast_in_dim3A_992 : vector<32x16xi1>, vector<32x16xf32>
    %reduce_sum3A_994 = arith.constant dense<0.000000e+00> : vector<32xf32>
    %reduce_sum3A_995 = vector.multi_reduction <add>, %select_n3A_993, %reduce_sum3A_994 [1] : vector<32x16xf32> to vector<32xf32>
    %broadcast_in_dim3A_996 = vector.shape_cast %reduce_sum3A_995 : vector<32xf32> to vector<32x1xf32>
    %convert_element_type3A_997 = arith.fptosi %broadcast_in_dim3A_996 : vector<32x1xf32> to vector<32x1xi32>
    %add3A_998 = arith.addi %mul3A_845, %convert_element_type3A_997 : vector<32x1xi32>
    %reduce_max3A_999 = arith.constant dense<0xFF800000> : vector<32xf32>
    %reduce_max3A_1000 = vector.multi_reduction <maximumf>, %select_n3A_990, %reduce_max3A_999 [1] : vector<32x16xf32> to vector<32xf32>
    %broadcast_in_dim3A_1001 = vector.shape_cast %reduce_max3A_1000 : vector<32xf32> to vector<32x1xf32>
    %ge3A_1002 = vector.broadcast %broadcast_in_dim3A_1001 : vector<32x1xf32> to vector<32x16xf32>
    %ge3A_1003 = arith.cmpf oge, %select_n3A_990, %ge3A_1002 : vector<32x16xf32>
    %jit3A_1004 = arith.constant 16 : i32
    %broadcast_in_dim3A_1005 = vector.broadcast %jit3A_1004 : i32 to vector<32x16xi32>
    %select_n3A_1006 = arith.select %ge3A_1003, %iota3A_99, %broadcast_in_dim3A_1005 : vector<32x16xi1>, vector<32x16xi32>
    %reduce_min3A_1007 = arith.constant dense<2147483647> : vector<32xi32>
    %reduce_min3A_1008 = vector.multi_reduction <minsi>, %select_n3A_1006, %reduce_min3A_1007 [1] : vector<32x16xi32> to vector<32xi32>
    %broadcast_in_dim3A_1009 = vector.shape_cast %reduce_min3A_1008 : vector<32xi32> to vector<32x1xi32>
    %eq3A_1010 = vector.broadcast %broadcast_in_dim3A_1009 : vector<32x1xi32> to vector<32x16xi32>
    %eq3A_1011 = arith.cmpi eq, %iota3A_99, %eq3A_1010 : vector<32x16xi32>
    %jit3A_1012 = arith.constant 0xFF800000 : f32
    %broadcast_in_dim3A_1013 = vector.broadcast %jit3A_1012 : f32 to vector<32x16xf32>
    %select_n3A_1014 = arith.select %eq3A_1011, %broadcast_in_dim3A_1013, %select_n3A_990 : vector<32x16xi1>, vector<32x16xf32>
    %jit3A_1015 = arith.constant 0.000000e+00 : f32
    %broadcast_in_dim3A_1016 = vector.broadcast %jit3A_1015 : f32 to vector<32x16xf32>
    %select_n3A_1017 = arith.select %eq3A_1011, %convert_element_type3A, %broadcast_in_dim3A_1016 : vector<32x16xi1>, vector<32x16xf32>
    %reduce_sum3A_1018 = arith.constant dense<0.000000e+00> : vector<32xf32>
    %reduce_sum3A_1019 = vector.multi_reduction <add>, %select_n3A_1017, %reduce_sum3A_1018 [1] : vector<32x16xf32> to vector<32xf32>
    %broadcast_in_dim3A_1020 = vector.shape_cast %reduce_sum3A_1019 : vector<32xf32> to vector<32x1xf32>
    %convert_element_type3A_1021 = arith.fptosi %broadcast_in_dim3A_1020 : vector<32x1xf32> to vector<32x1xi32>
    %add3A_1022 = arith.addi %mul3A_845, %convert_element_type3A_1021 : vector<32x1xi32>
    %reduce_max3A_1023 = arith.constant dense<0xFF800000> : vector<32xf32>
    %reduce_max3A_1024 = vector.multi_reduction <maximumf>, %select_n3A_1014, %reduce_max3A_1023 [1] : vector<32x16xf32> to vector<32xf32>
    %broadcast_in_dim3A_1025 = vector.shape_cast %reduce_max3A_1024 : vector<32xf32> to vector<32x1xf32>
    %ge3A_1026 = vector.broadcast %broadcast_in_dim3A_1025 : vector<32x1xf32> to vector<32x16xf32>
    %ge3A_1027 = arith.cmpf oge, %select_n3A_1014, %ge3A_1026 : vector<32x16xf32>
    %jit3A_1028 = arith.constant 16 : i32
    %broadcast_in_dim3A_1029 = vector.broadcast %jit3A_1028 : i32 to vector<32x16xi32>
    %select_n3A_1030 = arith.select %ge3A_1027, %iota3A_99, %broadcast_in_dim3A_1029 : vector<32x16xi1>, vector<32x16xi32>
    %reduce_min3A_1031 = arith.constant dense<2147483647> : vector<32xi32>
    %reduce_min3A_1032 = vector.multi_reduction <minsi>, %select_n3A_1030, %reduce_min3A_1031 [1] : vector<32x16xi32> to vector<32xi32>
    %broadcast_in_dim3A_1033 = vector.shape_cast %reduce_min3A_1032 : vector<32xi32> to vector<32x1xi32>
    %eq3A_1034 = vector.broadcast %broadcast_in_dim3A_1033 : vector<32x1xi32> to vector<32x16xi32>
    %eq3A_1035 = arith.cmpi eq, %iota3A_99, %eq3A_1034 : vector<32x16xi32>
    %jit3A_1036 = arith.constant 0.000000e+00 : f32
    %broadcast_in_dim3A_1037 = vector.broadcast %jit3A_1036 : f32 to vector<32x16xf32>
    %select_n3A_1038 = arith.select %eq3A_1035, %convert_element_type3A, %broadcast_in_dim3A_1037 : vector<32x16xi1>, vector<32x16xf32>
    %reduce_sum3A_1039 = arith.constant dense<0.000000e+00> : vector<32xf32>
    %reduce_sum3A_1040 = vector.multi_reduction <add>, %select_n3A_1038, %reduce_sum3A_1039 [1] : vector<32x16xf32> to vector<32xf32>
    %broadcast_in_dim3A_1041 = vector.shape_cast %reduce_sum3A_1040 : vector<32xf32> to vector<32x1xf32>
    %convert_element_type3A_1042 = arith.fptosi %broadcast_in_dim3A_1041 : vector<32x1xf32> to vector<32x1xi32>
    %add3A_1043 = arith.addi %mul3A_845, %convert_element_type3A_1042 : vector<32x1xi32>
    %mul3A_1044 = arith.constant 20 : i32
    %mul3A_1045 = arith.muli %arg0, %mul3A_1044 : i32
    %add3A_1046 = vector.broadcast %mul3A_1045 : i32 to vector<32x1xi32>
    %add3A_1047 = arith.addi %add3A_1046, %broadcast_in_dim3A_176 : vector<32x1xi32>
    %mul3A_1048 = arith.constant 32 : i32
    %mul3A_1049 = vector.broadcast %mul3A_1048 : i32 to vector<32x1xi32>
    %mul3A_1050 = arith.muli %add3A_1047, %mul3A_1049 : vector<32x1xi32>
    %add3A_1051 = arith.addi %mul3A_1050, %iota3A_100 : vector<32x1xi32>
    %reshape3A_1052 = vector.shape_cast %broadcast_in_dim3A_176 : vector<32x1xi32> to vector<32x1x1xi32>
    %eq3A_1053 = vector.broadcast %reshape3A_1052 : vector<32x1x1xi32> to vector<32x16x20xi32>
    %eq3A_1054 = arith.cmpi eq, %iota3A_98, %eq3A_1053 : vector<32x16x20xi32>
    %convert_element_type3A_1055 = arith.extui %eq3A_1054 : vector<32x16x20xi1> to vector<32x16x20xi32>
    %convert_element_type3A_1056 = arith.sitofp %convert_element_type3A_1055 : vector<32x16x20xi32> to vector<32x16x20xf32>
    %mul3A_1057 = arith.mulf %select_n3A, %convert_element_type3A_1056 : vector<32x16x20xf32>
    %reduce_sum3A_1058 = arith.constant dense<0.000000e+00> : vector<32x16xf32>
    %reduce_sum3A_1059 = vector.multi_reduction <add>, %mul3A_1057, %reduce_sum3A_1058 [2] : vector<32x16x20xf32> to vector<32x16xf32>
    %reduce_max3A_1060 = arith.constant dense<0xFF800000> : vector<32xf32>
    %reduce_max3A_1061 = vector.multi_reduction <maximumf>, %reduce_sum3A_1059, %reduce_max3A_1060 [1] : vector<32x16xf32> to vector<32xf32>
    %broadcast_in_dim3A_1062 = vector.shape_cast %reduce_max3A_1061 : vector<32xf32> to vector<32x1xf32>
    %ge3A_1063 = vector.broadcast %broadcast_in_dim3A_1062 : vector<32x1xf32> to vector<32x16xf32>
    %ge3A_1064 = arith.cmpf oge, %reduce_sum3A_1059, %ge3A_1063 : vector<32x16xf32>
    %jit3A_1065 = arith.constant 16 : i32
    %broadcast_in_dim3A_1066 = vector.broadcast %jit3A_1065 : i32 to vector<32x16xi32>
    %select_n3A_1067 = arith.select %ge3A_1064, %iota3A_99, %broadcast_in_dim3A_1066 : vector<32x16xi1>, vector<32x16xi32>
    %reduce_min3A_1068 = arith.constant dense<2147483647> : vector<32xi32>
    %reduce_min3A_1069 = vector.multi_reduction <minsi>, %select_n3A_1067, %reduce_min3A_1068 [1] : vector<32x16xi32> to vector<32xi32>
    %broadcast_in_dim3A_1070 = vector.shape_cast %reduce_min3A_1069 : vector<32xi32> to vector<32x1xi32>
    %eq3A_1071 = vector.broadcast %broadcast_in_dim3A_1070 : vector<32x1xi32> to vector<32x16xi32>
    %eq3A_1072 = arith.cmpi eq, %iota3A_99, %eq3A_1071 : vector<32x16xi32>
    %jit3A_1073 = arith.constant 0xFF800000 : f32
    %broadcast_in_dim3A_1074 = vector.broadcast %jit3A_1073 : f32 to vector<32x16xf32>
    %select_n3A_1075 = arith.select %eq3A_1072, %broadcast_in_dim3A_1074, %reduce_sum3A_1059 : vector<32x16xi1>, vector<32x16xf32>
    %jit3A_1076 = arith.constant 0.000000e+00 : f32
    %broadcast_in_dim3A_1077 = vector.broadcast %jit3A_1076 : f32 to vector<32x16xf32>
    %select_n3A_1078 = arith.select %eq3A_1072, %convert_element_type3A, %broadcast_in_dim3A_1077 : vector<32x16xi1>, vector<32x16xf32>
    %reduce_sum3A_1079 = arith.constant dense<0.000000e+00> : vector<32xf32>
    %reduce_sum3A_1080 = vector.multi_reduction <add>, %select_n3A_1078, %reduce_sum3A_1079 [1] : vector<32x16xf32> to vector<32xf32>
    %broadcast_in_dim3A_1081 = vector.shape_cast %reduce_sum3A_1080 : vector<32xf32> to vector<32x1xf32>
    %convert_element_type3A_1082 = arith.fptosi %broadcast_in_dim3A_1081 : vector<32x1xf32> to vector<32x1xi32>
    %add3A_1083 = arith.addi %mul3A_1050, %convert_element_type3A_1082 : vector<32x1xi32>
    %reduce_max3A_1084 = arith.constant dense<0xFF800000> : vector<32xf32>
    %reduce_max3A_1085 = vector.multi_reduction <maximumf>, %select_n3A_1075, %reduce_max3A_1084 [1] : vector<32x16xf32> to vector<32xf32>
    %broadcast_in_dim3A_1086 = vector.shape_cast %reduce_max3A_1085 : vector<32xf32> to vector<32x1xf32>
    %ge3A_1087 = vector.broadcast %broadcast_in_dim3A_1086 : vector<32x1xf32> to vector<32x16xf32>
    %ge3A_1088 = arith.cmpf oge, %select_n3A_1075, %ge3A_1087 : vector<32x16xf32>
    %jit3A_1089 = arith.constant 16 : i32
    %broadcast_in_dim3A_1090 = vector.broadcast %jit3A_1089 : i32 to vector<32x16xi32>
    %select_n3A_1091 = arith.select %ge3A_1088, %iota3A_99, %broadcast_in_dim3A_1090 : vector<32x16xi1>, vector<32x16xi32>
    %reduce_min3A_1092 = arith.constant dense<2147483647> : vector<32xi32>
    %reduce_min3A_1093 = vector.multi_reduction <minsi>, %select_n3A_1091, %reduce_min3A_1092 [1] : vector<32x16xi32> to vector<32xi32>
    %broadcast_in_dim3A_1094 = vector.shape_cast %reduce_min3A_1093 : vector<32xi32> to vector<32x1xi32>
    %eq3A_1095 = vector.broadcast %broadcast_in_dim3A_1094 : vector<32x1xi32> to vector<32x16xi32>
    %eq3A_1096 = arith.cmpi eq, %iota3A_99, %eq3A_1095 : vector<32x16xi32>
    %jit3A_1097 = arith.constant 0xFF800000 : f32
    %broadcast_in_dim3A_1098 = vector.broadcast %jit3A_1097 : f32 to vector<32x16xf32>
    %select_n3A_1099 = arith.select %eq3A_1096, %broadcast_in_dim3A_1098, %select_n3A_1075 : vector<32x16xi1>, vector<32x16xf32>
    %jit3A_1100 = arith.constant 0.000000e+00 : f32
    %broadcast_in_dim3A_1101 = vector.broadcast %jit3A_1100 : f32 to vector<32x16xf32>
    %select_n3A_1102 = arith.select %eq3A_1096, %convert_element_type3A, %broadcast_in_dim3A_1101 : vector<32x16xi1>, vector<32x16xf32>
    %reduce_sum3A_1103 = arith.constant dense<0.000000e+00> : vector<32xf32>
    %reduce_sum3A_1104 = vector.multi_reduction <add>, %select_n3A_1102, %reduce_sum3A_1103 [1] : vector<32x16xf32> to vector<32xf32>
    %broadcast_in_dim3A_1105 = vector.shape_cast %reduce_sum3A_1104 : vector<32xf32> to vector<32x1xf32>
    %convert_element_type3A_1106 = arith.fptosi %broadcast_in_dim3A_1105 : vector<32x1xf32> to vector<32x1xi32>
    %add3A_1107 = arith.addi %mul3A_1050, %convert_element_type3A_1106 : vector<32x1xi32>
    %reduce_max3A_1108 = arith.constant dense<0xFF800000> : vector<32xf32>
    %reduce_max3A_1109 = vector.multi_reduction <maximumf>, %select_n3A_1099, %reduce_max3A_1108 [1] : vector<32x16xf32> to vector<32xf32>
    %broadcast_in_dim3A_1110 = vector.shape_cast %reduce_max3A_1109 : vector<32xf32> to vector<32x1xf32>
    %ge3A_1111 = vector.broadcast %broadcast_in_dim3A_1110 : vector<32x1xf32> to vector<32x16xf32>
    %ge3A_1112 = arith.cmpf oge, %select_n3A_1099, %ge3A_1111 : vector<32x16xf32>
    %jit3A_1113 = arith.constant 16 : i32
    %broadcast_in_dim3A_1114 = vector.broadcast %jit3A_1113 : i32 to vector<32x16xi32>
    %select_n3A_1115 = arith.select %ge3A_1112, %iota3A_99, %broadcast_in_dim3A_1114 : vector<32x16xi1>, vector<32x16xi32>
    %reduce_min3A_1116 = arith.constant dense<2147483647> : vector<32xi32>
    %reduce_min3A_1117 = vector.multi_reduction <minsi>, %select_n3A_1115, %reduce_min3A_1116 [1] : vector<32x16xi32> to vector<32xi32>
    %broadcast_in_dim3A_1118 = vector.shape_cast %reduce_min3A_1117 : vector<32xi32> to vector<32x1xi32>
    %eq3A_1119 = vector.broadcast %broadcast_in_dim3A_1118 : vector<32x1xi32> to vector<32x16xi32>
    %eq3A_1120 = arith.cmpi eq, %iota3A_99, %eq3A_1119 : vector<32x16xi32>
    %jit3A_1121 = arith.constant 0xFF800000 : f32
    %broadcast_in_dim3A_1122 = vector.broadcast %jit3A_1121 : f32 to vector<32x16xf32>
    %select_n3A_1123 = arith.select %eq3A_1120, %broadcast_in_dim3A_1122, %select_n3A_1099 : vector<32x16xi1>, vector<32x16xf32>
    %jit3A_1124 = arith.constant 0.000000e+00 : f32
    %broadcast_in_dim3A_1125 = vector.broadcast %jit3A_1124 : f32 to vector<32x16xf32>
    %select_n3A_1126 = arith.select %eq3A_1120, %convert_element_type3A, %broadcast_in_dim3A_1125 : vector<32x16xi1>, vector<32x16xf32>
    %reduce_sum3A_1127 = arith.constant dense<0.000000e+00> : vector<32xf32>
    %reduce_sum3A_1128 = vector.multi_reduction <add>, %select_n3A_1126, %reduce_sum3A_1127 [1] : vector<32x16xf32> to vector<32xf32>
    %broadcast_in_dim3A_1129 = vector.shape_cast %reduce_sum3A_1128 : vector<32xf32> to vector<32x1xf32>
    %convert_element_type3A_1130 = arith.fptosi %broadcast_in_dim3A_1129 : vector<32x1xf32> to vector<32x1xi32>
    %add3A_1131 = arith.addi %mul3A_1050, %convert_element_type3A_1130 : vector<32x1xi32>
    %reduce_max3A_1132 = arith.constant dense<0xFF800000> : vector<32xf32>
    %reduce_max3A_1133 = vector.multi_reduction <maximumf>, %select_n3A_1123, %reduce_max3A_1132 [1] : vector<32x16xf32> to vector<32xf32>
    %broadcast_in_dim3A_1134 = vector.shape_cast %reduce_max3A_1133 : vector<32xf32> to vector<32x1xf32>
    %ge3A_1135 = vector.broadcast %broadcast_in_dim3A_1134 : vector<32x1xf32> to vector<32x16xf32>
    %ge3A_1136 = arith.cmpf oge, %select_n3A_1123, %ge3A_1135 : vector<32x16xf32>
    %jit3A_1137 = arith.constant 16 : i32
    %broadcast_in_dim3A_1138 = vector.broadcast %jit3A_1137 : i32 to vector<32x16xi32>
    %select_n3A_1139 = arith.select %ge3A_1136, %iota3A_99, %broadcast_in_dim3A_1138 : vector<32x16xi1>, vector<32x16xi32>
    %reduce_min3A_1140 = arith.constant dense<2147483647> : vector<32xi32>
    %reduce_min3A_1141 = vector.multi_reduction <minsi>, %select_n3A_1139, %reduce_min3A_1140 [1] : vector<32x16xi32> to vector<32xi32>
    %broadcast_in_dim3A_1142 = vector.shape_cast %reduce_min3A_1141 : vector<32xi32> to vector<32x1xi32>
    %eq3A_1143 = vector.broadcast %broadcast_in_dim3A_1142 : vector<32x1xi32> to vector<32x16xi32>
    %eq3A_1144 = arith.cmpi eq, %iota3A_99, %eq3A_1143 : vector<32x16xi32>
    %jit3A_1145 = arith.constant 0xFF800000 : f32
    %broadcast_in_dim3A_1146 = vector.broadcast %jit3A_1145 : f32 to vector<32x16xf32>
    %select_n3A_1147 = arith.select %eq3A_1144, %broadcast_in_dim3A_1146, %select_n3A_1123 : vector<32x16xi1>, vector<32x16xf32>
    %jit3A_1148 = arith.constant 0.000000e+00 : f32
    %broadcast_in_dim3A_1149 = vector.broadcast %jit3A_1148 : f32 to vector<32x16xf32>
    %select_n3A_1150 = arith.select %eq3A_1144, %convert_element_type3A, %broadcast_in_dim3A_1149 : vector<32x16xi1>, vector<32x16xf32>
    %reduce_sum3A_1151 = arith.constant dense<0.000000e+00> : vector<32xf32>
    %reduce_sum3A_1152 = vector.multi_reduction <add>, %select_n3A_1150, %reduce_sum3A_1151 [1] : vector<32x16xf32> to vector<32xf32>
    %broadcast_in_dim3A_1153 = vector.shape_cast %reduce_sum3A_1152 : vector<32xf32> to vector<32x1xf32>
    %convert_element_type3A_1154 = arith.fptosi %broadcast_in_dim3A_1153 : vector<32x1xf32> to vector<32x1xi32>
    %add3A_1155 = arith.addi %mul3A_1050, %convert_element_type3A_1154 : vector<32x1xi32>
    %reduce_max3A_1156 = arith.constant dense<0xFF800000> : vector<32xf32>
    %reduce_max3A_1157 = vector.multi_reduction <maximumf>, %select_n3A_1147, %reduce_max3A_1156 [1] : vector<32x16xf32> to vector<32xf32>
    %broadcast_in_dim3A_1158 = vector.shape_cast %reduce_max3A_1157 : vector<32xf32> to vector<32x1xf32>
    %ge3A_1159 = vector.broadcast %broadcast_in_dim3A_1158 : vector<32x1xf32> to vector<32x16xf32>
    %ge3A_1160 = arith.cmpf oge, %select_n3A_1147, %ge3A_1159 : vector<32x16xf32>
    %jit3A_1161 = arith.constant 16 : i32
    %broadcast_in_dim3A_1162 = vector.broadcast %jit3A_1161 : i32 to vector<32x16xi32>
    %select_n3A_1163 = arith.select %ge3A_1160, %iota3A_99, %broadcast_in_dim3A_1162 : vector<32x16xi1>, vector<32x16xi32>
    %reduce_min3A_1164 = arith.constant dense<2147483647> : vector<32xi32>
    %reduce_min3A_1165 = vector.multi_reduction <minsi>, %select_n3A_1163, %reduce_min3A_1164 [1] : vector<32x16xi32> to vector<32xi32>
    %broadcast_in_dim3A_1166 = vector.shape_cast %reduce_min3A_1165 : vector<32xi32> to vector<32x1xi32>
    %eq3A_1167 = vector.broadcast %broadcast_in_dim3A_1166 : vector<32x1xi32> to vector<32x16xi32>
    %eq3A_1168 = arith.cmpi eq, %iota3A_99, %eq3A_1167 : vector<32x16xi32>
    %jit3A_1169 = arith.constant 0xFF800000 : f32
    %broadcast_in_dim3A_1170 = vector.broadcast %jit3A_1169 : f32 to vector<32x16xf32>
    %select_n3A_1171 = arith.select %eq3A_1168, %broadcast_in_dim3A_1170, %select_n3A_1147 : vector<32x16xi1>, vector<32x16xf32>
    %jit3A_1172 = arith.constant 0.000000e+00 : f32
    %broadcast_in_dim3A_1173 = vector.broadcast %jit3A_1172 : f32 to vector<32x16xf32>
    %select_n3A_1174 = arith.select %eq3A_1168, %convert_element_type3A, %broadcast_in_dim3A_1173 : vector<32x16xi1>, vector<32x16xf32>
    %reduce_sum3A_1175 = arith.constant dense<0.000000e+00> : vector<32xf32>
    %reduce_sum3A_1176 = vector.multi_reduction <add>, %select_n3A_1174, %reduce_sum3A_1175 [1] : vector<32x16xf32> to vector<32xf32>
    %broadcast_in_dim3A_1177 = vector.shape_cast %reduce_sum3A_1176 : vector<32xf32> to vector<32x1xf32>
    %convert_element_type3A_1178 = arith.fptosi %broadcast_in_dim3A_1177 : vector<32x1xf32> to vector<32x1xi32>
    %add3A_1179 = arith.addi %mul3A_1050, %convert_element_type3A_1178 : vector<32x1xi32>
    %reduce_max3A_1180 = arith.constant dense<0xFF800000> : vector<32xf32>
    %reduce_max3A_1181 = vector.multi_reduction <maximumf>, %select_n3A_1171, %reduce_max3A_1180 [1] : vector<32x16xf32> to vector<32xf32>
    %broadcast_in_dim3A_1182 = vector.shape_cast %reduce_max3A_1181 : vector<32xf32> to vector<32x1xf32>
    %ge3A_1183 = vector.broadcast %broadcast_in_dim3A_1182 : vector<32x1xf32> to vector<32x16xf32>
    %ge3A_1184 = arith.cmpf oge, %select_n3A_1171, %ge3A_1183 : vector<32x16xf32>
    %jit3A_1185 = arith.constant 16 : i32
    %broadcast_in_dim3A_1186 = vector.broadcast %jit3A_1185 : i32 to vector<32x16xi32>
    %select_n3A_1187 = arith.select %ge3A_1184, %iota3A_99, %broadcast_in_dim3A_1186 : vector<32x16xi1>, vector<32x16xi32>
    %reduce_min3A_1188 = arith.constant dense<2147483647> : vector<32xi32>
    %reduce_min3A_1189 = vector.multi_reduction <minsi>, %select_n3A_1187, %reduce_min3A_1188 [1] : vector<32x16xi32> to vector<32xi32>
    %broadcast_in_dim3A_1190 = vector.shape_cast %reduce_min3A_1189 : vector<32xi32> to vector<32x1xi32>
    %eq3A_1191 = vector.broadcast %broadcast_in_dim3A_1190 : vector<32x1xi32> to vector<32x16xi32>
    %eq3A_1192 = arith.cmpi eq, %iota3A_99, %eq3A_1191 : vector<32x16xi32>
    %jit3A_1193 = arith.constant 0xFF800000 : f32
    %broadcast_in_dim3A_1194 = vector.broadcast %jit3A_1193 : f32 to vector<32x16xf32>
    %select_n3A_1195 = arith.select %eq3A_1192, %broadcast_in_dim3A_1194, %select_n3A_1171 : vector<32x16xi1>, vector<32x16xf32>
    %jit3A_1196 = arith.constant 0.000000e+00 : f32
    %broadcast_in_dim3A_1197 = vector.broadcast %jit3A_1196 : f32 to vector<32x16xf32>
    %select_n3A_1198 = arith.select %eq3A_1192, %convert_element_type3A, %broadcast_in_dim3A_1197 : vector<32x16xi1>, vector<32x16xf32>
    %reduce_sum3A_1199 = arith.constant dense<0.000000e+00> : vector<32xf32>
    %reduce_sum3A_1200 = vector.multi_reduction <add>, %select_n3A_1198, %reduce_sum3A_1199 [1] : vector<32x16xf32> to vector<32xf32>
    %broadcast_in_dim3A_1201 = vector.shape_cast %reduce_sum3A_1200 : vector<32xf32> to vector<32x1xf32>
    %convert_element_type3A_1202 = arith.fptosi %broadcast_in_dim3A_1201 : vector<32x1xf32> to vector<32x1xi32>
    %add3A_1203 = arith.addi %mul3A_1050, %convert_element_type3A_1202 : vector<32x1xi32>
    %reduce_max3A_1204 = arith.constant dense<0xFF800000> : vector<32xf32>
    %reduce_max3A_1205 = vector.multi_reduction <maximumf>, %select_n3A_1195, %reduce_max3A_1204 [1] : vector<32x16xf32> to vector<32xf32>
    %broadcast_in_dim3A_1206 = vector.shape_cast %reduce_max3A_1205 : vector<32xf32> to vector<32x1xf32>
    %ge3A_1207 = vector.broadcast %broadcast_in_dim3A_1206 : vector<32x1xf32> to vector<32x16xf32>
    %ge3A_1208 = arith.cmpf oge, %select_n3A_1195, %ge3A_1207 : vector<32x16xf32>
    %jit3A_1209 = arith.constant 16 : i32
    %broadcast_in_dim3A_1210 = vector.broadcast %jit3A_1209 : i32 to vector<32x16xi32>
    %select_n3A_1211 = arith.select %ge3A_1208, %iota3A_99, %broadcast_in_dim3A_1210 : vector<32x16xi1>, vector<32x16xi32>
    %reduce_min3A_1212 = arith.constant dense<2147483647> : vector<32xi32>
    %reduce_min3A_1213 = vector.multi_reduction <minsi>, %select_n3A_1211, %reduce_min3A_1212 [1] : vector<32x16xi32> to vector<32xi32>
    %broadcast_in_dim3A_1214 = vector.shape_cast %reduce_min3A_1213 : vector<32xi32> to vector<32x1xi32>
    %eq3A_1215 = vector.broadcast %broadcast_in_dim3A_1214 : vector<32x1xi32> to vector<32x16xi32>
    %eq3A_1216 = arith.cmpi eq, %iota3A_99, %eq3A_1215 : vector<32x16xi32>
    %jit3A_1217 = arith.constant 0xFF800000 : f32
    %broadcast_in_dim3A_1218 = vector.broadcast %jit3A_1217 : f32 to vector<32x16xf32>
    %select_n3A_1219 = arith.select %eq3A_1216, %broadcast_in_dim3A_1218, %select_n3A_1195 : vector<32x16xi1>, vector<32x16xf32>
    %jit3A_1220 = arith.constant 0.000000e+00 : f32
    %broadcast_in_dim3A_1221 = vector.broadcast %jit3A_1220 : f32 to vector<32x16xf32>
    %select_n3A_1222 = arith.select %eq3A_1216, %convert_element_type3A, %broadcast_in_dim3A_1221 : vector<32x16xi1>, vector<32x16xf32>
    %reduce_sum3A_1223 = arith.constant dense<0.000000e+00> : vector<32xf32>
    %reduce_sum3A_1224 = vector.multi_reduction <add>, %select_n3A_1222, %reduce_sum3A_1223 [1] : vector<32x16xf32> to vector<32xf32>
    %broadcast_in_dim3A_1225 = vector.shape_cast %reduce_sum3A_1224 : vector<32xf32> to vector<32x1xf32>
    %convert_element_type3A_1226 = arith.fptosi %broadcast_in_dim3A_1225 : vector<32x1xf32> to vector<32x1xi32>
    %add3A_1227 = arith.addi %mul3A_1050, %convert_element_type3A_1226 : vector<32x1xi32>
    %reduce_max3A_1228 = arith.constant dense<0xFF800000> : vector<32xf32>
    %reduce_max3A_1229 = vector.multi_reduction <maximumf>, %select_n3A_1219, %reduce_max3A_1228 [1] : vector<32x16xf32> to vector<32xf32>
    %broadcast_in_dim3A_1230 = vector.shape_cast %reduce_max3A_1229 : vector<32xf32> to vector<32x1xf32>
    %ge3A_1231 = vector.broadcast %broadcast_in_dim3A_1230 : vector<32x1xf32> to vector<32x16xf32>
    %ge3A_1232 = arith.cmpf oge, %select_n3A_1219, %ge3A_1231 : vector<32x16xf32>
    %jit3A_1233 = arith.constant 16 : i32
    %broadcast_in_dim3A_1234 = vector.broadcast %jit3A_1233 : i32 to vector<32x16xi32>
    %select_n3A_1235 = arith.select %ge3A_1232, %iota3A_99, %broadcast_in_dim3A_1234 : vector<32x16xi1>, vector<32x16xi32>
    %reduce_min3A_1236 = arith.constant dense<2147483647> : vector<32xi32>
    %reduce_min3A_1237 = vector.multi_reduction <minsi>, %select_n3A_1235, %reduce_min3A_1236 [1] : vector<32x16xi32> to vector<32xi32>
    %broadcast_in_dim3A_1238 = vector.shape_cast %reduce_min3A_1237 : vector<32xi32> to vector<32x1xi32>
    %eq3A_1239 = vector.broadcast %broadcast_in_dim3A_1238 : vector<32x1xi32> to vector<32x16xi32>
    %eq3A_1240 = arith.cmpi eq, %iota3A_99, %eq3A_1239 : vector<32x16xi32>
    %jit3A_1241 = arith.constant 0.000000e+00 : f32
    %broadcast_in_dim3A_1242 = vector.broadcast %jit3A_1241 : f32 to vector<32x16xf32>
    %select_n3A_1243 = arith.select %eq3A_1240, %convert_element_type3A, %broadcast_in_dim3A_1242 : vector<32x16xi1>, vector<32x16xf32>
    %reduce_sum3A_1244 = arith.constant dense<0.000000e+00> : vector<32xf32>
    %reduce_sum3A_1245 = vector.multi_reduction <add>, %select_n3A_1243, %reduce_sum3A_1244 [1] : vector<32x16xf32> to vector<32xf32>
    %broadcast_in_dim3A_1246 = vector.shape_cast %reduce_sum3A_1245 : vector<32xf32> to vector<32x1xf32>
    %convert_element_type3A_1247 = arith.fptosi %broadcast_in_dim3A_1246 : vector<32x1xf32> to vector<32x1xi32>
    %add3A_1248 = arith.addi %mul3A_1050, %convert_element_type3A_1247 : vector<32x1xi32>
    %mul3A_1249 = arith.constant 20 : i32
    %mul3A_1250 = arith.muli %arg0, %mul3A_1249 : i32
    %add3A_1251 = vector.broadcast %mul3A_1250 : i32 to vector<32x1xi32>
    %add3A_1252 = arith.addi %add3A_1251, %broadcast_in_dim3A_192 : vector<32x1xi32>
    %mul3A_1253 = arith.constant 32 : i32
    %mul3A_1254 = vector.broadcast %mul3A_1253 : i32 to vector<32x1xi32>
    %mul3A_1255 = arith.muli %add3A_1252, %mul3A_1254 : vector<32x1xi32>
    %add3A_1256 = arith.addi %mul3A_1255, %iota3A_100 : vector<32x1xi32>
    %reshape3A_1257 = vector.shape_cast %broadcast_in_dim3A_192 : vector<32x1xi32> to vector<32x1x1xi32>
    %eq3A_1258 = vector.broadcast %reshape3A_1257 : vector<32x1x1xi32> to vector<32x16x20xi32>
    %eq3A_1259 = arith.cmpi eq, %iota3A_98, %eq3A_1258 : vector<32x16x20xi32>
    %convert_element_type3A_1260 = arith.extui %eq3A_1259 : vector<32x16x20xi1> to vector<32x16x20xi32>
    %convert_element_type3A_1261 = arith.sitofp %convert_element_type3A_1260 : vector<32x16x20xi32> to vector<32x16x20xf32>
    %mul3A_1262 = arith.mulf %select_n3A, %convert_element_type3A_1261 : vector<32x16x20xf32>
    %reduce_sum3A_1263 = arith.constant dense<0.000000e+00> : vector<32x16xf32>
    %reduce_sum3A_1264 = vector.multi_reduction <add>, %mul3A_1262, %reduce_sum3A_1263 [2] : vector<32x16x20xf32> to vector<32x16xf32>
    %reduce_max3A_1265 = arith.constant dense<0xFF800000> : vector<32xf32>
    %reduce_max3A_1266 = vector.multi_reduction <maximumf>, %reduce_sum3A_1264, %reduce_max3A_1265 [1] : vector<32x16xf32> to vector<32xf32>
    %broadcast_in_dim3A_1267 = vector.shape_cast %reduce_max3A_1266 : vector<32xf32> to vector<32x1xf32>
    %ge3A_1268 = vector.broadcast %broadcast_in_dim3A_1267 : vector<32x1xf32> to vector<32x16xf32>
    %ge3A_1269 = arith.cmpf oge, %reduce_sum3A_1264, %ge3A_1268 : vector<32x16xf32>
    %jit3A_1270 = arith.constant 16 : i32
    %broadcast_in_dim3A_1271 = vector.broadcast %jit3A_1270 : i32 to vector<32x16xi32>
    %select_n3A_1272 = arith.select %ge3A_1269, %iota3A_99, %broadcast_in_dim3A_1271 : vector<32x16xi1>, vector<32x16xi32>
    %reduce_min3A_1273 = arith.constant dense<2147483647> : vector<32xi32>
    %reduce_min3A_1274 = vector.multi_reduction <minsi>, %select_n3A_1272, %reduce_min3A_1273 [1] : vector<32x16xi32> to vector<32xi32>
    %broadcast_in_dim3A_1275 = vector.shape_cast %reduce_min3A_1274 : vector<32xi32> to vector<32x1xi32>
    %eq3A_1276 = vector.broadcast %broadcast_in_dim3A_1275 : vector<32x1xi32> to vector<32x16xi32>
    %eq3A_1277 = arith.cmpi eq, %iota3A_99, %eq3A_1276 : vector<32x16xi32>
    %jit3A_1278 = arith.constant 0xFF800000 : f32
    %broadcast_in_dim3A_1279 = vector.broadcast %jit3A_1278 : f32 to vector<32x16xf32>
    %select_n3A_1280 = arith.select %eq3A_1277, %broadcast_in_dim3A_1279, %reduce_sum3A_1264 : vector<32x16xi1>, vector<32x16xf32>
    %jit3A_1281 = arith.constant 0.000000e+00 : f32
    %broadcast_in_dim3A_1282 = vector.broadcast %jit3A_1281 : f32 to vector<32x16xf32>
    %select_n3A_1283 = arith.select %eq3A_1277, %convert_element_type3A, %broadcast_in_dim3A_1282 : vector<32x16xi1>, vector<32x16xf32>
    %reduce_sum3A_1284 = arith.constant dense<0.000000e+00> : vector<32xf32>
    %reduce_sum3A_1285 = vector.multi_reduction <add>, %select_n3A_1283, %reduce_sum3A_1284 [1] : vector<32x16xf32> to vector<32xf32>
    %broadcast_in_dim3A_1286 = vector.shape_cast %reduce_sum3A_1285 : vector<32xf32> to vector<32x1xf32>
    %convert_element_type3A_1287 = arith.fptosi %broadcast_in_dim3A_1286 : vector<32x1xf32> to vector<32x1xi32>
    %add3A_1288 = arith.addi %mul3A_1255, %convert_element_type3A_1287 : vector<32x1xi32>
    %reduce_max3A_1289 = arith.constant dense<0xFF800000> : vector<32xf32>
    %reduce_max3A_1290 = vector.multi_reduction <maximumf>, %select_n3A_1280, %reduce_max3A_1289 [1] : vector<32x16xf32> to vector<32xf32>
    %broadcast_in_dim3A_1291 = vector.shape_cast %reduce_max3A_1290 : vector<32xf32> to vector<32x1xf32>
    %ge3A_1292 = vector.broadcast %broadcast_in_dim3A_1291 : vector<32x1xf32> to vector<32x16xf32>
    %ge3A_1293 = arith.cmpf oge, %select_n3A_1280, %ge3A_1292 : vector<32x16xf32>
    %jit3A_1294 = arith.constant 16 : i32
    %broadcast_in_dim3A_1295 = vector.broadcast %jit3A_1294 : i32 to vector<32x16xi32>
    %select_n3A_1296 = arith.select %ge3A_1293, %iota3A_99, %broadcast_in_dim3A_1295 : vector<32x16xi1>, vector<32x16xi32>
    %reduce_min3A_1297 = arith.constant dense<2147483647> : vector<32xi32>
    %reduce_min3A_1298 = vector.multi_reduction <minsi>, %select_n3A_1296, %reduce_min3A_1297 [1] : vector<32x16xi32> to vector<32xi32>
    %broadcast_in_dim3A_1299 = vector.shape_cast %reduce_min3A_1298 : vector<32xi32> to vector<32x1xi32>
    %eq3A_1300 = vector.broadcast %broadcast_in_dim3A_1299 : vector<32x1xi32> to vector<32x16xi32>
    %eq3A_1301 = arith.cmpi eq, %iota3A_99, %eq3A_1300 : vector<32x16xi32>
    %jit3A_1302 = arith.constant 0xFF800000 : f32
    %broadcast_in_dim3A_1303 = vector.broadcast %jit3A_1302 : f32 to vector<32x16xf32>
    %select_n3A_1304 = arith.select %eq3A_1301, %broadcast_in_dim3A_1303, %select_n3A_1280 : vector<32x16xi1>, vector<32x16xf32>
    %jit3A_1305 = arith.constant 0.000000e+00 : f32
    %broadcast_in_dim3A_1306 = vector.broadcast %jit3A_1305 : f32 to vector<32x16xf32>
    %select_n3A_1307 = arith.select %eq3A_1301, %convert_element_type3A, %broadcast_in_dim3A_1306 : vector<32x16xi1>, vector<32x16xf32>
    %reduce_sum3A_1308 = arith.constant dense<0.000000e+00> : vector<32xf32>
    %reduce_sum3A_1309 = vector.multi_reduction <add>, %select_n3A_1307, %reduce_sum3A_1308 [1] : vector<32x16xf32> to vector<32xf32>
    %broadcast_in_dim3A_1310 = vector.shape_cast %reduce_sum3A_1309 : vector<32xf32> to vector<32x1xf32>
    %convert_element_type3A_1311 = arith.fptosi %broadcast_in_dim3A_1310 : vector<32x1xf32> to vector<32x1xi32>
    %add3A_1312 = arith.addi %mul3A_1255, %convert_element_type3A_1311 : vector<32x1xi32>
    %reduce_max3A_1313 = arith.constant dense<0xFF800000> : vector<32xf32>
    %reduce_max3A_1314 = vector.multi_reduction <maximumf>, %select_n3A_1304, %reduce_max3A_1313 [1] : vector<32x16xf32> to vector<32xf32>
    %broadcast_in_dim3A_1315 = vector.shape_cast %reduce_max3A_1314 : vector<32xf32> to vector<32x1xf32>
    %ge3A_1316 = vector.broadcast %broadcast_in_dim3A_1315 : vector<32x1xf32> to vector<32x16xf32>
    %ge3A_1317 = arith.cmpf oge, %select_n3A_1304, %ge3A_1316 : vector<32x16xf32>
    %jit3A_1318 = arith.constant 16 : i32
    %broadcast_in_dim3A_1319 = vector.broadcast %jit3A_1318 : i32 to vector<32x16xi32>
    %select_n3A_1320 = arith.select %ge3A_1317, %iota3A_99, %broadcast_in_dim3A_1319 : vector<32x16xi1>, vector<32x16xi32>
    %reduce_min3A_1321 = arith.constant dense<2147483647> : vector<32xi32>
    %reduce_min3A_1322 = vector.multi_reduction <minsi>, %select_n3A_1320, %reduce_min3A_1321 [1] : vector<32x16xi32> to vector<32xi32>
    %broadcast_in_dim3A_1323 = vector.shape_cast %reduce_min3A_1322 : vector<32xi32> to vector<32x1xi32>
    %eq3A_1324 = vector.broadcast %broadcast_in_dim3A_1323 : vector<32x1xi32> to vector<32x16xi32>
    %eq3A_1325 = arith.cmpi eq, %iota3A_99, %eq3A_1324 : vector<32x16xi32>
    %jit3A_1326 = arith.constant 0xFF800000 : f32
    %broadcast_in_dim3A_1327 = vector.broadcast %jit3A_1326 : f32 to vector<32x16xf32>
    %select_n3A_1328 = arith.select %eq3A_1325, %broadcast_in_dim3A_1327, %select_n3A_1304 : vector<32x16xi1>, vector<32x16xf32>
    %jit3A_1329 = arith.constant 0.000000e+00 : f32
    %broadcast_in_dim3A_1330 = vector.broadcast %jit3A_1329 : f32 to vector<32x16xf32>
    %select_n3A_1331 = arith.select %eq3A_1325, %convert_element_type3A, %broadcast_in_dim3A_1330 : vector<32x16xi1>, vector<32x16xf32>
    %reduce_sum3A_1332 = arith.constant dense<0.000000e+00> : vector<32xf32>
    %reduce_sum3A_1333 = vector.multi_reduction <add>, %select_n3A_1331, %reduce_sum3A_1332 [1] : vector<32x16xf32> to vector<32xf32>
    %broadcast_in_dim3A_1334 = vector.shape_cast %reduce_sum3A_1333 : vector<32xf32> to vector<32x1xf32>
    %convert_element_type3A_1335 = arith.fptosi %broadcast_in_dim3A_1334 : vector<32x1xf32> to vector<32x1xi32>
    %add3A_1336 = arith.addi %mul3A_1255, %convert_element_type3A_1335 : vector<32x1xi32>
    %reduce_max3A_1337 = arith.constant dense<0xFF800000> : vector<32xf32>
    %reduce_max3A_1338 = vector.multi_reduction <maximumf>, %select_n3A_1328, %reduce_max3A_1337 [1] : vector<32x16xf32> to vector<32xf32>
    %broadcast_in_dim3A_1339 = vector.shape_cast %reduce_max3A_1338 : vector<32xf32> to vector<32x1xf32>
    %ge3A_1340 = vector.broadcast %broadcast_in_dim3A_1339 : vector<32x1xf32> to vector<32x16xf32>
    %ge3A_1341 = arith.cmpf oge, %select_n3A_1328, %ge3A_1340 : vector<32x16xf32>
    %jit3A_1342 = arith.constant 16 : i32
    %broadcast_in_dim3A_1343 = vector.broadcast %jit3A_1342 : i32 to vector<32x16xi32>
    %select_n3A_1344 = arith.select %ge3A_1341, %iota3A_99, %broadcast_in_dim3A_1343 : vector<32x16xi1>, vector<32x16xi32>
    %reduce_min3A_1345 = arith.constant dense<2147483647> : vector<32xi32>
    %reduce_min3A_1346 = vector.multi_reduction <minsi>, %select_n3A_1344, %reduce_min3A_1345 [1] : vector<32x16xi32> to vector<32xi32>
    %broadcast_in_dim3A_1347 = vector.shape_cast %reduce_min3A_1346 : vector<32xi32> to vector<32x1xi32>
    %eq3A_1348 = vector.broadcast %broadcast_in_dim3A_1347 : vector<32x1xi32> to vector<32x16xi32>
    %eq3A_1349 = arith.cmpi eq, %iota3A_99, %eq3A_1348 : vector<32x16xi32>
    %jit3A_1350 = arith.constant 0xFF800000 : f32
    %broadcast_in_dim3A_1351 = vector.broadcast %jit3A_1350 : f32 to vector<32x16xf32>
    %select_n3A_1352 = arith.select %eq3A_1349, %broadcast_in_dim3A_1351, %select_n3A_1328 : vector<32x16xi1>, vector<32x16xf32>
    %jit3A_1353 = arith.constant 0.000000e+00 : f32
    %broadcast_in_dim3A_1354 = vector.broadcast %jit3A_1353 : f32 to vector<32x16xf32>
    %select_n3A_1355 = arith.select %eq3A_1349, %convert_element_type3A, %broadcast_in_dim3A_1354 : vector<32x16xi1>, vector<32x16xf32>
    %reduce_sum3A_1356 = arith.constant dense<0.000000e+00> : vector<32xf32>
    %reduce_sum3A_1357 = vector.multi_reduction <add>, %select_n3A_1355, %reduce_sum3A_1356 [1] : vector<32x16xf32> to vector<32xf32>
    %broadcast_in_dim3A_1358 = vector.shape_cast %reduce_sum3A_1357 : vector<32xf32> to vector<32x1xf32>
    %convert_element_type3A_1359 = arith.fptosi %broadcast_in_dim3A_1358 : vector<32x1xf32> to vector<32x1xi32>
    %add3A_1360 = arith.addi %mul3A_1255, %convert_element_type3A_1359 : vector<32x1xi32>
    %reduce_max3A_1361 = arith.constant dense<0xFF800000> : vector<32xf32>
    %reduce_max3A_1362 = vector.multi_reduction <maximumf>, %select_n3A_1352, %reduce_max3A_1361 [1] : vector<32x16xf32> to vector<32xf32>
    %broadcast_in_dim3A_1363 = vector.shape_cast %reduce_max3A_1362 : vector<32xf32> to vector<32x1xf32>
    %ge3A_1364 = vector.broadcast %broadcast_in_dim3A_1363 : vector<32x1xf32> to vector<32x16xf32>
    %ge3A_1365 = arith.cmpf oge, %select_n3A_1352, %ge3A_1364 : vector<32x16xf32>
    %jit3A_1366 = arith.constant 16 : i32
    %broadcast_in_dim3A_1367 = vector.broadcast %jit3A_1366 : i32 to vector<32x16xi32>
    %select_n3A_1368 = arith.select %ge3A_1365, %iota3A_99, %broadcast_in_dim3A_1367 : vector<32x16xi1>, vector<32x16xi32>
    %reduce_min3A_1369 = arith.constant dense<2147483647> : vector<32xi32>
    %reduce_min3A_1370 = vector.multi_reduction <minsi>, %select_n3A_1368, %reduce_min3A_1369 [1] : vector<32x16xi32> to vector<32xi32>
    %broadcast_in_dim3A_1371 = vector.shape_cast %reduce_min3A_1370 : vector<32xi32> to vector<32x1xi32>
    %eq3A_1372 = vector.broadcast %broadcast_in_dim3A_1371 : vector<32x1xi32> to vector<32x16xi32>
    %eq3A_1373 = arith.cmpi eq, %iota3A_99, %eq3A_1372 : vector<32x16xi32>
    %jit3A_1374 = arith.constant 0xFF800000 : f32
    %broadcast_in_dim3A_1375 = vector.broadcast %jit3A_1374 : f32 to vector<32x16xf32>
    %select_n3A_1376 = arith.select %eq3A_1373, %broadcast_in_dim3A_1375, %select_n3A_1352 : vector<32x16xi1>, vector<32x16xf32>
    %jit3A_1377 = arith.constant 0.000000e+00 : f32
    %broadcast_in_dim3A_1378 = vector.broadcast %jit3A_1377 : f32 to vector<32x16xf32>
    %select_n3A_1379 = arith.select %eq3A_1373, %convert_element_type3A, %broadcast_in_dim3A_1378 : vector<32x16xi1>, vector<32x16xf32>
    %reduce_sum3A_1380 = arith.constant dense<0.000000e+00> : vector<32xf32>
    %reduce_sum3A_1381 = vector.multi_reduction <add>, %select_n3A_1379, %reduce_sum3A_1380 [1] : vector<32x16xf32> to vector<32xf32>
    %broadcast_in_dim3A_1382 = vector.shape_cast %reduce_sum3A_1381 : vector<32xf32> to vector<32x1xf32>
    %convert_element_type3A_1383 = arith.fptosi %broadcast_in_dim3A_1382 : vector<32x1xf32> to vector<32x1xi32>
    %add3A_1384 = arith.addi %mul3A_1255, %convert_element_type3A_1383 : vector<32x1xi32>
    %reduce_max3A_1385 = arith.constant dense<0xFF800000> : vector<32xf32>
    %reduce_max3A_1386 = vector.multi_reduction <maximumf>, %select_n3A_1376, %reduce_max3A_1385 [1] : vector<32x16xf32> to vector<32xf32>
    %broadcast_in_dim3A_1387 = vector.shape_cast %reduce_max3A_1386 : vector<32xf32> to vector<32x1xf32>
    %ge3A_1388 = vector.broadcast %broadcast_in_dim3A_1387 : vector<32x1xf32> to vector<32x16xf32>
    %ge3A_1389 = arith.cmpf oge, %select_n3A_1376, %ge3A_1388 : vector<32x16xf32>
    %jit3A_1390 = arith.constant 16 : i32
    %broadcast_in_dim3A_1391 = vector.broadcast %jit3A_1390 : i32 to vector<32x16xi32>
    %select_n3A_1392 = arith.select %ge3A_1389, %iota3A_99, %broadcast_in_dim3A_1391 : vector<32x16xi1>, vector<32x16xi32>
    %reduce_min3A_1393 = arith.constant dense<2147483647> : vector<32xi32>
    %reduce_min3A_1394 = vector.multi_reduction <minsi>, %select_n3A_1392, %reduce_min3A_1393 [1] : vector<32x16xi32> to vector<32xi32>
    %broadcast_in_dim3A_1395 = vector.shape_cast %reduce_min3A_1394 : vector<32xi32> to vector<32x1xi32>
    %eq3A_1396 = vector.broadcast %broadcast_in_dim3A_1395 : vector<32x1xi32> to vector<32x16xi32>
    %eq3A_1397 = arith.cmpi eq, %iota3A_99, %eq3A_1396 : vector<32x16xi32>
    %jit3A_1398 = arith.constant 0xFF800000 : f32
    %broadcast_in_dim3A_1399 = vector.broadcast %jit3A_1398 : f32 to vector<32x16xf32>
    %select_n3A_1400 = arith.select %eq3A_1397, %broadcast_in_dim3A_1399, %select_n3A_1376 : vector<32x16xi1>, vector<32x16xf32>
    %jit3A_1401 = arith.constant 0.000000e+00 : f32
    %broadcast_in_dim3A_1402 = vector.broadcast %jit3A_1401 : f32 to vector<32x16xf32>
    %select_n3A_1403 = arith.select %eq3A_1397, %convert_element_type3A, %broadcast_in_dim3A_1402 : vector<32x16xi1>, vector<32x16xf32>
    %reduce_sum3A_1404 = arith.constant dense<0.000000e+00> : vector<32xf32>
    %reduce_sum3A_1405 = vector.multi_reduction <add>, %select_n3A_1403, %reduce_sum3A_1404 [1] : vector<32x16xf32> to vector<32xf32>
    %broadcast_in_dim3A_1406 = vector.shape_cast %reduce_sum3A_1405 : vector<32xf32> to vector<32x1xf32>
    %convert_element_type3A_1407 = arith.fptosi %broadcast_in_dim3A_1406 : vector<32x1xf32> to vector<32x1xi32>
    %add3A_1408 = arith.addi %mul3A_1255, %convert_element_type3A_1407 : vector<32x1xi32>
    %reduce_max3A_1409 = arith.constant dense<0xFF800000> : vector<32xf32>
    %reduce_max3A_1410 = vector.multi_reduction <maximumf>, %select_n3A_1400, %reduce_max3A_1409 [1] : vector<32x16xf32> to vector<32xf32>
    %broadcast_in_dim3A_1411 = vector.shape_cast %reduce_max3A_1410 : vector<32xf32> to vector<32x1xf32>
    %ge3A_1412 = vector.broadcast %broadcast_in_dim3A_1411 : vector<32x1xf32> to vector<32x16xf32>
    %ge3A_1413 = arith.cmpf oge, %select_n3A_1400, %ge3A_1412 : vector<32x16xf32>
    %jit3A_1414 = arith.constant 16 : i32
    %broadcast_in_dim3A_1415 = vector.broadcast %jit3A_1414 : i32 to vector<32x16xi32>
    %select_n3A_1416 = arith.select %ge3A_1413, %iota3A_99, %broadcast_in_dim3A_1415 : vector<32x16xi1>, vector<32x16xi32>
    %reduce_min3A_1417 = arith.constant dense<2147483647> : vector<32xi32>
    %reduce_min3A_1418 = vector.multi_reduction <minsi>, %select_n3A_1416, %reduce_min3A_1417 [1] : vector<32x16xi32> to vector<32xi32>
    %broadcast_in_dim3A_1419 = vector.shape_cast %reduce_min3A_1418 : vector<32xi32> to vector<32x1xi32>
    %eq3A_1420 = vector.broadcast %broadcast_in_dim3A_1419 : vector<32x1xi32> to vector<32x16xi32>
    %eq3A_1421 = arith.cmpi eq, %iota3A_99, %eq3A_1420 : vector<32x16xi32>
    %jit3A_1422 = arith.constant 0xFF800000 : f32
    %broadcast_in_dim3A_1423 = vector.broadcast %jit3A_1422 : f32 to vector<32x16xf32>
    %select_n3A_1424 = arith.select %eq3A_1421, %broadcast_in_dim3A_1423, %select_n3A_1400 : vector<32x16xi1>, vector<32x16xf32>
    %jit3A_1425 = arith.constant 0.000000e+00 : f32
    %broadcast_in_dim3A_1426 = vector.broadcast %jit3A_1425 : f32 to vector<32x16xf32>
    %select_n3A_1427 = arith.select %eq3A_1421, %convert_element_type3A, %broadcast_in_dim3A_1426 : vector<32x16xi1>, vector<32x16xf32>
    %reduce_sum3A_1428 = arith.constant dense<0.000000e+00> : vector<32xf32>
    %reduce_sum3A_1429 = vector.multi_reduction <add>, %select_n3A_1427, %reduce_sum3A_1428 [1] : vector<32x16xf32> to vector<32xf32>
    %broadcast_in_dim3A_1430 = vector.shape_cast %reduce_sum3A_1429 : vector<32xf32> to vector<32x1xf32>
    %convert_element_type3A_1431 = arith.fptosi %broadcast_in_dim3A_1430 : vector<32x1xf32> to vector<32x1xi32>
    %add3A_1432 = arith.addi %mul3A_1255, %convert_element_type3A_1431 : vector<32x1xi32>
    %reduce_max3A_1433 = arith.constant dense<0xFF800000> : vector<32xf32>
    %reduce_max3A_1434 = vector.multi_reduction <maximumf>, %select_n3A_1424, %reduce_max3A_1433 [1] : vector<32x16xf32> to vector<32xf32>
    %broadcast_in_dim3A_1435 = vector.shape_cast %reduce_max3A_1434 : vector<32xf32> to vector<32x1xf32>
    %ge3A_1436 = vector.broadcast %broadcast_in_dim3A_1435 : vector<32x1xf32> to vector<32x16xf32>
    %ge3A_1437 = arith.cmpf oge, %select_n3A_1424, %ge3A_1436 : vector<32x16xf32>
    %jit3A_1438 = arith.constant 16 : i32
    %broadcast_in_dim3A_1439 = vector.broadcast %jit3A_1438 : i32 to vector<32x16xi32>
    %select_n3A_1440 = arith.select %ge3A_1437, %iota3A_99, %broadcast_in_dim3A_1439 : vector<32x16xi1>, vector<32x16xi32>
    %reduce_min3A_1441 = arith.constant dense<2147483647> : vector<32xi32>
    %reduce_min3A_1442 = vector.multi_reduction <minsi>, %select_n3A_1440, %reduce_min3A_1441 [1] : vector<32x16xi32> to vector<32xi32>
    %broadcast_in_dim3A_1443 = vector.shape_cast %reduce_min3A_1442 : vector<32xi32> to vector<32x1xi32>
    %eq3A_1444 = vector.broadcast %broadcast_in_dim3A_1443 : vector<32x1xi32> to vector<32x16xi32>
    %eq3A_1445 = arith.cmpi eq, %iota3A_99, %eq3A_1444 : vector<32x16xi32>
    %jit3A_1446 = arith.constant 0.000000e+00 : f32
    %broadcast_in_dim3A_1447 = vector.broadcast %jit3A_1446 : f32 to vector<32x16xf32>
    %select_n3A_1448 = arith.select %eq3A_1445, %convert_element_type3A, %broadcast_in_dim3A_1447 : vector<32x16xi1>, vector<32x16xf32>
    %reduce_sum3A_1449 = arith.constant dense<0.000000e+00> : vector<32xf32>
    %reduce_sum3A_1450 = vector.multi_reduction <add>, %select_n3A_1448, %reduce_sum3A_1449 [1] : vector<32x16xf32> to vector<32xf32>
    %broadcast_in_dim3A_1451 = vector.shape_cast %reduce_sum3A_1450 : vector<32xf32> to vector<32x1xf32>
    %convert_element_type3A_1452 = arith.fptosi %broadcast_in_dim3A_1451 : vector<32x1xf32> to vector<32x1xi32>
    %add3A_1453 = arith.addi %mul3A_1255, %convert_element_type3A_1452 : vector<32x1xi32>
    %mul3A_1454 = arith.constant 20 : i32
    %mul3A_1455 = arith.muli %arg0, %mul3A_1454 : i32
    %add3A_1456 = vector.broadcast %mul3A_1455 : i32 to vector<32x1xi32>
    %add3A_1457 = arith.addi %add3A_1456, %broadcast_in_dim3A_208 : vector<32x1xi32>
    %mul3A_1458 = arith.constant 32 : i32
    %mul3A_1459 = vector.broadcast %mul3A_1458 : i32 to vector<32x1xi32>
    %mul3A_1460 = arith.muli %add3A_1457, %mul3A_1459 : vector<32x1xi32>
    %add3A_1461 = arith.addi %mul3A_1460, %iota3A_100 : vector<32x1xi32>
    %reshape3A_1462 = vector.shape_cast %broadcast_in_dim3A_208 : vector<32x1xi32> to vector<32x1x1xi32>
    %eq3A_1463 = vector.broadcast %reshape3A_1462 : vector<32x1x1xi32> to vector<32x16x20xi32>
    %eq3A_1464 = arith.cmpi eq, %iota3A_98, %eq3A_1463 : vector<32x16x20xi32>
    %convert_element_type3A_1465 = arith.extui %eq3A_1464 : vector<32x16x20xi1> to vector<32x16x20xi32>
    %convert_element_type3A_1466 = arith.sitofp %convert_element_type3A_1465 : vector<32x16x20xi32> to vector<32x16x20xf32>
    %mul3A_1467 = arith.mulf %select_n3A, %convert_element_type3A_1466 : vector<32x16x20xf32>
    %reduce_sum3A_1468 = arith.constant dense<0.000000e+00> : vector<32x16xf32>
    %reduce_sum3A_1469 = vector.multi_reduction <add>, %mul3A_1467, %reduce_sum3A_1468 [2] : vector<32x16x20xf32> to vector<32x16xf32>
    %reduce_max3A_1470 = arith.constant dense<0xFF800000> : vector<32xf32>
    %reduce_max3A_1471 = vector.multi_reduction <maximumf>, %reduce_sum3A_1469, %reduce_max3A_1470 [1] : vector<32x16xf32> to vector<32xf32>
    %broadcast_in_dim3A_1472 = vector.shape_cast %reduce_max3A_1471 : vector<32xf32> to vector<32x1xf32>
    %ge3A_1473 = vector.broadcast %broadcast_in_dim3A_1472 : vector<32x1xf32> to vector<32x16xf32>
    %ge3A_1474 = arith.cmpf oge, %reduce_sum3A_1469, %ge3A_1473 : vector<32x16xf32>
    %jit3A_1475 = arith.constant 16 : i32
    %broadcast_in_dim3A_1476 = vector.broadcast %jit3A_1475 : i32 to vector<32x16xi32>
    %select_n3A_1477 = arith.select %ge3A_1474, %iota3A_99, %broadcast_in_dim3A_1476 : vector<32x16xi1>, vector<32x16xi32>
    %reduce_min3A_1478 = arith.constant dense<2147483647> : vector<32xi32>
    %reduce_min3A_1479 = vector.multi_reduction <minsi>, %select_n3A_1477, %reduce_min3A_1478 [1] : vector<32x16xi32> to vector<32xi32>
    %broadcast_in_dim3A_1480 = vector.shape_cast %reduce_min3A_1479 : vector<32xi32> to vector<32x1xi32>
    %eq3A_1481 = vector.broadcast %broadcast_in_dim3A_1480 : vector<32x1xi32> to vector<32x16xi32>
    %eq3A_1482 = arith.cmpi eq, %iota3A_99, %eq3A_1481 : vector<32x16xi32>
    %jit3A_1483 = arith.constant 0xFF800000 : f32
    %broadcast_in_dim3A_1484 = vector.broadcast %jit3A_1483 : f32 to vector<32x16xf32>
    %select_n3A_1485 = arith.select %eq3A_1482, %broadcast_in_dim3A_1484, %reduce_sum3A_1469 : vector<32x16xi1>, vector<32x16xf32>
    %jit3A_1486 = arith.constant 0.000000e+00 : f32
    %broadcast_in_dim3A_1487 = vector.broadcast %jit3A_1486 : f32 to vector<32x16xf32>
    %select_n3A_1488 = arith.select %eq3A_1482, %convert_element_type3A, %broadcast_in_dim3A_1487 : vector<32x16xi1>, vector<32x16xf32>
    %reduce_sum3A_1489 = arith.constant dense<0.000000e+00> : vector<32xf32>
    %reduce_sum3A_1490 = vector.multi_reduction <add>, %select_n3A_1488, %reduce_sum3A_1489 [1] : vector<32x16xf32> to vector<32xf32>
    %broadcast_in_dim3A_1491 = vector.shape_cast %reduce_sum3A_1490 : vector<32xf32> to vector<32x1xf32>
    %convert_element_type3A_1492 = arith.fptosi %broadcast_in_dim3A_1491 : vector<32x1xf32> to vector<32x1xi32>
    %add3A_1493 = arith.addi %mul3A_1460, %convert_element_type3A_1492 : vector<32x1xi32>
    %reduce_max3A_1494 = arith.constant dense<0xFF800000> : vector<32xf32>
    %reduce_max3A_1495 = vector.multi_reduction <maximumf>, %select_n3A_1485, %reduce_max3A_1494 [1] : vector<32x16xf32> to vector<32xf32>
    %broadcast_in_dim3A_1496 = vector.shape_cast %reduce_max3A_1495 : vector<32xf32> to vector<32x1xf32>
    %ge3A_1497 = vector.broadcast %broadcast_in_dim3A_1496 : vector<32x1xf32> to vector<32x16xf32>
    %ge3A_1498 = arith.cmpf oge, %select_n3A_1485, %ge3A_1497 : vector<32x16xf32>
    %jit3A_1499 = arith.constant 16 : i32
    %broadcast_in_dim3A_1500 = vector.broadcast %jit3A_1499 : i32 to vector<32x16xi32>
    %select_n3A_1501 = arith.select %ge3A_1498, %iota3A_99, %broadcast_in_dim3A_1500 : vector<32x16xi1>, vector<32x16xi32>
    %reduce_min3A_1502 = arith.constant dense<2147483647> : vector<32xi32>
    %reduce_min3A_1503 = vector.multi_reduction <minsi>, %select_n3A_1501, %reduce_min3A_1502 [1] : vector<32x16xi32> to vector<32xi32>
    %broadcast_in_dim3A_1504 = vector.shape_cast %reduce_min3A_1503 : vector<32xi32> to vector<32x1xi32>
    %eq3A_1505 = vector.broadcast %broadcast_in_dim3A_1504 : vector<32x1xi32> to vector<32x16xi32>
    %eq3A_1506 = arith.cmpi eq, %iota3A_99, %eq3A_1505 : vector<32x16xi32>
    %jit3A_1507 = arith.constant 0xFF800000 : f32
    %broadcast_in_dim3A_1508 = vector.broadcast %jit3A_1507 : f32 to vector<32x16xf32>
    %select_n3A_1509 = arith.select %eq3A_1506, %broadcast_in_dim3A_1508, %select_n3A_1485 : vector<32x16xi1>, vector<32x16xf32>
    %jit3A_1510 = arith.constant 0.000000e+00 : f32
    %broadcast_in_dim3A_1511 = vector.broadcast %jit3A_1510 : f32 to vector<32x16xf32>
    %select_n3A_1512 = arith.select %eq3A_1506, %convert_element_type3A, %broadcast_in_dim3A_1511 : vector<32x16xi1>, vector<32x16xf32>
    %reduce_sum3A_1513 = arith.constant dense<0.000000e+00> : vector<32xf32>
    %reduce_sum3A_1514 = vector.multi_reduction <add>, %select_n3A_1512, %reduce_sum3A_1513 [1] : vector<32x16xf32> to vector<32xf32>
    %broadcast_in_dim3A_1515 = vector.shape_cast %reduce_sum3A_1514 : vector<32xf32> to vector<32x1xf32>
    %convert_element_type3A_1516 = arith.fptosi %broadcast_in_dim3A_1515 : vector<32x1xf32> to vector<32x1xi32>
    %add3A_1517 = arith.addi %mul3A_1460, %convert_element_type3A_1516 : vector<32x1xi32>
    %reduce_max3A_1518 = arith.constant dense<0xFF800000> : vector<32xf32>
    %reduce_max3A_1519 = vector.multi_reduction <maximumf>, %select_n3A_1509, %reduce_max3A_1518 [1] : vector<32x16xf32> to vector<32xf32>
    %broadcast_in_dim3A_1520 = vector.shape_cast %reduce_max3A_1519 : vector<32xf32> to vector<32x1xf32>
    %ge3A_1521 = vector.broadcast %broadcast_in_dim3A_1520 : vector<32x1xf32> to vector<32x16xf32>
    %ge3A_1522 = arith.cmpf oge, %select_n3A_1509, %ge3A_1521 : vector<32x16xf32>
    %jit3A_1523 = arith.constant 16 : i32
    %broadcast_in_dim3A_1524 = vector.broadcast %jit3A_1523 : i32 to vector<32x16xi32>
    %select_n3A_1525 = arith.select %ge3A_1522, %iota3A_99, %broadcast_in_dim3A_1524 : vector<32x16xi1>, vector<32x16xi32>
    %reduce_min3A_1526 = arith.constant dense<2147483647> : vector<32xi32>
    %reduce_min3A_1527 = vector.multi_reduction <minsi>, %select_n3A_1525, %reduce_min3A_1526 [1] : vector<32x16xi32> to vector<32xi32>
    %broadcast_in_dim3A_1528 = vector.shape_cast %reduce_min3A_1527 : vector<32xi32> to vector<32x1xi32>
    %eq3A_1529 = vector.broadcast %broadcast_in_dim3A_1528 : vector<32x1xi32> to vector<32x16xi32>
    %eq3A_1530 = arith.cmpi eq, %iota3A_99, %eq3A_1529 : vector<32x16xi32>
    %jit3A_1531 = arith.constant 0xFF800000 : f32
    %broadcast_in_dim3A_1532 = vector.broadcast %jit3A_1531 : f32 to vector<32x16xf32>
    %select_n3A_1533 = arith.select %eq3A_1530, %broadcast_in_dim3A_1532, %select_n3A_1509 : vector<32x16xi1>, vector<32x16xf32>
    %jit3A_1534 = arith.constant 0.000000e+00 : f32
    %broadcast_in_dim3A_1535 = vector.broadcast %jit3A_1534 : f32 to vector<32x16xf32>
    %select_n3A_1536 = arith.select %eq3A_1530, %convert_element_type3A, %broadcast_in_dim3A_1535 : vector<32x16xi1>, vector<32x16xf32>
    %reduce_sum3A_1537 = arith.constant dense<0.000000e+00> : vector<32xf32>
    %reduce_sum3A_1538 = vector.multi_reduction <add>, %select_n3A_1536, %reduce_sum3A_1537 [1] : vector<32x16xf32> to vector<32xf32>
    %broadcast_in_dim3A_1539 = vector.shape_cast %reduce_sum3A_1538 : vector<32xf32> to vector<32x1xf32>
    %convert_element_type3A_1540 = arith.fptosi %broadcast_in_dim3A_1539 : vector<32x1xf32> to vector<32x1xi32>
    %add3A_1541 = arith.addi %mul3A_1460, %convert_element_type3A_1540 : vector<32x1xi32>
    %reduce_max3A_1542 = arith.constant dense<0xFF800000> : vector<32xf32>
    %reduce_max3A_1543 = vector.multi_reduction <maximumf>, %select_n3A_1533, %reduce_max3A_1542 [1] : vector<32x16xf32> to vector<32xf32>
    %broadcast_in_dim3A_1544 = vector.shape_cast %reduce_max3A_1543 : vector<32xf32> to vector<32x1xf32>
    %ge3A_1545 = vector.broadcast %broadcast_in_dim3A_1544 : vector<32x1xf32> to vector<32x16xf32>
    %ge3A_1546 = arith.cmpf oge, %select_n3A_1533, %ge3A_1545 : vector<32x16xf32>
    %jit3A_1547 = arith.constant 16 : i32
    %broadcast_in_dim3A_1548 = vector.broadcast %jit3A_1547 : i32 to vector<32x16xi32>
    %select_n3A_1549 = arith.select %ge3A_1546, %iota3A_99, %broadcast_in_dim3A_1548 : vector<32x16xi1>, vector<32x16xi32>
    %reduce_min3A_1550 = arith.constant dense<2147483647> : vector<32xi32>
    %reduce_min3A_1551 = vector.multi_reduction <minsi>, %select_n3A_1549, %reduce_min3A_1550 [1] : vector<32x16xi32> to vector<32xi32>
    %broadcast_in_dim3A_1552 = vector.shape_cast %reduce_min3A_1551 : vector<32xi32> to vector<32x1xi32>
    %eq3A_1553 = vector.broadcast %broadcast_in_dim3A_1552 : vector<32x1xi32> to vector<32x16xi32>
    %eq3A_1554 = arith.cmpi eq, %iota3A_99, %eq3A_1553 : vector<32x16xi32>
    %jit3A_1555 = arith.constant 0xFF800000 : f32
    %broadcast_in_dim3A_1556 = vector.broadcast %jit3A_1555 : f32 to vector<32x16xf32>
    %select_n3A_1557 = arith.select %eq3A_1554, %broadcast_in_dim3A_1556, %select_n3A_1533 : vector<32x16xi1>, vector<32x16xf32>
    %jit3A_1558 = arith.constant 0.000000e+00 : f32
    %broadcast_in_dim3A_1559 = vector.broadcast %jit3A_1558 : f32 to vector<32x16xf32>
    %select_n3A_1560 = arith.select %eq3A_1554, %convert_element_type3A, %broadcast_in_dim3A_1559 : vector<32x16xi1>, vector<32x16xf32>
    %reduce_sum3A_1561 = arith.constant dense<0.000000e+00> : vector<32xf32>
    %reduce_sum3A_1562 = vector.multi_reduction <add>, %select_n3A_1560, %reduce_sum3A_1561 [1] : vector<32x16xf32> to vector<32xf32>
    %broadcast_in_dim3A_1563 = vector.shape_cast %reduce_sum3A_1562 : vector<32xf32> to vector<32x1xf32>
    %convert_element_type3A_1564 = arith.fptosi %broadcast_in_dim3A_1563 : vector<32x1xf32> to vector<32x1xi32>
    %add3A_1565 = arith.addi %mul3A_1460, %convert_element_type3A_1564 : vector<32x1xi32>
    %reduce_max3A_1566 = arith.constant dense<0xFF800000> : vector<32xf32>
    %reduce_max3A_1567 = vector.multi_reduction <maximumf>, %select_n3A_1557, %reduce_max3A_1566 [1] : vector<32x16xf32> to vector<32xf32>
    %broadcast_in_dim3A_1568 = vector.shape_cast %reduce_max3A_1567 : vector<32xf32> to vector<32x1xf32>
    %ge3A_1569 = vector.broadcast %broadcast_in_dim3A_1568 : vector<32x1xf32> to vector<32x16xf32>
    %ge3A_1570 = arith.cmpf oge, %select_n3A_1557, %ge3A_1569 : vector<32x16xf32>
    %jit3A_1571 = arith.constant 16 : i32
    %broadcast_in_dim3A_1572 = vector.broadcast %jit3A_1571 : i32 to vector<32x16xi32>
    %select_n3A_1573 = arith.select %ge3A_1570, %iota3A_99, %broadcast_in_dim3A_1572 : vector<32x16xi1>, vector<32x16xi32>
    %reduce_min3A_1574 = arith.constant dense<2147483647> : vector<32xi32>
    %reduce_min3A_1575 = vector.multi_reduction <minsi>, %select_n3A_1573, %reduce_min3A_1574 [1] : vector<32x16xi32> to vector<32xi32>
    %broadcast_in_dim3A_1576 = vector.shape_cast %reduce_min3A_1575 : vector<32xi32> to vector<32x1xi32>
    %eq3A_1577 = vector.broadcast %broadcast_in_dim3A_1576 : vector<32x1xi32> to vector<32x16xi32>
    %eq3A_1578 = arith.cmpi eq, %iota3A_99, %eq3A_1577 : vector<32x16xi32>
    %jit3A_1579 = arith.constant 0xFF800000 : f32
    %broadcast_in_dim3A_1580 = vector.broadcast %jit3A_1579 : f32 to vector<32x16xf32>
    %select_n3A_1581 = arith.select %eq3A_1578, %broadcast_in_dim3A_1580, %select_n3A_1557 : vector<32x16xi1>, vector<32x16xf32>
    %jit3A_1582 = arith.constant 0.000000e+00 : f32
    %broadcast_in_dim3A_1583 = vector.broadcast %jit3A_1582 : f32 to vector<32x16xf32>
    %select_n3A_1584 = arith.select %eq3A_1578, %convert_element_type3A, %broadcast_in_dim3A_1583 : vector<32x16xi1>, vector<32x16xf32>
    %reduce_sum3A_1585 = arith.constant dense<0.000000e+00> : vector<32xf32>
    %reduce_sum3A_1586 = vector.multi_reduction <add>, %select_n3A_1584, %reduce_sum3A_1585 [1] : vector<32x16xf32> to vector<32xf32>
    %broadcast_in_dim3A_1587 = vector.shape_cast %reduce_sum3A_1586 : vector<32xf32> to vector<32x1xf32>
    %convert_element_type3A_1588 = arith.fptosi %broadcast_in_dim3A_1587 : vector<32x1xf32> to vector<32x1xi32>
    %add3A_1589 = arith.addi %mul3A_1460, %convert_element_type3A_1588 : vector<32x1xi32>
    %reduce_max3A_1590 = arith.constant dense<0xFF800000> : vector<32xf32>
    %reduce_max3A_1591 = vector.multi_reduction <maximumf>, %select_n3A_1581, %reduce_max3A_1590 [1] : vector<32x16xf32> to vector<32xf32>
    %broadcast_in_dim3A_1592 = vector.shape_cast %reduce_max3A_1591 : vector<32xf32> to vector<32x1xf32>
    %ge3A_1593 = vector.broadcast %broadcast_in_dim3A_1592 : vector<32x1xf32> to vector<32x16xf32>
    %ge3A_1594 = arith.cmpf oge, %select_n3A_1581, %ge3A_1593 : vector<32x16xf32>
    %jit3A_1595 = arith.constant 16 : i32
    %broadcast_in_dim3A_1596 = vector.broadcast %jit3A_1595 : i32 to vector<32x16xi32>
    %select_n3A_1597 = arith.select %ge3A_1594, %iota3A_99, %broadcast_in_dim3A_1596 : vector<32x16xi1>, vector<32x16xi32>
    %reduce_min3A_1598 = arith.constant dense<2147483647> : vector<32xi32>
    %reduce_min3A_1599 = vector.multi_reduction <minsi>, %select_n3A_1597, %reduce_min3A_1598 [1] : vector<32x16xi32> to vector<32xi32>
    %broadcast_in_dim3A_1600 = vector.shape_cast %reduce_min3A_1599 : vector<32xi32> to vector<32x1xi32>
    %eq3A_1601 = vector.broadcast %broadcast_in_dim3A_1600 : vector<32x1xi32> to vector<32x16xi32>
    %eq3A_1602 = arith.cmpi eq, %iota3A_99, %eq3A_1601 : vector<32x16xi32>
    %jit3A_1603 = arith.constant 0xFF800000 : f32
    %broadcast_in_dim3A_1604 = vector.broadcast %jit3A_1603 : f32 to vector<32x16xf32>
    %select_n3A_1605 = arith.select %eq3A_1602, %broadcast_in_dim3A_1604, %select_n3A_1581 : vector<32x16xi1>, vector<32x16xf32>
    %jit3A_1606 = arith.constant 0.000000e+00 : f32
    %broadcast_in_dim3A_1607 = vector.broadcast %jit3A_1606 : f32 to vector<32x16xf32>
    %select_n3A_1608 = arith.select %eq3A_1602, %convert_element_type3A, %broadcast_in_dim3A_1607 : vector<32x16xi1>, vector<32x16xf32>
    %reduce_sum3A_1609 = arith.constant dense<0.000000e+00> : vector<32xf32>
    %reduce_sum3A_1610 = vector.multi_reduction <add>, %select_n3A_1608, %reduce_sum3A_1609 [1] : vector<32x16xf32> to vector<32xf32>
    %broadcast_in_dim3A_1611 = vector.shape_cast %reduce_sum3A_1610 : vector<32xf32> to vector<32x1xf32>
    %convert_element_type3A_1612 = arith.fptosi %broadcast_in_dim3A_1611 : vector<32x1xf32> to vector<32x1xi32>
    %add3A_1613 = arith.addi %mul3A_1460, %convert_element_type3A_1612 : vector<32x1xi32>
    %reduce_max3A_1614 = arith.constant dense<0xFF800000> : vector<32xf32>
    %reduce_max3A_1615 = vector.multi_reduction <maximumf>, %select_n3A_1605, %reduce_max3A_1614 [1] : vector<32x16xf32> to vector<32xf32>
    %broadcast_in_dim3A_1616 = vector.shape_cast %reduce_max3A_1615 : vector<32xf32> to vector<32x1xf32>
    %ge3A_1617 = vector.broadcast %broadcast_in_dim3A_1616 : vector<32x1xf32> to vector<32x16xf32>
    %ge3A_1618 = arith.cmpf oge, %select_n3A_1605, %ge3A_1617 : vector<32x16xf32>
    %jit3A_1619 = arith.constant 16 : i32
    %broadcast_in_dim3A_1620 = vector.broadcast %jit3A_1619 : i32 to vector<32x16xi32>
    %select_n3A_1621 = arith.select %ge3A_1618, %iota3A_99, %broadcast_in_dim3A_1620 : vector<32x16xi1>, vector<32x16xi32>
    %reduce_min3A_1622 = arith.constant dense<2147483647> : vector<32xi32>
    %reduce_min3A_1623 = vector.multi_reduction <minsi>, %select_n3A_1621, %reduce_min3A_1622 [1] : vector<32x16xi32> to vector<32xi32>
    %broadcast_in_dim3A_1624 = vector.shape_cast %reduce_min3A_1623 : vector<32xi32> to vector<32x1xi32>
    %eq3A_1625 = vector.broadcast %broadcast_in_dim3A_1624 : vector<32x1xi32> to vector<32x16xi32>
    %eq3A_1626 = arith.cmpi eq, %iota3A_99, %eq3A_1625 : vector<32x16xi32>
    %jit3A_1627 = arith.constant 0xFF800000 : f32
    %broadcast_in_dim3A_1628 = vector.broadcast %jit3A_1627 : f32 to vector<32x16xf32>
    %select_n3A_1629 = arith.select %eq3A_1626, %broadcast_in_dim3A_1628, %select_n3A_1605 : vector<32x16xi1>, vector<32x16xf32>
    %jit3A_1630 = arith.constant 0.000000e+00 : f32
    %broadcast_in_dim3A_1631 = vector.broadcast %jit3A_1630 : f32 to vector<32x16xf32>
    %select_n3A_1632 = arith.select %eq3A_1626, %convert_element_type3A, %broadcast_in_dim3A_1631 : vector<32x16xi1>, vector<32x16xf32>
    %reduce_sum3A_1633 = arith.constant dense<0.000000e+00> : vector<32xf32>
    %reduce_sum3A_1634 = vector.multi_reduction <add>, %select_n3A_1632, %reduce_sum3A_1633 [1] : vector<32x16xf32> to vector<32xf32>
    %broadcast_in_dim3A_1635 = vector.shape_cast %reduce_sum3A_1634 : vector<32xf32> to vector<32x1xf32>
    %convert_element_type3A_1636 = arith.fptosi %broadcast_in_dim3A_1635 : vector<32x1xf32> to vector<32x1xi32>
    %add3A_1637 = arith.addi %mul3A_1460, %convert_element_type3A_1636 : vector<32x1xi32>
    %reduce_max3A_1638 = arith.constant dense<0xFF800000> : vector<32xf32>
    %reduce_max3A_1639 = vector.multi_reduction <maximumf>, %select_n3A_1629, %reduce_max3A_1638 [1] : vector<32x16xf32> to vector<32xf32>
    %broadcast_in_dim3A_1640 = vector.shape_cast %reduce_max3A_1639 : vector<32xf32> to vector<32x1xf32>
    %ge3A_1641 = vector.broadcast %broadcast_in_dim3A_1640 : vector<32x1xf32> to vector<32x16xf32>
    %ge3A_1642 = arith.cmpf oge, %select_n3A_1629, %ge3A_1641 : vector<32x16xf32>
    %jit3A_1643 = arith.constant 16 : i32
    %broadcast_in_dim3A_1644 = vector.broadcast %jit3A_1643 : i32 to vector<32x16xi32>
    %select_n3A_1645 = arith.select %ge3A_1642, %iota3A_99, %broadcast_in_dim3A_1644 : vector<32x16xi1>, vector<32x16xi32>
    %reduce_min3A_1646 = arith.constant dense<2147483647> : vector<32xi32>
    %reduce_min3A_1647 = vector.multi_reduction <minsi>, %select_n3A_1645, %reduce_min3A_1646 [1] : vector<32x16xi32> to vector<32xi32>
    %broadcast_in_dim3A_1648 = vector.shape_cast %reduce_min3A_1647 : vector<32xi32> to vector<32x1xi32>
    %eq3A_1649 = vector.broadcast %broadcast_in_dim3A_1648 : vector<32x1xi32> to vector<32x16xi32>
    %eq3A_1650 = arith.cmpi eq, %iota3A_99, %eq3A_1649 : vector<32x16xi32>
    %jit3A_1651 = arith.constant 0.000000e+00 : f32
    %broadcast_in_dim3A_1652 = vector.broadcast %jit3A_1651 : f32 to vector<32x16xf32>
    %select_n3A_1653 = arith.select %eq3A_1650, %convert_element_type3A, %broadcast_in_dim3A_1652 : vector<32x16xi1>, vector<32x16xf32>
    %reduce_sum3A_1654 = arith.constant dense<0.000000e+00> : vector<32xf32>
    %reduce_sum3A_1655 = vector.multi_reduction <add>, %select_n3A_1653, %reduce_sum3A_1654 [1] : vector<32x16xf32> to vector<32xf32>
    %broadcast_in_dim3A_1656 = vector.shape_cast %reduce_sum3A_1655 : vector<32xf32> to vector<32x1xf32>
    %convert_element_type3A_1657 = arith.fptosi %broadcast_in_dim3A_1656 : vector<32x1xf32> to vector<32x1xi32>
    %add3A_1658 = arith.addi %mul3A_1460, %convert_element_type3A_1657 : vector<32x1xi32>
    %mul3A_1659 = arith.constant 20 : i32
    %mul3A_1660 = arith.muli %arg0, %mul3A_1659 : i32
    %add3A_1661 = vector.broadcast %mul3A_1660 : i32 to vector<32x1xi32>
    %add3A_1662 = arith.addi %add3A_1661, %broadcast_in_dim3A_224 : vector<32x1xi32>
    %mul3A_1663 = arith.constant 32 : i32
    %mul3A_1664 = vector.broadcast %mul3A_1663 : i32 to vector<32x1xi32>
    %mul3A_1665 = arith.muli %add3A_1662, %mul3A_1664 : vector<32x1xi32>
    %add3A_1666 = arith.addi %mul3A_1665, %iota3A_100 : vector<32x1xi32>
    %reshape3A_1667 = vector.shape_cast %broadcast_in_dim3A_224 : vector<32x1xi32> to vector<32x1x1xi32>
    %eq3A_1668 = vector.broadcast %reshape3A_1667 : vector<32x1x1xi32> to vector<32x16x20xi32>
    %eq3A_1669 = arith.cmpi eq, %iota3A_98, %eq3A_1668 : vector<32x16x20xi32>
    %convert_element_type3A_1670 = arith.extui %eq3A_1669 : vector<32x16x20xi1> to vector<32x16x20xi32>
    %convert_element_type3A_1671 = arith.sitofp %convert_element_type3A_1670 : vector<32x16x20xi32> to vector<32x16x20xf32>
    %mul3A_1672 = arith.mulf %select_n3A, %convert_element_type3A_1671 : vector<32x16x20xf32>
    %reduce_sum3A_1673 = arith.constant dense<0.000000e+00> : vector<32x16xf32>
    %reduce_sum3A_1674 = vector.multi_reduction <add>, %mul3A_1672, %reduce_sum3A_1673 [2] : vector<32x16x20xf32> to vector<32x16xf32>
    %reduce_max3A_1675 = arith.constant dense<0xFF800000> : vector<32xf32>
    %reduce_max3A_1676 = vector.multi_reduction <maximumf>, %reduce_sum3A_1674, %reduce_max3A_1675 [1] : vector<32x16xf32> to vector<32xf32>
    %broadcast_in_dim3A_1677 = vector.shape_cast %reduce_max3A_1676 : vector<32xf32> to vector<32x1xf32>
    %ge3A_1678 = vector.broadcast %broadcast_in_dim3A_1677 : vector<32x1xf32> to vector<32x16xf32>
    %ge3A_1679 = arith.cmpf oge, %reduce_sum3A_1674, %ge3A_1678 : vector<32x16xf32>
    %jit3A_1680 = arith.constant 16 : i32
    %broadcast_in_dim3A_1681 = vector.broadcast %jit3A_1680 : i32 to vector<32x16xi32>
    %select_n3A_1682 = arith.select %ge3A_1679, %iota3A_99, %broadcast_in_dim3A_1681 : vector<32x16xi1>, vector<32x16xi32>
    %reduce_min3A_1683 = arith.constant dense<2147483647> : vector<32xi32>
    %reduce_min3A_1684 = vector.multi_reduction <minsi>, %select_n3A_1682, %reduce_min3A_1683 [1] : vector<32x16xi32> to vector<32xi32>
    %broadcast_in_dim3A_1685 = vector.shape_cast %reduce_min3A_1684 : vector<32xi32> to vector<32x1xi32>
    %eq3A_1686 = vector.broadcast %broadcast_in_dim3A_1685 : vector<32x1xi32> to vector<32x16xi32>
    %eq3A_1687 = arith.cmpi eq, %iota3A_99, %eq3A_1686 : vector<32x16xi32>
    %jit3A_1688 = arith.constant 0xFF800000 : f32
    %broadcast_in_dim3A_1689 = vector.broadcast %jit3A_1688 : f32 to vector<32x16xf32>
    %select_n3A_1690 = arith.select %eq3A_1687, %broadcast_in_dim3A_1689, %reduce_sum3A_1674 : vector<32x16xi1>, vector<32x16xf32>
    %jit3A_1691 = arith.constant 0.000000e+00 : f32
    %broadcast_in_dim3A_1692 = vector.broadcast %jit3A_1691 : f32 to vector<32x16xf32>
    %select_n3A_1693 = arith.select %eq3A_1687, %convert_element_type3A, %broadcast_in_dim3A_1692 : vector<32x16xi1>, vector<32x16xf32>
    %reduce_sum3A_1694 = arith.constant dense<0.000000e+00> : vector<32xf32>
    %reduce_sum3A_1695 = vector.multi_reduction <add>, %select_n3A_1693, %reduce_sum3A_1694 [1] : vector<32x16xf32> to vector<32xf32>
    %broadcast_in_dim3A_1696 = vector.shape_cast %reduce_sum3A_1695 : vector<32xf32> to vector<32x1xf32>
    %convert_element_type3A_1697 = arith.fptosi %broadcast_in_dim3A_1696 : vector<32x1xf32> to vector<32x1xi32>
    %add3A_1698 = arith.addi %mul3A_1665, %convert_element_type3A_1697 : vector<32x1xi32>
    %reduce_max3A_1699 = arith.constant dense<0xFF800000> : vector<32xf32>
    %reduce_max3A_1700 = vector.multi_reduction <maximumf>, %select_n3A_1690, %reduce_max3A_1699 [1] : vector<32x16xf32> to vector<32xf32>
    %broadcast_in_dim3A_1701 = vector.shape_cast %reduce_max3A_1700 : vector<32xf32> to vector<32x1xf32>
    %ge3A_1702 = vector.broadcast %broadcast_in_dim3A_1701 : vector<32x1xf32> to vector<32x16xf32>
    %ge3A_1703 = arith.cmpf oge, %select_n3A_1690, %ge3A_1702 : vector<32x16xf32>
    %jit3A_1704 = arith.constant 16 : i32
    %broadcast_in_dim3A_1705 = vector.broadcast %jit3A_1704 : i32 to vector<32x16xi32>
    %select_n3A_1706 = arith.select %ge3A_1703, %iota3A_99, %broadcast_in_dim3A_1705 : vector<32x16xi1>, vector<32x16xi32>
    %reduce_min3A_1707 = arith.constant dense<2147483647> : vector<32xi32>
    %reduce_min3A_1708 = vector.multi_reduction <minsi>, %select_n3A_1706, %reduce_min3A_1707 [1] : vector<32x16xi32> to vector<32xi32>
    %broadcast_in_dim3A_1709 = vector.shape_cast %reduce_min3A_1708 : vector<32xi32> to vector<32x1xi32>
    %eq3A_1710 = vector.broadcast %broadcast_in_dim3A_1709 : vector<32x1xi32> to vector<32x16xi32>
    %eq3A_1711 = arith.cmpi eq, %iota3A_99, %eq3A_1710 : vector<32x16xi32>
    %jit3A_1712 = arith.constant 0xFF800000 : f32
    %broadcast_in_dim3A_1713 = vector.broadcast %jit3A_1712 : f32 to vector<32x16xf32>
    %select_n3A_1714 = arith.select %eq3A_1711, %broadcast_in_dim3A_1713, %select_n3A_1690 : vector<32x16xi1>, vector<32x16xf32>
    %jit3A_1715 = arith.constant 0.000000e+00 : f32
    %broadcast_in_dim3A_1716 = vector.broadcast %jit3A_1715 : f32 to vector<32x16xf32>
    %select_n3A_1717 = arith.select %eq3A_1711, %convert_element_type3A, %broadcast_in_dim3A_1716 : vector<32x16xi1>, vector<32x16xf32>
    %reduce_sum3A_1718 = arith.constant dense<0.000000e+00> : vector<32xf32>
    %reduce_sum3A_1719 = vector.multi_reduction <add>, %select_n3A_1717, %reduce_sum3A_1718 [1] : vector<32x16xf32> to vector<32xf32>
    %broadcast_in_dim3A_1720 = vector.shape_cast %reduce_sum3A_1719 : vector<32xf32> to vector<32x1xf32>
    %convert_element_type3A_1721 = arith.fptosi %broadcast_in_dim3A_1720 : vector<32x1xf32> to vector<32x1xi32>
    %add3A_1722 = arith.addi %mul3A_1665, %convert_element_type3A_1721 : vector<32x1xi32>
    %reduce_max3A_1723 = arith.constant dense<0xFF800000> : vector<32xf32>
    %reduce_max3A_1724 = vector.multi_reduction <maximumf>, %select_n3A_1714, %reduce_max3A_1723 [1] : vector<32x16xf32> to vector<32xf32>
    %broadcast_in_dim3A_1725 = vector.shape_cast %reduce_max3A_1724 : vector<32xf32> to vector<32x1xf32>
    %ge3A_1726 = vector.broadcast %broadcast_in_dim3A_1725 : vector<32x1xf32> to vector<32x16xf32>
    %ge3A_1727 = arith.cmpf oge, %select_n3A_1714, %ge3A_1726 : vector<32x16xf32>
    %jit3A_1728 = arith.constant 16 : i32
    %broadcast_in_dim3A_1729 = vector.broadcast %jit3A_1728 : i32 to vector<32x16xi32>
    %select_n3A_1730 = arith.select %ge3A_1727, %iota3A_99, %broadcast_in_dim3A_1729 : vector<32x16xi1>, vector<32x16xi32>
    %reduce_min3A_1731 = arith.constant dense<2147483647> : vector<32xi32>
    %reduce_min3A_1732 = vector.multi_reduction <minsi>, %select_n3A_1730, %reduce_min3A_1731 [1] : vector<32x16xi32> to vector<32xi32>
    %broadcast_in_dim3A_1733 = vector.shape_cast %reduce_min3A_1732 : vector<32xi32> to vector<32x1xi32>
    %eq3A_1734 = vector.broadcast %broadcast_in_dim3A_1733 : vector<32x1xi32> to vector<32x16xi32>
    %eq3A_1735 = arith.cmpi eq, %iota3A_99, %eq3A_1734 : vector<32x16xi32>
    %jit3A_1736 = arith.constant 0xFF800000 : f32
    %broadcast_in_dim3A_1737 = vector.broadcast %jit3A_1736 : f32 to vector<32x16xf32>
    %select_n3A_1738 = arith.select %eq3A_1735, %broadcast_in_dim3A_1737, %select_n3A_1714 : vector<32x16xi1>, vector<32x16xf32>
    %jit3A_1739 = arith.constant 0.000000e+00 : f32
    %broadcast_in_dim3A_1740 = vector.broadcast %jit3A_1739 : f32 to vector<32x16xf32>
    %select_n3A_1741 = arith.select %eq3A_1735, %convert_element_type3A, %broadcast_in_dim3A_1740 : vector<32x16xi1>, vector<32x16xf32>
    %reduce_sum3A_1742 = arith.constant dense<0.000000e+00> : vector<32xf32>
    %reduce_sum3A_1743 = vector.multi_reduction <add>, %select_n3A_1741, %reduce_sum3A_1742 [1] : vector<32x16xf32> to vector<32xf32>
    %broadcast_in_dim3A_1744 = vector.shape_cast %reduce_sum3A_1743 : vector<32xf32> to vector<32x1xf32>
    %convert_element_type3A_1745 = arith.fptosi %broadcast_in_dim3A_1744 : vector<32x1xf32> to vector<32x1xi32>
    %add3A_1746 = arith.addi %mul3A_1665, %convert_element_type3A_1745 : vector<32x1xi32>
    %reduce_max3A_1747 = arith.constant dense<0xFF800000> : vector<32xf32>
    %reduce_max3A_1748 = vector.multi_reduction <maximumf>, %select_n3A_1738, %reduce_max3A_1747 [1] : vector<32x16xf32> to vector<32xf32>
    %broadcast_in_dim3A_1749 = vector.shape_cast %reduce_max3A_1748 : vector<32xf32> to vector<32x1xf32>
    %ge3A_1750 = vector.broadcast %broadcast_in_dim3A_1749 : vector<32x1xf32> to vector<32x16xf32>
    %ge3A_1751 = arith.cmpf oge, %select_n3A_1738, %ge3A_1750 : vector<32x16xf32>
    %jit3A_1752 = arith.constant 16 : i32
    %broadcast_in_dim3A_1753 = vector.broadcast %jit3A_1752 : i32 to vector<32x16xi32>
    %select_n3A_1754 = arith.select %ge3A_1751, %iota3A_99, %broadcast_in_dim3A_1753 : vector<32x16xi1>, vector<32x16xi32>
    %reduce_min3A_1755 = arith.constant dense<2147483647> : vector<32xi32>
    %reduce_min3A_1756 = vector.multi_reduction <minsi>, %select_n3A_1754, %reduce_min3A_1755 [1] : vector<32x16xi32> to vector<32xi32>
    %broadcast_in_dim3A_1757 = vector.shape_cast %reduce_min3A_1756 : vector<32xi32> to vector<32x1xi32>
    %eq3A_1758 = vector.broadcast %broadcast_in_dim3A_1757 : vector<32x1xi32> to vector<32x16xi32>
    %eq3A_1759 = arith.cmpi eq, %iota3A_99, %eq3A_1758 : vector<32x16xi32>
    %jit3A_1760 = arith.constant 0xFF800000 : f32
    %broadcast_in_dim3A_1761 = vector.broadcast %jit3A_1760 : f32 to vector<32x16xf32>
    %select_n3A_1762 = arith.select %eq3A_1759, %broadcast_in_dim3A_1761, %select_n3A_1738 : vector<32x16xi1>, vector<32x16xf32>
    %jit3A_1763 = arith.constant 0.000000e+00 : f32
    %broadcast_in_dim3A_1764 = vector.broadcast %jit3A_1763 : f32 to vector<32x16xf32>
    %select_n3A_1765 = arith.select %eq3A_1759, %convert_element_type3A, %broadcast_in_dim3A_1764 : vector<32x16xi1>, vector<32x16xf32>
    %reduce_sum3A_1766 = arith.constant dense<0.000000e+00> : vector<32xf32>
    %reduce_sum3A_1767 = vector.multi_reduction <add>, %select_n3A_1765, %reduce_sum3A_1766 [1] : vector<32x16xf32> to vector<32xf32>
    %broadcast_in_dim3A_1768 = vector.shape_cast %reduce_sum3A_1767 : vector<32xf32> to vector<32x1xf32>
    %convert_element_type3A_1769 = arith.fptosi %broadcast_in_dim3A_1768 : vector<32x1xf32> to vector<32x1xi32>
    %add3A_1770 = arith.addi %mul3A_1665, %convert_element_type3A_1769 : vector<32x1xi32>
    %reduce_max3A_1771 = arith.constant dense<0xFF800000> : vector<32xf32>
    %reduce_max3A_1772 = vector.multi_reduction <maximumf>, %select_n3A_1762, %reduce_max3A_1771 [1] : vector<32x16xf32> to vector<32xf32>
    %broadcast_in_dim3A_1773 = vector.shape_cast %reduce_max3A_1772 : vector<32xf32> to vector<32x1xf32>
    %ge3A_1774 = vector.broadcast %broadcast_in_dim3A_1773 : vector<32x1xf32> to vector<32x16xf32>
    %ge3A_1775 = arith.cmpf oge, %select_n3A_1762, %ge3A_1774 : vector<32x16xf32>
    %jit3A_1776 = arith.constant 16 : i32
    %broadcast_in_dim3A_1777 = vector.broadcast %jit3A_1776 : i32 to vector<32x16xi32>
    %select_n3A_1778 = arith.select %ge3A_1775, %iota3A_99, %broadcast_in_dim3A_1777 : vector<32x16xi1>, vector<32x16xi32>
    %reduce_min3A_1779 = arith.constant dense<2147483647> : vector<32xi32>
    %reduce_min3A_1780 = vector.multi_reduction <minsi>, %select_n3A_1778, %reduce_min3A_1779 [1] : vector<32x16xi32> to vector<32xi32>
    %broadcast_in_dim3A_1781 = vector.shape_cast %reduce_min3A_1780 : vector<32xi32> to vector<32x1xi32>
    %eq3A_1782 = vector.broadcast %broadcast_in_dim3A_1781 : vector<32x1xi32> to vector<32x16xi32>
    %eq3A_1783 = arith.cmpi eq, %iota3A_99, %eq3A_1782 : vector<32x16xi32>
    %jit3A_1784 = arith.constant 0xFF800000 : f32
    %broadcast_in_dim3A_1785 = vector.broadcast %jit3A_1784 : f32 to vector<32x16xf32>
    %select_n3A_1786 = arith.select %eq3A_1783, %broadcast_in_dim3A_1785, %select_n3A_1762 : vector<32x16xi1>, vector<32x16xf32>
    %jit3A_1787 = arith.constant 0.000000e+00 : f32
    %broadcast_in_dim3A_1788 = vector.broadcast %jit3A_1787 : f32 to vector<32x16xf32>
    %select_n3A_1789 = arith.select %eq3A_1783, %convert_element_type3A, %broadcast_in_dim3A_1788 : vector<32x16xi1>, vector<32x16xf32>
    %reduce_sum3A_1790 = arith.constant dense<0.000000e+00> : vector<32xf32>
    %reduce_sum3A_1791 = vector.multi_reduction <add>, %select_n3A_1789, %reduce_sum3A_1790 [1] : vector<32x16xf32> to vector<32xf32>
    %broadcast_in_dim3A_1792 = vector.shape_cast %reduce_sum3A_1791 : vector<32xf32> to vector<32x1xf32>
    %convert_element_type3A_1793 = arith.fptosi %broadcast_in_dim3A_1792 : vector<32x1xf32> to vector<32x1xi32>
    %add3A_1794 = arith.addi %mul3A_1665, %convert_element_type3A_1793 : vector<32x1xi32>
    %reduce_max3A_1795 = arith.constant dense<0xFF800000> : vector<32xf32>
    %reduce_max3A_1796 = vector.multi_reduction <maximumf>, %select_n3A_1786, %reduce_max3A_1795 [1] : vector<32x16xf32> to vector<32xf32>
    %broadcast_in_dim3A_1797 = vector.shape_cast %reduce_max3A_1796 : vector<32xf32> to vector<32x1xf32>
    %ge3A_1798 = vector.broadcast %broadcast_in_dim3A_1797 : vector<32x1xf32> to vector<32x16xf32>
    %ge3A_1799 = arith.cmpf oge, %select_n3A_1786, %ge3A_1798 : vector<32x16xf32>
    %jit3A_1800 = arith.constant 16 : i32
    %broadcast_in_dim3A_1801 = vector.broadcast %jit3A_1800 : i32 to vector<32x16xi32>
    %select_n3A_1802 = arith.select %ge3A_1799, %iota3A_99, %broadcast_in_dim3A_1801 : vector<32x16xi1>, vector<32x16xi32>
    %reduce_min3A_1803 = arith.constant dense<2147483647> : vector<32xi32>
    %reduce_min3A_1804 = vector.multi_reduction <minsi>, %select_n3A_1802, %reduce_min3A_1803 [1] : vector<32x16xi32> to vector<32xi32>
    %broadcast_in_dim3A_1805 = vector.shape_cast %reduce_min3A_1804 : vector<32xi32> to vector<32x1xi32>
    %eq3A_1806 = vector.broadcast %broadcast_in_dim3A_1805 : vector<32x1xi32> to vector<32x16xi32>
    %eq3A_1807 = arith.cmpi eq, %iota3A_99, %eq3A_1806 : vector<32x16xi32>
    %jit3A_1808 = arith.constant 0xFF800000 : f32
    %broadcast_in_dim3A_1809 = vector.broadcast %jit3A_1808 : f32 to vector<32x16xf32>
    %select_n3A_1810 = arith.select %eq3A_1807, %broadcast_in_dim3A_1809, %select_n3A_1786 : vector<32x16xi1>, vector<32x16xf32>
    %jit3A_1811 = arith.constant 0.000000e+00 : f32
    %broadcast_in_dim3A_1812 = vector.broadcast %jit3A_1811 : f32 to vector<32x16xf32>
    %select_n3A_1813 = arith.select %eq3A_1807, %convert_element_type3A, %broadcast_in_dim3A_1812 : vector<32x16xi1>, vector<32x16xf32>
    %reduce_sum3A_1814 = arith.constant dense<0.000000e+00> : vector<32xf32>
    %reduce_sum3A_1815 = vector.multi_reduction <add>, %select_n3A_1813, %reduce_sum3A_1814 [1] : vector<32x16xf32> to vector<32xf32>
    %broadcast_in_dim3A_1816 = vector.shape_cast %reduce_sum3A_1815 : vector<32xf32> to vector<32x1xf32>
    %convert_element_type3A_1817 = arith.fptosi %broadcast_in_dim3A_1816 : vector<32x1xf32> to vector<32x1xi32>
    %add3A_1818 = arith.addi %mul3A_1665, %convert_element_type3A_1817 : vector<32x1xi32>
    %reduce_max3A_1819 = arith.constant dense<0xFF800000> : vector<32xf32>
    %reduce_max3A_1820 = vector.multi_reduction <maximumf>, %select_n3A_1810, %reduce_max3A_1819 [1] : vector<32x16xf32> to vector<32xf32>
    %broadcast_in_dim3A_1821 = vector.shape_cast %reduce_max3A_1820 : vector<32xf32> to vector<32x1xf32>
    %ge3A_1822 = vector.broadcast %broadcast_in_dim3A_1821 : vector<32x1xf32> to vector<32x16xf32>
    %ge3A_1823 = arith.cmpf oge, %select_n3A_1810, %ge3A_1822 : vector<32x16xf32>
    %jit3A_1824 = arith.constant 16 : i32
    %broadcast_in_dim3A_1825 = vector.broadcast %jit3A_1824 : i32 to vector<32x16xi32>
    %select_n3A_1826 = arith.select %ge3A_1823, %iota3A_99, %broadcast_in_dim3A_1825 : vector<32x16xi1>, vector<32x16xi32>
    %reduce_min3A_1827 = arith.constant dense<2147483647> : vector<32xi32>
    %reduce_min3A_1828 = vector.multi_reduction <minsi>, %select_n3A_1826, %reduce_min3A_1827 [1] : vector<32x16xi32> to vector<32xi32>
    %broadcast_in_dim3A_1829 = vector.shape_cast %reduce_min3A_1828 : vector<32xi32> to vector<32x1xi32>
    %eq3A_1830 = vector.broadcast %broadcast_in_dim3A_1829 : vector<32x1xi32> to vector<32x16xi32>
    %eq3A_1831 = arith.cmpi eq, %iota3A_99, %eq3A_1830 : vector<32x16xi32>
    %jit3A_1832 = arith.constant 0xFF800000 : f32
    %broadcast_in_dim3A_1833 = vector.broadcast %jit3A_1832 : f32 to vector<32x16xf32>
    %select_n3A_1834 = arith.select %eq3A_1831, %broadcast_in_dim3A_1833, %select_n3A_1810 : vector<32x16xi1>, vector<32x16xf32>
    %jit3A_1835 = arith.constant 0.000000e+00 : f32
    %broadcast_in_dim3A_1836 = vector.broadcast %jit3A_1835 : f32 to vector<32x16xf32>
    %select_n3A_1837 = arith.select %eq3A_1831, %convert_element_type3A, %broadcast_in_dim3A_1836 : vector<32x16xi1>, vector<32x16xf32>
    %reduce_sum3A_1838 = arith.constant dense<0.000000e+00> : vector<32xf32>
    %reduce_sum3A_1839 = vector.multi_reduction <add>, %select_n3A_1837, %reduce_sum3A_1838 [1] : vector<32x16xf32> to vector<32xf32>
    %broadcast_in_dim3A_1840 = vector.shape_cast %reduce_sum3A_1839 : vector<32xf32> to vector<32x1xf32>
    %convert_element_type3A_1841 = arith.fptosi %broadcast_in_dim3A_1840 : vector<32x1xf32> to vector<32x1xi32>
    %add3A_1842 = arith.addi %mul3A_1665, %convert_element_type3A_1841 : vector<32x1xi32>
    %reduce_max3A_1843 = arith.constant dense<0xFF800000> : vector<32xf32>
    %reduce_max3A_1844 = vector.multi_reduction <maximumf>, %select_n3A_1834, %reduce_max3A_1843 [1] : vector<32x16xf32> to vector<32xf32>
    %broadcast_in_dim3A_1845 = vector.shape_cast %reduce_max3A_1844 : vector<32xf32> to vector<32x1xf32>
    %ge3A_1846 = vector.broadcast %broadcast_in_dim3A_1845 : vector<32x1xf32> to vector<32x16xf32>
    %ge3A_1847 = arith.cmpf oge, %select_n3A_1834, %ge3A_1846 : vector<32x16xf32>
    %jit3A_1848 = arith.constant 16 : i32
    %broadcast_in_dim3A_1849 = vector.broadcast %jit3A_1848 : i32 to vector<32x16xi32>
    %select_n3A_1850 = arith.select %ge3A_1847, %iota3A_99, %broadcast_in_dim3A_1849 : vector<32x16xi1>, vector<32x16xi32>
    %reduce_min3A_1851 = arith.constant dense<2147483647> : vector<32xi32>
    %reduce_min3A_1852 = vector.multi_reduction <minsi>, %select_n3A_1850, %reduce_min3A_1851 [1] : vector<32x16xi32> to vector<32xi32>
    %broadcast_in_dim3A_1853 = vector.shape_cast %reduce_min3A_1852 : vector<32xi32> to vector<32x1xi32>
    %eq3A_1854 = vector.broadcast %broadcast_in_dim3A_1853 : vector<32x1xi32> to vector<32x16xi32>
    %eq3A_1855 = arith.cmpi eq, %iota3A_99, %eq3A_1854 : vector<32x16xi32>
    %jit3A_1856 = arith.constant 0.000000e+00 : f32
    %broadcast_in_dim3A_1857 = vector.broadcast %jit3A_1856 : f32 to vector<32x16xf32>
    %select_n3A_1858 = arith.select %eq3A_1855, %convert_element_type3A, %broadcast_in_dim3A_1857 : vector<32x16xi1>, vector<32x16xf32>
    %reduce_sum3A_1859 = arith.constant dense<0.000000e+00> : vector<32xf32>
    %reduce_sum3A_1860 = vector.multi_reduction <add>, %select_n3A_1858, %reduce_sum3A_1859 [1] : vector<32x16xf32> to vector<32xf32>
    %broadcast_in_dim3A_1861 = vector.shape_cast %reduce_sum3A_1860 : vector<32xf32> to vector<32x1xf32>
    %convert_element_type3A_1862 = arith.fptosi %broadcast_in_dim3A_1861 : vector<32x1xf32> to vector<32x1xi32>
    %add3A_1863 = arith.addi %mul3A_1665, %convert_element_type3A_1862 : vector<32x1xi32>
    %concatenate3A = tpu.concatenate %add3A_232, %add3A_263, %add3A_287, %add3A_311, %add3A_335, %add3A_359, %add3A_383, %add3A_407, %add3A_428, %add3A_436, %add3A_468, %add3A_492, %add3A_516, %add3A_540, %add3A_564, %add3A_588, %add3A_612, %add3A_633, %add3A_641, %add3A_673, %add3A_697, %add3A_721, %add3A_745, %add3A_769, %add3A_793, %add3A_817, %add3A_838, %add3A_846, %add3A_878, %add3A_902, %add3A_926, %add3A_950, %add3A_974, %add3A_998, %add3A_1022, %add3A_1043, %add3A_1051, %add3A_1083, %add3A_1107, %add3A_1131, %add3A_1155, %add3A_1179, %add3A_1203, %add3A_1227, %add3A_1248, %add3A_1256, %add3A_1288, %add3A_1312, %add3A_1336, %add3A_1360, %add3A_1384, %add3A_1408, %add3A_1432, %add3A_1453, %add3A_1461, %add3A_1493, %add3A_1517, %add3A_1541, %add3A_1565, %add3A_1589, %add3A_1613, %add3A_1637, %add3A_1658, %add3A_1666, %add3A_1698, %add3A_1722, %add3A_1746, %add3A_1770, %add3A_1794, %add3A_1818, %add3A_1842, %add3A_1863 in 1 : vector<32x1xi32>, vector<32x1xi32>, vector<32x1xi32>, vector<32x1xi32>, vector<32x1xi32>, vector<32x1xi32>, vector<32x1xi32>, vector<32x1xi32>, vector<32x1xi32>, vector<32x1xi32>, vector<32x1xi32>, vector<32x1xi32>, vector<32x1xi32>, vector<32x1xi32>, vector<32x1xi32>, vector<32x1xi32>, vector<32x1xi32>, vector<32x1xi32>, vector<32x1xi32>, vector<32x1xi32>, vector<32x1xi32>, vector<32x1xi32>, vector<32x1xi32>, vector<32x1xi32>, vector<32x1xi32>, vector<32x1xi32>, vector<32x1xi32>, vector<32x1xi32>, vector<32x1xi32>, vector<32x1xi32>, vector<32x1xi32>, vector<32x1xi32>, vector<32x1xi32>, vector<32x1xi32>, vector<32x1xi32>, vector<32x1xi32>, vector<32x1xi32>, vector<32x1xi32>, vector<32x1xi32>, vector<32x1xi32>, vector<32x1xi32>, vector<32x1xi32>, vector<32x1xi32>, vector<32x1xi32>, vector<32x1xi32>, vector<32x1xi32>, vector<32x1xi32>, vector<32x1xi32>, vector<32x1xi32>, vector<32x1xi32>, vector<32x1xi32>, vector<32x1xi32>, vector<32x1xi32>, vector<32x1xi32>, vector<32x1xi32>, vector<32x1xi32>, vector<32x1xi32>, vector<32x1xi32>, vector<32x1xi32>, vector<32x1xi32>, vector<32x1xi32>, vector<32x1xi32>, vector<32x1xi32>, vector<32x1xi32>, vector<32x1xi32>, vector<32x1xi32>, vector<32x1xi32>, vector<32x1xi32>, vector<32x1xi32>, vector<32x1xi32>, vector<32x1xi32>, vector<32x1xi32> -> vector<32x72xi32>
    %swap3A = arith.constant 0 : index
    %swap3A_1864 = arith.constant 0 : index
    %swap3A_1865 = arith.constant 0 : index
    %swap3A_1866 = vector.load %arg11[%swap3A, %swap3A_1864, %swap3A_1865] : memref<1x32x72xi32, #tpu.memory_space<vmem>>, vector<1x32x72xi32>
    %swap3A_1867 = vector.shape_cast %swap3A_1866 : vector<1x32x72xi32> to vector<32x72xi32>
    %swap3A_1868 = vector.shape_cast %concatenate3A : vector<32x72xi32> to vector<1x32x72xi32>
    tpu.vector_store %arg11[%swap3A, %swap3A_1864, %swap3A_1865], %swap3A_1868 {strides = array<i32>} : memref<1x32x72xi32, #tpu.memory_space<vmem>>, vector<1x32x72xi32>,
    return
  }
  func.func @transform_0(%arg0: i32) -> (i32, i32, i32, i32) {
    %c0_i32 = arith.constant 0 : i32
    %c0_i32_0 = arith.constant 0 : i32
    %c0_i32_1 = arith.constant 0 : i32
    %c0_i32_2 = arith.constant 0 : i32
    return %arg0, %c0_i32, %c0_i32_0, %c0_i32_1 : i32, i32, i32, i32
  }
  func.func @transform_1(%arg0: i32) -> (i32, i32, i32, i32) {
    %c0_i32 = arith.constant 0 : i32
    %c0_i32_0 = arith.constant 0 : i32
    %c0_i32_1 = arith.constant 0 : i32
    %c0_i32_2 = arith.constant 0 : i32
    return %arg0, %c0_i32, %c0_i32_0, %c0_i32_1 : i32, i32, i32, i32
  }
  func.func @transform_2(%arg0: i32) -> (i32, i32) {
    %c0_i32 = arith.constant 0 : i32
    %c0_i32_0 = arith.constant 0 : i32
    %c0_i32_1 = arith.constant 0 : i32
    return %c0_i32, %c0_i32_0 : i32, i32
  }
  func.func @transform_3(%arg0: i32) -> (i32, i32) {
    %c0_i32 = arith.constant 0 : i32
    %c0_i32_0 = arith.constant 0 : i32
    %c0_i32_1 = arith.constant 0 : i32
    return %c0_i32, %c0_i32_0 : i32, i32
  }
  func.func @transform_4(%arg0: i32) -> (i32, i32) {
    %c0_i32 = arith.constant 0 : i32
    %c0_i32_0 = arith.constant 0 : i32
    %c0_i32_1 = arith.constant 0 : i32
    return %c0_i32, %c0_i32_0 : i32, i32
  }
  func.func @transform_5(%arg0: i32) -> (i32, i32) {
    %c0_i32 = arith.constant 0 : i32
    %c0_i32_0 = arith.constant 0 : i32
    %c0_i32_1 = arith.constant 0 : i32
    return %c0_i32, %c0_i32_0 : i32, i32
  }
  func.func @transform_6(%arg0: i32) -> (i32, i32) {
    %c0_i32 = arith.constant 0 : i32
    %c0_i32_0 = arith.constant 0 : i32
    %c0_i32_1 = arith.constant 0 : i32
    return %c0_i32, %c0_i32_0 : i32, i32
  }
  func.func @transform_7(%arg0: i32) -> (i32, i32, i32, i32) {
    %c0_i32 = arith.constant 0 : i32
    %c0_i32_0 = arith.constant 0 : i32
    %c0_i32_1 = arith.constant 0 : i32
    %c0_i32_2 = arith.constant 0 : i32
    return %arg0, %c0_i32, %c0_i32_0, %c0_i32_1 : i32, i32, i32, i32
  }
  func.func @transform_8(%arg0: i32) -> (i32, i32, i32) {
    %c0_i32 = arith.constant 0 : i32
    %c0_i32_0 = arith.constant 0 : i32
    %c0_i32_1 = arith.constant 0 : i32
    return %arg0, %c0_i32, %c0_i32_0 : i32, i32, i32
  }
  func.func @transform_9(%arg0: i32) -> (i32, i32, i32) {
    %c0_i32 = arith.constant 0 : i32
    %c0_i32_0 = arith.constant 0 : i32
    %c0_i32_1 = arith.constant 0 : i32
    return %arg0, %c0_i32, %c0_i32_0 : i32, i32, i32
  }
  func.func @transform_10(%arg0: i32) -> (i32, i32, i32) {
    %c0_i32 = arith.constant 0 : i32
    %c0_i32_0 = arith.constant 0 : i32
    %c0_i32_1 = arith.constant 0 : i32
    return %arg0, %c0_i32, %c0_i32_0 : i32, i32, i32
  }
}

module attributes {stable_mosaic.version = 14 : i64} {
  func.func @_gnn_body(%arg0: i32, %arg1: memref<1x2304x64xf32, #tpu.memory_space<vmem>>, %arg2: memref<8x64xf32, #tpu.memory_space<vmem>>, %arg3: memref<1x64xf32, #tpu.memory_space<vmem>>, %arg4: memref<1x64xf32, #tpu.memory_space<vmem>>, %arg5: memref<64x64xf32, #tpu.memory_space<vmem>>, %arg6: memref<1x64xf32, #tpu.memory_space<vmem>>, %arg7: memref<64x64xf32, #tpu.memory_space<vmem>>, %arg8: memref<1x64xf32, #tpu.memory_space<vmem>>, %arg9: memref<64x64xf32, #tpu.memory_space<vmem>>, %arg10: memref<1x64xf32, #tpu.memory_space<vmem>>, %arg11: memref<1x32x192xf32, #tpu.memory_space<vmem>>) attributes {dimension_semantics = [#tpu.dimension_semantics<arbitrary>], iteration_bounds = array<i64: 32>, scalar_prefetch = 0 : i64, scratch_operands = 0 : i64, tpu.core_type = #tpu.core_type<tc>, window_params = [{transform_indices = @transform_0, window_bounds = array<i64: 1, 2304, 64>}, {pipeline_mode = #tpu.pipeline_mode<synchronous>, transform_indices = @transform_1, window_bounds = array<i64: 8, 64>}, {pipeline_mode = #tpu.pipeline_mode<synchronous>, transform_indices = @transform_2, window_bounds = array<i64: 1, 64>}, {pipeline_mode = #tpu.pipeline_mode<synchronous>, transform_indices = @transform_3, window_bounds = array<i64: 1, 64>}, {pipeline_mode = #tpu.pipeline_mode<synchronous>, transform_indices = @transform_4, window_bounds = array<i64: 64, 64>}, {pipeline_mode = #tpu.pipeline_mode<synchronous>, transform_indices = @transform_5, window_bounds = array<i64: 1, 64>}, {pipeline_mode = #tpu.pipeline_mode<synchronous>, transform_indices = @transform_6, window_bounds = array<i64: 64, 64>}, {pipeline_mode = #tpu.pipeline_mode<synchronous>, transform_indices = @transform_7, window_bounds = array<i64: 1, 64>}, {pipeline_mode = #tpu.pipeline_mode<synchronous>, transform_indices = @transform_8, window_bounds = array<i64: 64, 64>}, {pipeline_mode = #tpu.pipeline_mode<synchronous>, transform_indices = @transform_9, window_bounds = array<i64: 1, 64>}, {transform_indices = @transform_10, window_bounds = array<i64: 1, 32, 192>}]} {
    %get3A = arith.constant 0 : index
    %get3A_0 = arith.constant 0 : index
    %get3A_1 = vector.load %arg2[%get3A, %get3A_0] : memref<8x64xf32, #tpu.memory_space<vmem>>, vector<1x64xf32>
    %div3A = arith.constant 2.048000e+04 : f32
    %div3A_2 = vector.broadcast %div3A : f32 to vector<1x64xf32>
    %div3A_3 = arith.divf %get3A_1, %div3A_2 : vector<1x64xf32>
    %get3A_4 = arith.constant 1 : index
    %get3A_5 = arith.constant 0 : index
    %get3A_6 = vector.load %arg2[%get3A_4, %get3A_5] : memref<8x64xf32, #tpu.memory_space<vmem>>, vector<1x64xf32>
    %div3A_7 = arith.constant 2.048000e+04 : f32
    %div3A_8 = vector.broadcast %div3A_7 : f32 to vector<1x64xf32>
    %div3A_9 = arith.divf %get3A_6, %div3A_8 : vector<1x64xf32>
    %mul3A = arith.mulf %div3A_3, %div3A_3 : vector<1x64xf32>
    %sub3A = arith.subf %div3A_9, %mul3A : vector<1x64xf32>
    %add3A = arith.constant 9.99999974E-6 : f32
    %add3A_10 = vector.broadcast %add3A : f32 to vector<1x64xf32>
    %add3A_11 = arith.addf %sub3A, %add3A_10 : vector<1x64xf32>
    %sqrt3A = math.sqrt %add3A_11 : vector<1x64xf32>
    %get3A_12 = arith.constant 0 : index
    %get3A_13 = arith.constant 0 : index
    %get3A_14 = arith.constant 0 : index
    %get3A_15 = vector.load %arg1[%get3A_12, %get3A_13, %get3A_14] : memref<1x2304x64xf32, #tpu.memory_space<vmem>>, vector<1x2304x64xf32>
    %get3A_16 = vector.shape_cast %get3A_15 : vector<1x2304x64xf32> to vector<2304x64xf32>
    %sub3A_17 = vector.broadcast %div3A_3 : vector<1x64xf32> to vector<2304x64xf32>
    %sub3A_18 = arith.subf %get3A_16, %sub3A_17 : vector<2304x64xf32>
    %div3A_19 = vector.broadcast %sqrt3A : vector<1x64xf32> to vector<2304x64xf32>
    %div3A_20 = arith.divf %sub3A_18, %div3A_19 : vector<2304x64xf32>
    %get3A_21 = arith.constant 0 : index
    %get3A_22 = arith.constant 0 : index
    %get3A_23 = vector.load %arg3[%get3A_21, %get3A_22] : memref<1x64xf32, #tpu.memory_space<vmem>>, vector<1x64xf32>
    %mul3A_24 = vector.broadcast %get3A_23 : vector<1x64xf32> to vector<2304x64xf32>
    %mul3A_25 = arith.mulf %div3A_20, %mul3A_24 : vector<2304x64xf32>
    %get3A_26 = arith.constant 0 : index
    %get3A_27 = arith.constant 0 : index
    %get3A_28 = vector.load %arg4[%get3A_26, %get3A_27] : memref<1x64xf32, #tpu.memory_space<vmem>>, vector<1x64xf32>
    %add3A_29 = vector.broadcast %get3A_28 : vector<1x64xf32> to vector<2304x64xf32>
    %add3A_30 = arith.addf %mul3A_25, %add3A_29 : vector<2304x64xf32>
    %reshape3A = vector.shape_cast %add3A_30 : vector<2304x64xf32> to vector<32x72x64xf32>
    %reduce_sum3A = arith.constant dense<0.000000e+00> : vector<32x64xf32>
    %reduce_sum3A_31 = vector.multi_reduction <add>, %reshape3A, %reduce_sum3A [1] : vector<32x72x64xf32> to vector<32x64xf32>
    %broadcast_in_dim3A = vector.shape_cast %reduce_sum3A_31 : vector<32x64xf32> to vector<32x1x64xf32>
    %div3A_32 = arith.constant 7.200000e+01 : f32
    %div3A_33 = vector.broadcast %div3A_32 : f32 to vector<32x1x64xf32>
    %div3A_34 = arith.divf %broadcast_in_dim3A, %div3A_33 : vector<32x1x64xf32>
    %add3A_35 = vector.broadcast %div3A_34 : vector<32x1x64xf32> to vector<32x72x64xf32>
    %add3A_36 = arith.addf %reshape3A, %add3A_35 : vector<32x72x64xf32>
    %reshape3A_37 = vector.shape_cast %add3A_36 : vector<32x72x64xf32> to vector<2304x64xf32>
    %get3A_38 = arith.constant 0 : index
    %get3A_39 = arith.constant 0 : index
    %get3A_40 = vector.load %arg5[%get3A_38, %get3A_39] : memref<64x64xf32, #tpu.memory_space<vmem>>, vector<64x64xf32>
    %convert_element_type3A = arith.truncf %get3A_40 : vector<64x64xf32> to vector<64x64xbf16>
    %convert_element_type3A_41 = arith.extf %convert_element_type3A : vector<64x64xbf16> to vector<64x64xf32>
    %dot_general3A = arith.constant dense<0.000000e+00> : vector<2304x64xf32>
    %dot_general3A_42 = tpu.matmul %reshape3A_37, %convert_element_type3A_41, %dot_general3A {dimension_numbers = #tpu.dot_dimension_numbers<[1], [0], [0], [1], [0, 0, 1, 1], [], []>, transpose_lhs_hint = false} : vector<2304x64xf32>, vector<64x64xf32>, vector<2304x64xf32> -> vector<2304x64xf32>
    %get3A_43 = arith.constant 0 : index
    %get3A_44 = arith.constant 0 : index
    %get3A_45 = vector.load %arg6[%get3A_43, %get3A_44] : memref<1x64xf32, #tpu.memory_space<vmem>>, vector<1x64xf32>
    %add3A_46 = vector.broadcast %get3A_45 : vector<1x64xf32> to vector<2304x64xf32>
    %add3A_47 = arith.addf %dot_general3A_42, %add3A_46 : vector<2304x64xf32>
    %max3A = arith.constant 0.000000e+00 : f32
    %max3A_48 = vector.broadcast %max3A : f32 to vector<2304x64xf32>
    %max3A_49 = arith.maximumf %add3A_47, %max3A_48 : vector<2304x64xf32>
    %reshape3A_50 = vector.shape_cast %max3A_49 : vector<2304x64xf32> to vector<32x72x64xf32>
    %reduce_sum3A_51 = arith.constant dense<0.000000e+00> : vector<32x64xf32>
    %reduce_sum3A_52 = vector.multi_reduction <add>, %reshape3A_50, %reduce_sum3A_51 [1] : vector<32x72x64xf32> to vector<32x64xf32>
    %div3A_53 = arith.constant 7.200000e+01 : f32
    %div3A_54 = vector.broadcast %div3A_53 : f32 to vector<32x64xf32>
    %div3A_55 = arith.divf %reduce_sum3A_52, %div3A_54 : vector<32x64xf32>
    %reshape3A_56 = vector.shape_cast %max3A_49 : vector<2304x64xf32> to vector<32x72x64xf32>
    %reduce_sum3A_57 = arith.constant dense<0.000000e+00> : vector<32x64xf32>
    %reduce_sum3A_58 = vector.multi_reduction <add>, %reshape3A_56, %reduce_sum3A_57 [1] : vector<32x72x64xf32> to vector<32x64xf32>
    %broadcast_in_dim3A_59 = vector.shape_cast %reduce_sum3A_58 : vector<32x64xf32> to vector<32x1x64xf32>
    %div3A_60 = arith.constant 7.200000e+01 : f32
    %div3A_61 = vector.broadcast %div3A_60 : f32 to vector<32x1x64xf32>
    %div3A_62 = arith.divf %broadcast_in_dim3A_59, %div3A_61 : vector<32x1x64xf32>
    %add3A_63 = vector.broadcast %div3A_62 : vector<32x1x64xf32> to vector<32x72x64xf32>
    %add3A_64 = arith.addf %reshape3A_56, %add3A_63 : vector<32x72x64xf32>
    %reshape3A_65 = vector.shape_cast %add3A_64 : vector<32x72x64xf32> to vector<2304x64xf32>
    %get3A_66 = arith.constant 0 : index
    %get3A_67 = arith.constant 0 : index
    %get3A_68 = vector.load %arg7[%get3A_66, %get3A_67] : memref<64x64xf32, #tpu.memory_space<vmem>>, vector<64x64xf32>
    %convert_element_type3A_69 = arith.truncf %get3A_68 : vector<64x64xf32> to vector<64x64xbf16>
    %convert_element_type3A_70 = arith.extf %convert_element_type3A_69 : vector<64x64xbf16> to vector<64x64xf32>
    %dot_general3A_71 = arith.constant dense<0.000000e+00> : vector<2304x64xf32>
    %dot_general3A_72 = tpu.matmul %reshape3A_65, %convert_element_type3A_70, %dot_general3A_71 {dimension_numbers = #tpu.dot_dimension_numbers<[1], [0], [0], [1], [0, 0, 1, 1], [], []>, transpose_lhs_hint = false} : vector<2304x64xf32>, vector<64x64xf32>, vector<2304x64xf32> -> vector<2304x64xf32>
    %get3A_73 = arith.constant 0 : index
    %get3A_74 = arith.constant 0 : index
    %get3A_75 = vector.load %arg8[%get3A_73, %get3A_74] : memref<1x64xf32, #tpu.memory_space<vmem>>, vector<1x64xf32>
    %add3A_76 = vector.broadcast %get3A_75 : vector<1x64xf32> to vector<2304x64xf32>
    %add3A_77 = arith.addf %dot_general3A_72, %add3A_76 : vector<2304x64xf32>
    %max3A_78 = arith.constant 0.000000e+00 : f32
    %max3A_79 = vector.broadcast %max3A_78 : f32 to vector<2304x64xf32>
    %max3A_80 = arith.maximumf %add3A_77, %max3A_79 : vector<2304x64xf32>
    %reshape3A_81 = vector.shape_cast %max3A_80 : vector<2304x64xf32> to vector<32x72x64xf32>
    %reduce_sum3A_82 = arith.constant dense<0.000000e+00> : vector<32x64xf32>
    %reduce_sum3A_83 = vector.multi_reduction <add>, %reshape3A_81, %reduce_sum3A_82 [1] : vector<32x72x64xf32> to vector<32x64xf32>
    %div3A_84 = arith.constant 7.200000e+01 : f32
    %div3A_85 = vector.broadcast %div3A_84 : f32 to vector<32x64xf32>
    %div3A_86 = arith.divf %reduce_sum3A_83, %div3A_85 : vector<32x64xf32>
    %reshape3A_87 = vector.shape_cast %max3A_80 : vector<2304x64xf32> to vector<32x72x64xf32>
    %reduce_sum3A_88 = arith.constant dense<0.000000e+00> : vector<32x64xf32>
    %reduce_sum3A_89 = vector.multi_reduction <add>, %reshape3A_87, %reduce_sum3A_88 [1] : vector<32x72x64xf32> to vector<32x64xf32>
    %broadcast_in_dim3A_90 = vector.shape_cast %reduce_sum3A_89 : vector<32x64xf32> to vector<32x1x64xf32>
    %div3A_91 = arith.constant 7.200000e+01 : f32
    %div3A_92 = vector.broadcast %div3A_91 : f32 to vector<32x1x64xf32>
    %div3A_93 = arith.divf %broadcast_in_dim3A_90, %div3A_92 : vector<32x1x64xf32>
    %add3A_94 = vector.broadcast %div3A_93 : vector<32x1x64xf32> to vector<32x72x64xf32>
    %add3A_95 = arith.addf %reshape3A_87, %add3A_94 : vector<32x72x64xf32>
    %reshape3A_96 = vector.shape_cast %add3A_95 : vector<32x72x64xf32> to vector<2304x64xf32>
    %get3A_97 = arith.constant 0 : index
    %get3A_98 = arith.constant 0 : index
    %get3A_99 = vector.load %arg9[%get3A_97, %get3A_98] : memref<64x64xf32, #tpu.memory_space<vmem>>, vector<64x64xf32>
    %convert_element_type3A_100 = arith.truncf %get3A_99 : vector<64x64xf32> to vector<64x64xbf16>
    %convert_element_type3A_101 = arith.extf %convert_element_type3A_100 : vector<64x64xbf16> to vector<64x64xf32>
    %dot_general3A_102 = arith.constant dense<0.000000e+00> : vector<2304x64xf32>
    %dot_general3A_103 = tpu.matmul %reshape3A_96, %convert_element_type3A_101, %dot_general3A_102 {dimension_numbers = #tpu.dot_dimension_numbers<[1], [0], [0], [1], [0, 0, 1, 1], [], []>, transpose_lhs_hint = false} : vector<2304x64xf32>, vector<64x64xf32>, vector<2304x64xf32> -> vector<2304x64xf32>
    %get3A_104 = arith.constant 0 : index
    %get3A_105 = arith.constant 0 : index
    %get3A_106 = vector.load %arg10[%get3A_104, %get3A_105] : memref<1x64xf32, #tpu.memory_space<vmem>>, vector<1x64xf32>
    %add3A_107 = vector.broadcast %get3A_106 : vector<1x64xf32> to vector<2304x64xf32>
    %add3A_108 = arith.addf %dot_general3A_103, %add3A_107 : vector<2304x64xf32>
    %max3A_109 = arith.constant 0.000000e+00 : f32
    %max3A_110 = vector.broadcast %max3A_109 : f32 to vector<2304x64xf32>
    %max3A_111 = arith.maximumf %add3A_108, %max3A_110 : vector<2304x64xf32>
    %reshape3A_112 = vector.shape_cast %max3A_111 : vector<2304x64xf32> to vector<32x72x64xf32>
    %reduce_sum3A_113 = arith.constant dense<0.000000e+00> : vector<32x64xf32>
    %reduce_sum3A_114 = vector.multi_reduction <add>, %reshape3A_112, %reduce_sum3A_113 [1] : vector<32x72x64xf32> to vector<32x64xf32>
    %div3A_115 = arith.constant 7.200000e+01 : f32
    %div3A_116 = vector.broadcast %div3A_115 : f32 to vector<32x64xf32>
    %div3A_117 = arith.divf %reduce_sum3A_114, %div3A_116 : vector<32x64xf32>
    %concatenate3A = tpu.concatenate %div3A_55, %div3A_86, %div3A_117 in 1 : vector<32x64xf32>, vector<32x64xf32>, vector<32x64xf32> -> vector<32x192xf32>
    %swap3A = arith.constant 0 : index
    %swap3A_118 = arith.constant 0 : index
    %swap3A_119 = arith.constant 0 : index
    %swap3A_120 = vector.load %arg11[%swap3A, %swap3A_118, %swap3A_119] : memref<1x32x192xf32, #tpu.memory_space<vmem>>, vector<1x32x192xf32>
    %swap3A_121 = vector.shape_cast %swap3A_120 : vector<1x32x192xf32> to vector<32x192xf32>
    %swap3A_122 = vector.shape_cast %concatenate3A : vector<32x192xf32> to vector<1x32x192xf32>
    tpu.vector_store %arg11[%swap3A, %swap3A_118, %swap3A_119], %swap3A_122 {strides = array<i32>} : memref<1x32x192xf32, #tpu.memory_space<vmem>>, vector<1x32x192xf32>,
    return
  }
  func.func @transform_0(%arg0: i32) -> (i32, i32, i32) {
    %c0_i32 = arith.constant 0 : i32
    %c0_i32_0 = arith.constant 0 : i32
    %c0_i32_1 = arith.constant 0 : i32
    return %arg0, %c0_i32, %c0_i32_0 : i32, i32, i32
  }
  func.func @transform_1(%arg0: i32) -> (i32, i32) {
    %c0_i32 = arith.constant 0 : i32
    %c0_i32_0 = arith.constant 0 : i32
    %c0_i32_1 = arith.constant 0 : i32
    return %c0_i32, %c0_i32_0 : i32, i32
  }
  func.func @transform_2(%arg0: i32) -> (i32, i32) {
    %c0_i32 = arith.constant 0 : i32
    %c0_i32_0 = arith.constant 0 : i32
    %c0_i32_1 = arith.constant 0 : i32
    return %c0_i32, %c0_i32_0 : i32, i32
  }
  func.func @transform_3(%arg0: i32) -> (i32, i32) {
    %c0_i32 = arith.constant 0 : i32
    %c0_i32_0 = arith.constant 0 : i32
    %c0_i32_1 = arith.constant 0 : i32
    return %c0_i32, %c0_i32_0 : i32, i32
  }
  func.func @transform_4(%arg0: i32) -> (i32, i32) {
    %c0_i32 = arith.constant 0 : i32
    %c0_i32_0 = arith.constant 0 : i32
    %c0_i32_1 = arith.constant 0 : i32
    return %c0_i32, %c0_i32_0 : i32, i32
  }
  func.func @transform_5(%arg0: i32) -> (i32, i32) {
    %c0_i32 = arith.constant 0 : i32
    %c0_i32_0 = arith.constant 0 : i32
    %c0_i32_1 = arith.constant 0 : i32
    return %c0_i32, %c0_i32_0 : i32, i32
  }
  func.func @transform_6(%arg0: i32) -> (i32, i32) {
    %c0_i32 = arith.constant 0 : i32
    %c0_i32_0 = arith.constant 0 : i32
    %c0_i32_1 = arith.constant 0 : i32
    return %c0_i32, %c0_i32_0 : i32, i32
  }
  func.func @transform_7(%arg0: i32) -> (i32, i32) {
    %c0_i32 = arith.constant 0 : i32
    %c0_i32_0 = arith.constant 0 : i32
    %c0_i32_1 = arith.constant 0 : i32
    return %c0_i32, %c0_i32_0 : i32, i32
  }
  func.func @transform_8(%arg0: i32) -> (i32, i32) {
    %c0_i32 = arith.constant 0 : i32
    %c0_i32_0 = arith.constant 0 : i32
    %c0_i32_1 = arith.constant 0 : i32
    return %c0_i32, %c0_i32_0 : i32, i32
  }
  func.func @transform_9(%arg0: i32) -> (i32, i32) {
    %c0_i32 = arith.constant 0 : i32
    %c0_i32_0 = arith.constant 0 : i32
    %c0_i32_1 = arith.constant 0 : i32
    return %c0_i32, %c0_i32_0 : i32, i32
  }
  func.func @transform_10(%arg0: i32) -> (i32, i32, i32) {
    %c0_i32 = arith.constant 0 : i32
    %c0_i32_0 = arith.constant 0 : i32
    %c0_i32_1 = arith.constant 0 : i32
    return %arg0, %c0_i32, %c0_i32_0 : i32, i32, i32
  }
}

</mosaic_0001>

<sc_bundles>
// kernel: kernel.7.cloned.1.call-start
scs
__scs_entry_jumppad:
0x0: {  	(pc) =	sbr.rel $0x88, $3  }
0x1: {  	(tag) =	ssettag $0x0;
	lr =	simm.s32 $0x1  }
0x2: {  	[smem:$0x3F8C] =	sst lr;
	_ =	strace $0xD0000000  }
0x3: {  	_ = 	snop  }
0x4: {  	_ = 	snop  }
0x5: {  	_ = 	snop  }
0x6: {  	_ = 	snop  }
0x7: {  	_ = 	snop  }
__scs_overlays_trampoline_lowered:
0x8: {  	[smem:$0x3F9B] =	sst s0  }
0x9: {  	[smem:$0x3F9C] =	sst s1  }
0xa: {  	[smem:$0x3F9D] =	sst s2  }
0xb: {  	[smem:$0x3F9E] =	sst s3  }
0xc: {  	[smem:$0x3F9F] =	sst s4  }
0xd: {  	[smem:$0x3FA0] =	sst s5  }
0xe: {  	[smem:$0x3FA1] =	sst s6  }
0xf: {  	[smem:$0x3FA2] =	sst s7  }
0x10: {  	[smem:$0x3FA3] =	sst s8  }
0x11: {  	[smem:$0x3FA4] =	sst s9;
	s0 =	simm.s32 @!p0 $0x0  }
0x12: {  	s1 =	sld [smem:$0x3F8A];
	s0 =	simm.s32 @p0 $0x1  }
0x13: {  	[smem:$0x3FA5] =	sst s0;
	s0 =	simm.s32 @!p1 $0x0  }
0x14: {  	s2 =	sld [smem:$0x3F89];
	s0 =	simm.s32 @p1 $0x1  }
0x15: {  	[smem:$0x3FA6] =	sst s0;
	s0 =	simm.s32 @!p2 $0x0  }
0x16: {  	s3 =	sld [smem:$0x3FDB];
	s0 =	simm.s32 @p2 $0x1  }
0x17: {  	s4 =	simm.s32 $0x1BF5;
	[smem:$0x3FA8] =	sst s0  }
0x18: {  	s0 =	sld [smem:$0x3F8B];
	_ =	swait.ge [sflag:s4], $0x0  }
0x19: {  	s7 =	sld [smem:$0x3F8C]  }
0x1a: {  	s8 =	sadd.s32 $0xFFFFE003, lr  }
0x1b: {  	s9 =	sadd.s32 $0xFFFFFEF7, lr;
	s5 =	simm.s32 $0xFFFFFFFF;
	p2 =	slt.u32 s8, $0xFFFFF086  }
0x1c: {  	p1 =	slt.u32 s9, $0xF7A;
	s5 =	simm.s32 @!p2 $0x0  }
0x1d: {  	s5 =	simm.s32 @p1 $0x1;
	p0 =	seq.s32 s7, s2  }
0x1e: {  	s7 =	smul.u32 @!p0 $0xF7A, s2;
	p2 =	seq.s32 @!p0 s5, $0x0  }
0x1f: {  	s9 =	smul.u32 $0xF7A, s1;
	s8 =	simm.s32 @!p0 $0x1BF5;
	p2 =	por !p2, p0  }
0x20: {  	[sflag:s8] =	ssyncset.s32 @!p0 $0xFFFFF086;
	s6 =	sadd.s32 @!p0 s3, s7;
	s7 =	simm.s32 @!p0 $0x108  }
0x21: {  	s3 =	sadd.s32 s3, s9;
	s6 =	sadd.s32 @!p0 $0x88, s6;
	s7 =	simm.s32 @p2 $0x1082  }
0x22: {  	[simem:s7], [sflag:s8] =	dma.local @!p0 [hbm:s6], $0xF7A  }
0x23: {  	s9 =	sor.u32 $0xD0000000, s2;
	s6 =	simm.s32 $0x108;
	_ =	swait.ge @!p0 [sflag:s8], $0x0  }
0x24: {  	s3 =	sadd.s32 $0x88, s3;
	s6 =	simm.s32 @!p1 $0x1082;
	[sflag:s4] =	ssyncset.s32 $0xFFFFF086  }
0x25: {  	[simem:s6], [sflag:s4] =	dma.local [hbm:s3], $0xF7A  }
0x26: {  	[smem:$0x3F8C] =	sst s1;
	(tag) =	ssettag s2;
	_ =	strace s9  }
0x27: {  	s1 =	sld [smem:$0x3F9C]  }
0x28: {  	s2 =	sld [smem:$0x3F9D]  }
0x29: {  	s4 =	sld [smem:$0x3F9F]  }
0x2a: {  	p0 =	seq.s32 s5, $0x0;
	s5 =	sld [smem:$0x3FA0]  }
0x2b: {  	s6 =	sld [smem:$0x3FA1]  }
0x2c: {  	s7 =	sld [smem:$0x3FA2]  }
0x2d: {  	s3 =	simm.s32 $0x108;
	s8 =	sld [smem:$0x3FA3]  }
0x2e: {  	s3 =	simm.s32 @!p0 $0x1082;
	s9 =	sld [smem:$0x3FA4]  }
0x2f: {  	lr =	sadd.s32 s0, s3;
	s0 =	sld [smem:$0x3F9B]  }
0x30: {  	s3 =	sld [smem:$0x3F9E]  }
0x31: {  	[smem:$0x3FA7] =	sst s10  }
0x32: {  	s10 =	sld [smem:$0x3FA5];
	_ =	sdelay $0x3  }
0x33: {  	p0 =	seq.s32 s10, $0x1;
	s10 =	sld [smem:$0x3FA7];
	_ =	sdelay $0x3  }
0x34: {  	[smem:$0x3FA7] =	sst s10  }
0x35: {  	s10 =	sld [smem:$0x3FA6];
	_ =	sdelay $0x3  }
0x36: {  	p1 =	seq.s32 s10, $0x1;
	s10 =	sld [smem:$0x3FA7];
	_ =	sdelay $0x3  }
0x37: {  	[smem:$0x3FA7] =	sst s10  }
0x38: {  	s10 =	sld [smem:$0x3FA8]  }
0x39: {  	_ = 	snop;
	(pc) =	sbr.ind lr, $3  }
0x3a: {  	_ = 	snop  }
0x3b: {  	_ = 	snop  }
0x3c: {  	p2 =	seq.s32 s10, $0x1;
	s10 =	sld [smem:$0x3FA7]  }
0x3d: {  	_ =	shalt  }
0x3e: {  	_ =	shalt  }
0x3f: {  	_ =	shalt  }
0x40: {  	_ =	shalt  }
0x41: {  	_ =	shalt  }
0x42: {  	_ =	shalt  }
0x43: {  	_ =	shalt  }
0x44: {  	_ =	shalt  }
0x45: {  	_ =	shalt  }
0x46: {  	_ =	shalt  }
0x47: {  	_ =	shalt  }
0x48: {  	_ =	shalt  }
0x49: {  	_ =	shalt  }
0x4a: {  	_ =	shalt  }
0x4b: {  	_ =	shalt  }
0x4c: {  	_ =	shalt  }
0x4d: {  	_ =	shalt  }
0x4e: {  	_ =	shalt  }
0x4f: {  	_ =	shalt  }
0x50: {  	_ =	shalt  }
0x51: {  	_ =	shalt  }
0x52: {  	_ =	shalt  }
0x53: {  	_ =	shalt  }
0x54: {  	_ =	shalt  }
0x55: {  	_ =	shalt  }
0x56: {  	_ =	shalt  }
0x57: {  	_ =	shalt  }
0x58: {  	_ =	shalt  }
0x59: {  	_ =	shalt  }
0x5a: {  	_ =	shalt  }
0x5b: {  	_ =	shalt  }
0x5c: {  	_ =	shalt  }
0x5d: {  	_ =	shalt  }
0x5e: {  	_ =	shalt  }
0x5f: {  	_ =	shalt  }
0x60: {  	_ =	shalt  }
0x61: {  	_ =	shalt  }
0x62: {  	_ =	shalt  }
0x63: {  	_ =	shalt  }
0x64: {  	_ =	shalt  }
0x65: {  	_ =	shalt  }
0x66: {  	_ =	shalt  }
0x67: {  	_ =	shalt  }
0x68: {  	_ =	shalt  }
0x69: {  	_ =	shalt  }
0x6a: {  	_ =	shalt  }
0x6b: {  	_ =	shalt  }
0x6c: {  	_ =	shalt  }
0x6d: {  	_ =	shalt  }
0x6e: {  	_ =	shalt  }
0x6f: {  	_ =	shalt  }
0x70: {  	_ =	shalt  }
0x71: {  	_ =	shalt  }
0x72: {  	_ =	shalt  }
0x73: {  	_ =	shalt  }
0x74: {  	_ =	shalt  }
0x75: {  	_ =	shalt  }
0x76: {  	_ =	shalt  }
0x77: {  	_ =	shalt  }
0x78: {  	_ =	shalt  }
0x79: {  	_ =	shalt  }
0x7a: {  	_ =	shalt  }
0x7b: {  	_ =	shalt  }
0x7c: {  	_ =	shalt  }
0x7d: {  	_ =	shalt  }
0x7e: {  	_ =	shalt  }
0x7f: {  	_ =	shalt  }
0x80: {  	_ =	shalt  }
0x81: {  	_ =	shalt  }
0x82: {  	_ =	shalt  }
0x83: {  	_ =	shalt  }
0x84: {  	_ =	shalt  }
0x85: {  	_ =	shalt  }
0x86: {  	_ =	shalt  }
0x87: {  	_ =	shalt  }
.Lfunc_end0:
.L_simem_size_0:
called_computation_lowered:
.L_overlay_start_0:
0x88: {  	s2 =	sld [smem:$0x3FD9]  }
0x89: {  	s3 =	sld [smem:$0x3FFE];
	_ =	sdelay $0x1  }
0x8a: {  	s1 =	srdreg.scid  }
0x8b: {  	s0 =	sand.u32 $0x1, s1  }
0x8c: {  	s17 =	sshll.u32 s0, $0xA;
	s2 =	sadd.s32 s3, s2  }
0x8d: {  	s2 =	sadd.s32 s2, s17  }
0x8e: {  	[smem:$0x3FB3] =	sst s2  }
0x8f: {  	_ = 	snop  }
0x90: {  	s2 =	sld [smem:$0x3FD0];
	(tm) =	ssettm $0x1  }
0x91: {  	s18 =	sld [smem:$0x3FFB];
	_ =	sdelay $0x3  }
0x92: {  	_ =	strace s18  }
0x93: {  	s3 =	sld [smem:$0x3FFC];
	_ =	sdelay $0x3  }
0x94: {  	_ =	strace s3  }
0x95: {  	s3 =	sld [smem:$0x3FFD];
	_ =	sdelay $0x3  }
0x96: {  	_ =	strace s3  }
0x97: {  	_ =	strace $0x8FFFFFFF  }
0x98: {  	s19 =	sld [smem:$0x3FDB];
	_ =	sdelay $0x1  }
0x99: {  	s4 =	simm.s32 $_scs_section_size  }
0x9a: {  	s5 =	simm.s32 $_size__tile_overlayer_lowered;
	s6 =	simm.s32 $_tile_overlayer_lowered  }
0x9b: {  	s22 =	simm.s32 $0x1BFF;
	s21 =	sshll.u32 s6, $0x1;
	s3 =	sadd.s32 s4, s19  }
0x9c: {  	s7 =	simm.s32 $0x0;
	s20 =	sshll.u32 s5, $0x1;
	s5 =	sadd.s32 s21, s3  }
0x9d: {  	[timem:s7], [sflag:s22] =	dma.local [hbm:s5], s20  }
0x9e: {  	_ =	swait.ge [sflag:s22], s20  }
0x9f: {  	s4 =	ssub.s32 $0x0, s20;
	[sflag:s22] =	ssyncset.done $0x0  }
0xa0: {  	[sflag:s22] =	ssyncadd.s32 s4;
	_ =	sdelay $0x1  }
0xa1: {  	s23 =	simm.s32 $0x1B8B  }
0xa2: {  	_ =	swait.ge [sflag:s23], $0x1  }
0xa3: {  	[sflag:s23] =	ssyncset.done $0x0  }
0xa4: {  	s25 =	simm.s32 $0x1B8E;
	s24 =	sld [smem:$0x3FFE];
	[sflag:s23] =	ssyncadd.s32 $0xFFFFFFFF  }
0xa5: {  	s26 =	simm.s32 $execute0_lowered;
	[smem:$0x3FD2] =	sst s25  }
0xa6: {  	s5 =	sshll.u32 s26, $0x1;
	_ =	strace $0x80000046;
	[dreg:$0x1] =	wrdreg $0xFFFFFFFF  }
0xa7: {  	s28 =	simm.s32 $_size_execute0_lowered;
	s3 =	sadd.s32 s3, s5;
	[dreg:$0x0] =	wrdreg $0x0  }
0xa8: {  	s5 =	sshll.u32 s28, $0x1;
	[dreg:$0x2] =	wrdreg s3  }
0xa9: {  	[dreg:$0x3] =	wrdreg s5  }
0xaa: {  	[dreg:$0x4] =	wrdreg $0xC0  }
0xab: {  	_ =	task [dreg:s7], $0x5FFFF  }
0xac: {  	[dreg:$0x1] =	wrdreg $0xFFFFFFFF  }
0xad: {  	[dreg:$0x0] =	wrdreg $0x60  }
0xae: {  	[dreg:$0x2] =	wrdreg s24  }
0xaf: {  	[dreg:$0x3] =	wrdreg s2  }
0xb0: {  	[dreg:$0x4] =	wrdreg $0x9  }
0xb1: {  	_ =	task.clear_ibuf [dreg:s7], $0x5FFFF;
	_ =	strace $0x90000046  }
0xb2: {  	s29 =	simm.s32 $0x9;
	_ =	strace $0x8000004F  }
0xb3: {  	_ =	swait.ge [sflag:s29], $0x1  }
0xb4: {  	[sflag:s29] =	ssyncadd.s32 $0xFFFFFFFF  }
0xb5: {  	_ =	strace $0x9000004F  }
0xb6: {  	_ =	sfence  }
0xb7: {  	s30 =	sld [smem:$0x0];
	_ =	sdelay $0x2  }
0xb8: {  	s31 =	sshll.u32 s1, $0xD;
	s1 =	sshrl.u32 s1, $0x2  }
0xb9: {  	s3 =	sand.u32 $0x4000, s31;
	s1 =	sadd.s32 s1, s30  }
0xba: {  	s0 =	sor.u32 s3, s0;
	s1 =	sshll.u32 s1, $0x11  }
0xbb: {  	s0 =	sor.u32 s1, s0  }
0xbc: {  	s0 =	sadd.s32 $0x8F2B, s0  }
0xbd: {  	[sflag:s0] =	ssyncadd.remote.s32 $0x1  }
0xbe: {  	_ =	sfence.sel $0xFFFF  }
0xbf: {  	[dreg:$0x0] =	wrdreg $0xFFFFFFFF;
	(pc) =	sbr.abs _section_cstart, $3  }
0xc0: {  	[dreg:$0x1] =	wrdreg $0xFFFFFFFF  }
0xc1: {  	_ =	task.clear_ibuf [dreg:s7], $0x2FFFF;
	_ =	strace $0x9FFFFFFF  }
0xc2: {  	(tm) =	ssettm $0x7FFFFFFF  }
0xc3: {  	_ =	shalt  }
tec
execute0_lowered:
.L_overlay_start_1:
0x0: {  	(tag) =	ssettag $0x1  }
0x1: {  	s4 =	rddreg [dreg:$0x0]  }
0x2: {  	s1 =	rddreg [dreg:$0x1]  }
0x3: {  	s0 =	rddreg [dreg:$0x2];
	s2 =	simm.s32 $0x0  }
0x4: {  	s3 =	srdreg.scid;
	s31 =	simm.s32 $0x80;
	s9 =	simm.s32 $0x4  }
0x5: {  	s10 =	simm.s32 $0x0;
	[smem:$0x7FF] =	sst s2;
	s5 =	sand.u32 $0x1, s3  }
0x6: {  	s6 =	sadd.s32 $0x2C00, s4;
	s3 =	stileid.u32;
	s4 =	sadd.s32 $0x2AC00, s4  }
0x7: {  	_ =	strace $0x80000047;
	s7 =	sshll.u32 s5, $0x4;
	s5 =	ssub.s32 $0x2, s5  }
0x8: {  	[dreg:$0x3] =	wrdreg s6;
	s29 =	sor.u32 s3, s7;
	s30 =	sshrl.u32 s5, $0x1  }
0x9: {  	[dreg:$0x5] =	wrdreg s4;
	s8 =	smul.u32 $0x120, s29;
	s7 =	ssub.s32 s5, s30  }
0xa: {  	[dreg:$0x4] =	wrdreg s31;
	s4 =	smul.u32 $0x12, s29;
	s6 =	smax.u32 s7, $0x1  }
0xb: {  	s7 =	simm.s32 $0x1;
	s5 =	sadd.s32 s1, s8;
	s8 =	simm.s32 $0x5  }
.LBB2_1:
0xc: {  	_ =	strace $0x80000048;
	s11 =	simm.s32 $0x1;
	p0 =	por $0x0, $0x0  }
0xd: {  	[tilespmem:s2], [sflag:$0x1] =	stream.linear.gather [hbm4b:s5+s2], $0x80, $0x200038;
	[tilespmem:$0x4100] =	vst v63  }
0xe: {  	s11 =	simm.s32 @p0 $0x0  }
0xf: {  	p4 =	por $0x1, $0x1;
	s20 =	sand.u32 $0x1, s2;
	p1 =	sne.s32 s11, $0x0  }
0x10: {  	p2 =	por $0x1, $0x1;
	s18 =	simm.s32 $0x10;
	p0 =	por !p4, !p1  }
0x11: {  	s16 =	simm.s32 $0x0;
	p5 =	por $0x0, $0x0;
	p0 =	por !p0, !p0  }
0x12: {  	s23 =	sadd.s32 $0x0, s4;
	s30 =	sadd.s32 $0x1, s20;
	s12 =	sadd.s32 @p0 s4, s11  }
0x13: {  	_ =	strace $0x90000048;
	s13 =	sand.u32 @p0 $0x1, s7;
	s12 =	sshll.u32 @p0 s12, $0x4  }
0x14: {  	_ =	strace @p0 $0x80000049;
	s15 =	simm.s32 @p0 $0x0;
	s12 =	sand.u32 @p0 $0x1FFFFFF0, s12  }
0x15: {  	s14 =	sshll.u32 @p0 s13, $0x7;
	s13 =	sadd.s32 @p0 $0x1, s13;
	s12 =	sadd.s32 @p0 s1, s12  }
0x16: {  	[tilespmem:s14], [sflag:s13] =	stream.linear.gather @p0 [hbm4b:s12+s15], $0x80, $0x200038;
	[tilespmem:$0x4100] =	vst v63  }
0x17: {  	p3 =	por p2, p2;
	s21 =	sshll.u32 s20, $0xD;
	_ =	strace @p0 $0x90000049  }
0x18: {  	s16 =	sand.u32 $0x80, s16;
	p2 =	por p5, p5;
	_ =	strace $0x8000004A  }
0x19: {  	s17 =	sadd.s32 $0x1, s11;
	s22 =	sor.u32 $0x100, s21;
	_ =	swait.ge [sflag:s30], $0x80  }
0x1a: {  	s21 =	simm.s32 $0x1;
	p6 =	por p1, p1;
	[sflag:s30] =	ssyncset.done $0x0  }
0x1b: {  	p1 =	por p3, p3;
	p4 =	por $0x1, $0x1;
	[sflag:s30] =	ssyncadd.s32 $0xFFFFFF80  }
0x1c: {  	s12 =	simm.s32 $0x11;
	s15 =	sand.u32 @!p3 $0x1, s2;
	_ =	strace $0x9000004A  }
0x1d: {  	s13 =	simm.s32 $0x1;
	p3 =	seq.s32 s17, $0x12;
	_ =	strace $0x8000004B  }
0x1e: {  	s13 =	simm.s32 @!p0 $0x0;
	s17 =	simm.s32 @p3 $0x0;
	s19 =	rddreg [dreg:$0x4]  }
0x1f: {  	p0 =	por $0x0, $0x0;
	s14 =	sadd.s32 $0x1, s13;
	s31 =	rddreg [dreg:$0x3]  }
0x20: {  	[tilespmem:s22], [sflag:$0x5] =	stream.indirect.gather [hbm4b:s31+s19], $0x40, s16, s19, $0x2000b8;
	[tilespmem:$0x4100] =	vst v63  }
0x21: {  	p3 =	sne.s32 s11, s17;
	s21 =	simm.s32 @!p0 $0x0;
	_ =	swait.ge [sflag:s8], $0x2000  }
0x22: {  	p5 =	por !p4, !p3;
	p4 =	por $0x0, $0x0;
	[sflag:s8] =	ssyncset.done $0x0  }
0x23: {  	s13 =	simm.s32 $0x0;
	p6 =	por p4, p6;
	[sflag:s8] =	ssyncadd.s32 $0xFFFFE000  }
0x24: {  	s16 =	simm.s32 $0x0;
	s19 =	simm.s32 $0x0;
	_ =	strace $0x9000004B  }
.LBB2_2:
0x25: {  	_ =	strace @p6 $0x8000004C;
	s13 =	sadd.s32 s21, s13;
	s21 =	smov.u32 s12  }
0x26: {  	s12 =	smov.u32 s18;
	s18 =	sadd.s32 $0xFFFFFFFF, s18;
	p0 =	por p3, p3  }
0x27: {  	s28 =	sshll.u32 @p6 s23, $0xA;
	s20 =	sadd.s32 @p6 $0x3, s20;
	s24 =	simm.s32 @!p0 $0x0  }
0x28: {  	s25 =	rddreg [dreg:$0x5];
	s28 =	sand.u32 @p6 $0x1FFFFC00, s28;
	s24 =	simm.s32 @p0 $0x1  }
0x29: {  	s25 =	sadd.s32 @p6 s25, s28;
	s28 =	simm.s32 @p6 $0x0;
	p0 =	sne.s32 s18, $0x0  }
0x2a: {  	[hbm4b:s25+s28] =	stream.linear.scatter @p6 [tilespmem:s22], [sflag:s20], $0x2000, $0x200038;
	[tilespmem:$0x4100] =	vst v63  }
0x2b: {  	s20 =	sadd.s32 @!p1 $0x3, s15;
	s15 =	simm.s32 @!p0 $0x0  }
0x2c: {  	s26 =	simm.s32 $0x1;
	[smem:$0x7FC] =	sst s24;
	s15 =	simm.s32 @p0 $0x1  }
0x2d: {  	s26 =	simm.s32 @!p6 $0x0;
	_ =	strace @p6 $0x9000004C;
	[smem:$0x7FD] =	sst s15  }
0x2e: {  	p5 =	por !p5, !p5;
	s19 =	sadd.s32 s26, s19;
	_ =	strace @!p1 $0x8000004D  }
0x2f: {  	s24 =	sand.u32 @!p2 $0x1, s13;
	s22 =	sand.u32 @p5 $0x1, s14;
	_ =	swait.ge @!p1 [sflag:s20], $0x2000  }
0x30: {  	s15 =	smov.u32 s24;
	s24 =	sadd.s32 @p5 s4, s17;
	[sflag:s20] =	ssyncset.done @!p1 $0x0  }
0x31: {  	s25 =	sshll.u32 @p5 s22, $0x7;
	s24 =	sshll.u32 @p5 s24, $0x4;
	[sflag:s20] =	ssyncadd.s32 @!p1 $0xFFFFE000  }
0x32: {  	s20 =	sadd.s32 @p5 $0x1, s22;
	s22 =	sand.u32 @p5 $0x1FFFFFF0, s24;
	_ =	strace @!p1 $0x9000004D  }
0x33: {  	s24 =	simm.s32 @p5 $0x0;
	s22 =	sadd.s32 @p5 s1, s22;
	_ =	strace @p5 $0x80000049  }
0x34: {  	[tilespmem:s25], [sflag:s20] =	stream.linear.gather @p5 [hbm4b:s22+s24], $0x80, $0x200038;
	[tilespmem:$0x4100] =	vst v63  }
0x35: {  	s16 =	sadd.s32 s26, s16;
	s26 =	sand.u32 $0x1, s19;
	_ =	strace @p5 $0x90000049  }
0x36: {  	s24 =	sadd.s32 $0x1, s26;
	_ =	strace $0x8000004A  }
0x37: {  	_ =	swait.ge [sflag:s24], $0x80  }
0x38: {  	[sflag:s24] =	ssyncset.done $0x0  }
0x39: {  	s20 =	simm.s32 $0x1;
	[sflag:s24] =	ssyncadd.s32 $0xFFFFFF80  }
0x3a: {  	s20 =	simm.s32 @!p5 $0x0;
	_ =	strace $0x9000004A  }
0x3b: {  	s14 =	sadd.s32 s20, s14;
	s20 =	sand.u32 $0x1, s16;
	_ =	strace $0x8000004B  }
0x3c: {  	s29 =	sshll.u32 s19, $0x7;
	s25 =	sshll.u32 s20, $0xD;
	s26 =	rddreg [dreg:$0x4]  }
0x3d: {  	s29 =	sand.u32 $0x80, s29;
	s22 =	sor.u32 $0x100, s25;
	s30 =	rddreg [dreg:$0x3]  }
0x3e: {  	[tilespmem:s22], [sflag:$0x5] =	stream.indirect.gather [hbm4b:s30+s26], $0x40, s29, s26, $0x2000b8;
	[tilespmem:$0x4100] =	vst v63  }
0x3f: {  	_ =	swait.ge [sflag:s8], $0x2000  }
0x40: {  	s31 =	sadd.s32 $0x1, s17;
	[sflag:s8] =	ssyncset.done $0x0  }
0x41: {  	s23 =	sadd.s32 s4, s11;
	s11 =	smov.u32 s17;
	[sflag:s8] =	ssyncadd.s32 $0xFFFFE000  }
0x42: {  	p3 =	seq.s32 s31, $0x12;
	s17 =	smov.u32 s31;
	_ =	strace $0x9000004B  }
0x43: {  	s17 =	simm.s32 @p3 $0x0;
	s31 =	sld [smem:$0x7FD]  }
0x44: {  	p6 =	sne.s32 s12, $0x1;
	p0 =	sne.s32 s21, $0x12;
	p3 =	sne.s32 s11, s17  }
0x45: {  	p5 =	por !p6, !p3;
	p6 =	seq.s32 s21, $0x1;
	s21 =	simm.s32 $0x1  }
0x46: {  	s21 =	simm.s32 @!p0 $0x0;
	p0 =	seq.s32 s31, $0x1  }
.Ltmp0:
0x47: {  	s30 =	sld [smem:$0x7FC];
	(pc) =	sbr.rel @p0 .LBB2_2-.Ltmp0, $4  }
0x48: {  	_ = 	snop  }
0x49: {  	p4 =	seq.s32 s12, $0x12  }
0x4a: {  	p1 =	por p2, p2;
	p2 =	por p4, p4;
	p4 =	seq.s32 s30, $0x1  }
0x4b: {  	p6 =	por p6, p4  }
0x4c: {  	_ =	strace @p6 $0x8000004C;
	s23 =	sshll.u32 @p6 s23, $0xA  }
0x4d: {  	s18 =	rddreg [dreg:$0x5];
	s23 =	sand.u32 @p6 $0x1FFFFC00, s23  }
0x4e: {  	s20 =	sadd.s32 @p6 $0x3, s20;
	s18 =	sadd.s32 @p6 s18, s23;
	s23 =	simm.s32 @p6 $0x0  }
0x4f: {  	[hbm4b:s18+s23] =	stream.linear.scatter @p6 [tilespmem:s22], [sflag:s20], $0x2000, $0x200038;
	[tilespmem:$0x4100] =	vst v63  }
0x50: {  	p0 =	por !p5, !p5;
	_ =	strace @p6 $0x9000004C  }
0x51: {  	s15 =	sadd.s32 @!p1 $0x3, s15;
	s17 =	sadd.s32 @p0 s4, s17;
	_ =	strace @!p1 $0x8000004D  }
0x52: {  	s14 =	sand.u32 @p0 $0x1, s14;
	s17 =	sshll.u32 @p0 s17, $0x4;
	_ =	swait.ge @!p1 [sflag:s15], $0x2000  }
0x53: {  	s18 =	simm.s32 $0x1;
	s20 =	sshll.u32 @p0 s14, $0x7;
	[sflag:s15] =	ssyncset.done @!p1 $0x0  }
0x54: {  	s14 =	sadd.s32 @p0 $0x1, s14;
	s18 =	simm.s32 @!p6 $0x0;
	[sflag:s15] =	ssyncadd.s32 @!p1 $0xFFFFE000  }
0x55: {  	s19 =	sadd.s32 s18, s19;
	s15 =	sand.u32 @p0 $0x1FFFFFF0, s17;
	_ =	strace @!p1 $0x9000004D  }
0x56: {  	s17 =	simm.s32 @p0 $0x0;
	s15 =	sadd.s32 @p0 s1, s15;
	_ =	strace @p0 $0x80000049  }
0x57: {  	[tilespmem:s20], [sflag:s14] =	stream.linear.gather @p0 [hbm4b:s15+s17], $0x80, $0x200038;
	[tilespmem:$0x4100] =	vst v63  }
0x58: {  	s25 =	sand.u32 $0x1, s19;
	_ =	strace @p0 $0x90000049  }
0x59: {  	s14 =	sadd.s32 $0x1, s25;
	_ =	strace $0x8000004A  }
0x5a: {  	_ =	swait.ge [sflag:s14], $0x80  }
0x5b: {  	[sflag:s14] =	ssyncset.done $0x0  }
0x5c: {  	[sflag:s14] =	ssyncadd.s32 $0xFFFFFF80  }
0x5d: {  	s26 =	sadd.s32 s18, s16;
	_ =	strace $0x9000004A  }
0x5e: {  	s14 =	sand.u32 $0x1, s26;
	_ =	strace $0x8000004B  }
0x5f: {  	s30 =	sshll.u32 s19, $0x7;
	s31 =	sshll.u32 s14, $0xD;
	s28 =	rddreg [dreg:$0x4]  }
0x60: {  	s17 =	sand.u32 $0x80, s30;
	s18 =	sor.u32 $0x100, s31;
	s29 =	rddreg [dreg:$0x3]  }
0x61: {  	[tilespmem:s18], [sflag:$0x5] =	stream.indirect.gather [hbm4b:s29+s28], $0x40, s17, s28, $0x2000b8;
	[tilespmem:$0x4100] =	vst v63  }
0x62: {  	_ =	swait.ge [sflag:s8], $0x2000  }
0x63: {  	[sflag:s8] =	ssyncset.done $0x0  }
0x64: {  	p5 =	por p3, p3;
	p6 =	seq.s32 s12, $0x1;
	[sflag:s8] =	ssyncadd.s32 $0xFFFFE000  }
0x65: {  	s11 =	sadd.s32 s4, s11;
	p0 =	por p6, p5;
	_ =	strace $0x9000004B  }
0x66: {  	s11 =	sshll.u32 @p0 s11, $0xA;
	_ =	strace @p0 $0x8000004C  }
0x67: {  	s13 =	sadd.s32 s21, s13;
	s11 =	sand.u32 @p0 $0x1FFFFC00, s11;
	s12 =	rddreg [dreg:$0x5]  }
0x68: {  	s14 =	sadd.s32 @p0 $0x3, s14;
	s11 =	sadd.s32 @p0 s12, s11;
	s12 =	simm.s32 @p0 $0x0  }
0x69: {  	[hbm4b:s11+s12] =	stream.linear.scatter @p0 [tilespmem:s18], [sflag:s14], $0x2000, $0x200038;
	[tilespmem:$0x4100] =	vst v63  }
0x6a: {  	p1 =	por p2, p2;
	s11 =	sand.u32 @!p2 $0x1, s13;
	_ =	strace @p0 $0x9000004C  }
0x6b: {  	s11 =	sadd.s32 @!p1 $0x3, s11;
	_ =	strace @!p1 $0x8000004D  }
0x6c: {  	_ =	swait.ge @!p1 [sflag:s11], $0x2000  }
0x6d: {  	[sflag:s11] =	ssyncset.done @!p1 $0x0  }
0x6e: {  	s10 =	sadd.s32 $0x1, s10;
	[sflag:s11] =	ssyncadd.s32 @!p1 $0xFFFFE000  }
0x6f: {  	p0 =	sne.s32 s10, s6;
	_ =	strace @!p1 $0x9000004D  }
.Ltmp1:
0x70: {  	_ =	strace $0x8000004E;
	(pc) =	sbr.rel @p0 .LBB2_1-.Ltmp1, $4  }
0x71: {  	_ =	swait.ge [sflag:s9], $0x2000  }
0x72: {  	[sflag:s9] =	ssyncset.done $0x0  }
0x73: {  	[sflag:s9] =	ssyncadd.s32 $0xFFFFE000  }
0x74: {  	_ =	strace $0x9000004E  }
0x75: {  	_ =	sfence.sel $0x180000  }
0x76: {  	[bflag:$0x0] =	sbarrier.arrive $0xFFFF  }
0x77: {  	p0 =	sne.s32 s3, $0x0;
	_ =	strace $0x90000047  }
0x78: {  	s0 =	sadd.s32 @!p0 $0x100000, s0;
	[bflag:$0x2] =	sbarrier.arrive $0xFFFF  }
0x79: {  	[sflag:s0] =	ssyncadd.tile.s32 @!p0 $0x1;
	_ =	shalt  }
.Lfunc_end2:
_tile_overlayer_lowered:
.L_overlay_start_2:
0x7a: {  	(tag) =	ssettag $0x2  }
0x7b: {  	s0 =	rddreg [dreg:$0x0];
	s2 =	stileid.u32  }
0x7c: {  	s1 =	rddreg [dreg:$0x1];
	p0 =	sne.s32 s2, $0x0  }
0x7d: {  	s3 =	rddreg [dreg:$0x2];
	[bflag:$0x3] =	sbarrier.arrive $0xFFFF;
	s2 =	simm.s32 @!p0 $0x1C01  }
0x7e: {  	[timem:s3], [sflag:s2] =	dma.local @!p0 [hbm:s0], s1  }
0x7f: {  	s0 =	simm.s32 @!p0 $0x1  }
0x80: {  	_ =	swait.ge @!p0 [sflag:s0], s1  }
0x81: {  	s1 =	ssub.s32 @!p0 $0x0, s1;
	[sflag:s0] =	ssyncset.done @!p0 $0x0  }
0x82: {  	[sflag:s0] =	ssyncadd.s32 @!p0 s1  }
0x83: {  	[bflag:$0x3] =	sbarrier.arrive $0xFFFF  }
0x84: {  	_ =	shalt  }

</sc_bundles>
